<compile_context>
chip_gen: v7x
topology: tpu7x:2x2x1
jax: 0.10.2.dev20260603
libtpu: 0.0.44.dev20260713+nightly
codegen_flags: <defaults>
</compile_context>

<pallas_src>
import functools

import jax
import jax.numpy as jnp
from jax import lax
from jax.experimental import pallas as pl
from jax.experimental.pallas import tpu as pltpu
from jax.experimental.pallas import tpu_sc as plsc

_N = 1024
_K = 64
_DIM = 128
_L = 2
_NREL = 32

_NC, _NS = 2, 16
_NW = _NC * _NS
_R = 2 * _N * _K * 2 * _L
_PW = _R // _NW
_CH = 128
_NCHUNK = _PW // _CH

_BP = 64
_RB = _BP * _K


def _sc_gather(table, idx):
    mesh = plsc.VectorSubcoreMesh(
        core_axis_name="c", subcore_axis_name="s",
        num_cores=_NC, num_subcores=_NS)

    @functools.partial(
        pl.kernel,
        out_type=jax.ShapeDtypeStruct((_R, _DIM), jnp.float32),
        mesh=mesh,
        scratch_types=[
            pltpu.VMEM((4, _CH), jnp.int32),
            pltpu.VMEM((_CH, _DIM), jnp.float32),
            pltpu.VMEM((_CH, _DIM), jnp.float32),
            pltpu.VMEM((_CH, _DIM), jnp.float32),
            pltpu.VMEM((_CH, _DIM), jnp.float32),
            pltpu.SemaphoreType.DMA,
            pltpu.SemaphoreType.DMA,
            pltpu.SemaphoreType.DMA,
            pltpu.SemaphoreType.DMA,
            pltpu.SemaphoreType.DMA,
            pltpu.SemaphoreType.DMA,
            pltpu.SemaphoreType.DMA,
            pltpu.SemaphoreType.DMA,
            pltpu.SemaphoreType.DMA,
            pltpu.SemaphoreType.DMA,
            pltpu.SemaphoreType.DMA,
            pltpu.SemaphoreType.DMA,
        ],
    )
    def k(table_hbm, idx_hbm, out_hbm, idx_v, r0, r1, r2, r3,
          is0, is1, is2, is3, gs0, gs1, gs2, gs3, ss0, ss1, ss2, ss3):
        wid = lax.axis_index("s") * _NC + lax.axis_index("c")
        base = wid * _PW
        rows = (r0, r1, r2, r3)
        isem = (is0, is1, is2, is3)
        gsem = (gs0, gs1, gs2, gs3)
        ssem = (ss0, ss1, ss2, ss3)

        def istart(i, b):
            pltpu.async_copy(idx_hbm.at[pl.ds(base + i * _CH, _CH)],
                             idx_v.at[b], isem[b])

        def iwait(i, b):
            pltpu.make_async_copy(idx_hbm.at[pl.ds(base + i * _CH, _CH)],
                                  idx_v.at[b], isem[b]).wait()

        def gstart(b):
            pltpu.async_copy(table_hbm.at[idx_v.at[b]], rows[b], gsem[b])

        def gwait(b):
            pltpu.make_async_copy(table_hbm.at[idx_v.at[b]], rows[b],
                                  gsem[b]).wait()

        def sstart(i, b):
            pltpu.async_copy(rows[b],
                             out_hbm.at[pl.ds(base + i * _CH, _CH)], ssem[b])

        def swait(i, b):
            pltpu.make_async_copy(rows[b],
                                  out_hbm.at[pl.ds(base + i * _CH, _CH)],
                                  ssem[b]).wait()

        istart(0, 0)
        istart(1, 1)
        iwait(0, 0)
        gstart(0)
        istart(2, 2)
        iwait(1, 1)
        gstart(1)
        istart(3, 3)
        iwait(2, 2)
        gstart(2)
        gwait(0)
        sstart(0, 0)
        istart(4, 0)
        iwait(3, 3)
        gstart(3)
        gwait(1)
        sstart(1, 1)
        istart(5, 1)

        def quad(j, carry):
            i0 = 4 * j
            for b in range(4):
                i = i0 + b
                pb = (b + 2) % 4
                swait(i - 4, b)
                iwait(i, b)
                gstart(b)
                gwait(pb)
                sstart(i - 2, pb)
                istart(i + 2, pb)
            return carry

        lax.fori_loop(1, _NCHUNK // 4 - 1, quad, 0)

        for i in range(_NCHUNK - 4, _NCHUNK):
            b = i % 4
            pb = (b + 2) % 4
            swait(i - 4, b)
            iwait(i, b)
            gstart(b)
            gwait(pb)
            sstart(i - 2, pb)
            if i + 2 < _NCHUNK:
                istart(i + 2, pb)
        gwait((_NCHUNK - 2) % 4)
        sstart(_NCHUNK - 2, (_NCHUNK - 2) % 4)
        gwait((_NCHUNK - 1) % 4)
        sstart(_NCHUNK - 1, (_NCHUNK - 1) % 4)
        for i in range(_NCHUNK - 4, _NCHUNK):
            swait(i, i % 4)

    return k(table, idx)


_NE = 2 * _N * _K
_EPW = _NE // _NW
_ECH = _NE // _NW // _CH


def _sc_entity_mean(table, idx):
    mesh = plsc.VectorSubcoreMesh(
        core_axis_name="c", subcore_axis_name="s",
        num_cores=_NC, num_subcores=_NS)

    @functools.partial(
        pl.kernel,
        out_type=jax.ShapeDtypeStruct((_NE // _K, _DIM), jnp.float32),
        mesh=mesh,
        scratch_types=[
            pltpu.VMEM((2, _CH), jnp.int32),
            pltpu.VMEM((_CH, _DIM), jnp.float32),
            pltpu.VMEM((_CH, _DIM), jnp.float32),
            pltpu.VMEM((2 * _ECH, _DIM), jnp.float32),
            pltpu.SemaphoreType.DMA,
            pltpu.SemaphoreType.DMA,
            pltpu.SemaphoreType.DMA,
            pltpu.SemaphoreType.DMA,
        ],
    )
    def k(table_hbm, idx_hbm, out_hbm, idx_v, r0, r1, out_v,
          is0, is1, gs0, gs1):
        wid = lax.axis_index("s") * _NC + lax.axis_index("c")
        base = wid * _EPW
        rows = (r0, r1)
        isem = (is0, is1)
        gsem = (gs0, gs1)

        def istart(i, b):
            pltpu.async_copy(idx_hbm.at[pl.ds(base + i * _CH, _CH)],
                             idx_v.at[b], isem[b])

        def iwait(i, b):
            pltpu.make_async_copy(idx_hbm.at[pl.ds(base + i * _CH, _CH)],
                                  idx_v.at[b], isem[b]).wait()

        def gstart(b):
            pltpu.async_copy(table_hbm.at[idx_v.at[b]], rows[b], gsem[b])

        def gwait(b):
            pltpu.make_async_copy(table_hbm.at[idx_v.at[b]], rows[b],
                                  gsem[b]).wait()

        def accum(b, orow):
            for g2 in range(2):
                def body(r, acc):
                    return tuple(
                        acc[c] + rows[b][g2 * _K + r, pl.ds(16 * c, 16)]
                        for c in range(8))
                acc = lax.fori_loop(
                    0, _K, body,
                    tuple(jnp.zeros((16,), jnp.float32) for _ in range(8)))
                for c in range(8):
                    out_v[orow + g2, pl.ds(16 * c, 16)] = acc[c] * (1.0 / _K)

        istart(0, 0)
        istart(1, 1)
        iwait(0, 0)
        gstart(0)

        def pair(j, carry):
            i0 = 2 * j
            i1 = i0 + 1
            iwait(i1, 1)
            gstart(1)
            gwait(0)

            @pl.when(j < _ECH // 2 - 1)
            def _pre0():
                istart(i0 + 2, 0)

            accum(0, 2 * i0)

            @pl.when(j < _ECH // 2 - 1)
            def _go0():
                iwait(i0 + 2, 0)
                gstart(0)

            gwait(1)

            @pl.when(j < _ECH // 2 - 1)
            def _pre1():
                istart(i1 + 2, 1)

            accum(1, 2 * i1)
            return carry

        lax.fori_loop(0, _ECH // 2, pair, 0)
        pltpu.sync_copy(out_v, out_hbm.at[pl.ds(wid * 2 * _ECH, 2 * _ECH)])

    return k(table, idx)


def _attn_block(h_ref, t_ref, rel_ref, re_ref, w1_ref, b1_ref, w2_ref, b2_ref,
                w3_ref, b3_ref, out_ref):
    f32 = jnp.float32
    h = h_ref[0]
    t = t_ref[0]
    relv = rel_ref[0]
    w1a = w1_ref[0:_DIM, :]
    w1b = w1_ref[_DIM:2 * _DIM, :]
    rt = jnp.dot(re_ref[...], w1b, preferred_element_type=f32)
    cls = jax.lax.broadcasted_iota(jnp.int32, (_NREL, _RB), 0)
    oht = jnp.where(relv == cls, 1.0, 0.0)
    rb = jax.lax.dot_general(oht, rt, (((0,), (0,)), ((), ())),
                             preferred_element_type=f32)
    y1 = jnp.dot(h, w1a, preferred_element_type=f32) + rb + b1_ref[...]
    y1 = jnp.maximum(y1, 0.0)
    y2 = jnp.maximum(jnp.dot(y1, w2_ref[...], preferred_element_type=f32)
                     + b2_ref[...], 0.0)
    s = jax.nn.sigmoid(jnp.dot(y2, w3_ref[...], preferred_element_type=f32)
                       + b3_ref[...])
    e = jnp.exp(s[:, 0:1])
    num = jnp.sum((e * t).reshape(_BP, _K, _DIM), axis=1)
    den = jnp.sum(e.reshape(_BP, _K, 1), axis=1)
    out_ref[0] = num / den


def _agg_block(emu_ref, pu0_ref, pu1_ref, emi_ref, pi0_ref, pi1_ref,
               wagg_ref, bagg_ref, out_ref):
    f32 = jnp.float32
    wg0 = wagg_ref[0:_DIM, :]
    wg1 = wagg_ref[_DIM:2 * _DIM, :]
    wg2 = wagg_ref[2 * _DIM:3 * _DIM, :]
    b = bagg_ref[...]
    ue = jax.nn.sigmoid(
        jnp.dot(emu_ref[...], wg0, preferred_element_type=f32)
        + jnp.dot(pu0_ref[...], wg1, preferred_element_type=f32)
        + jnp.dot(pu1_ref[...], wg2, preferred_element_type=f32) + b)
    ie = jax.nn.sigmoid(
        jnp.dot(emi_ref[...], wg0, preferred_element_type=f32)
        + jnp.dot(pi0_ref[...], wg1, preferred_element_type=f32)
        + jnp.dot(pi1_ref[...], wg2, preferred_element_type=f32) + b)
    out_ref[...] = jax.nn.sigmoid(jnp.sum(ue * ie, axis=1, keepdims=True))


def kernel(u_entity, u_heads, u_relations, u_tails,
           i_entity, i_heads, i_relations, i_tails,
           entity_emb, rel_emb, W1, b1, W2, b2, W3, b3, Wagg, bagg):
    f32 = jnp.float32
    i32 = jnp.int32
    nhead_rows = 2 * _L * _N * _K

    idx_ent = jnp.concatenate([
        u_entity.reshape(-1), i_entity.reshape(-1)]).astype(i32)
    idx = jnp.concatenate([
        u_heads.reshape(-1), i_heads.reshape(-1),
        u_tails.reshape(-1), i_tails.reshape(-1)]).astype(i32)

    means = _sc_entity_mean(entity_emb, idx_ent)
    g = _sc_gather(entity_emb, idx)

    head_rows = g[:nhead_rows].reshape(-1, _RB, _DIM)
    tail_rows = g[nhead_rows:].reshape(-1, _RB, _DIM)

    rel = jnp.concatenate([u_relations, i_relations], axis=0)
    rel = rel.reshape(-1, 1, _RB).astype(i32)

    w3p = jnp.pad(W3, ((0, 0), (0, _DIM - 1)))
    b3p = jnp.pad(b3.reshape(1, 1), ((0, 0), (0, _DIM - 1)))
    nblk = head_rows.shape[0]

    pooled = pl.pallas_call(
        _attn_block,
        grid=(nblk,),
        in_specs=[
            pl.BlockSpec((1, _RB, _DIM), lambda i: (i, 0, 0)),
            pl.BlockSpec((1, _RB, _DIM), lambda i: (i, 0, 0)),
            pl.BlockSpec((1, 1, _RB), lambda i: (i, 0, 0)),
            pl.BlockSpec((_NREL, _DIM), lambda i: (0, 0)),
            pl.BlockSpec((2 * _DIM, _DIM), lambda i: (0, 0)),
            pl.BlockSpec((1, _DIM), lambda i: (0, 0)),
            pl.BlockSpec((_DIM, _DIM), lambda i: (0, 0)),
            pl.BlockSpec((1, _DIM), lambda i: (0, 0)),
            pl.BlockSpec((_DIM, _DIM), lambda i: (0, 0)),
            pl.BlockSpec((1, _DIM), lambda i: (0, 0)),
        ],
        out_specs=pl.BlockSpec((1, _BP, _DIM), lambda i: (i, 0, 0)),
        out_shape=jax.ShapeDtypeStruct((nblk, _BP, _DIM), f32),
    )(head_rows, tail_rows, rel, rel_emb, W1, b1.reshape(1, _DIM), W2,
      b2.reshape(1, _DIM), w3p, b3p)

    means = means.reshape(2, _N, _DIM)
    pooled = pooled.reshape(2 * _L, _N, _DIM)

    out = pl.pallas_call(
        _agg_block,
        in_specs=[pl.BlockSpec((_N, _DIM), lambda: (0, 0))] * 6
        + [pl.BlockSpec(((_L + 1) * _DIM, _DIM), lambda: (0, 0)),
           pl.BlockSpec((1, _DIM), lambda: (0, 0))],
        out_specs=pl.BlockSpec((_N, 1), lambda: (0, 0)),
        out_shape=jax.ShapeDtypeStruct((_N, 1), f32),
    )(means[0], pooled[0], pooled[1], means[1], pooled[2], pooled[3],
      Wagg, bagg.reshape(1, _DIM))

    return out.reshape(_N)

# --- scband reference (transcript-rebuilt; emitter-appended) ---
"""Pipeline reference for scband-ckan-18004502905361 (READ-ONLY COPY).

The authoritative reference and input builder live on the scoring server;
editing this copy changes nothing except your own understanding.
"""

import jax, jax.numpy as jnp
import numpy as np

N_ENT = 100000
N_REL = 32
DIM = 128
L = 2
N = 1024
K = 64


def setup_inputs(seed: int = 0) -> dict:
    key = jax.random.key(seed)
    ks = jax.random.split(key, 20)
    inp = {}
    inp["u_entity"] = jax.random.randint(ks[0], (N, K), 0, N_ENT)
    inp["u_heads"] = jax.random.randint(ks[1], (L, N, K), 0, N_ENT)
    inp["u_relations"] = jax.random.randint(ks[2], (L, N, K), 0, N_REL)
    inp["u_tails"] = jax.random.randint(ks[3], (L, N, K), 0, N_ENT)
    inp["i_entity"] = jax.random.randint(ks[4], (N, K), 0, N_ENT)
    inp["i_heads"] = jax.random.randint(ks[5], (L, N, K), 0, N_ENT)
    inp["i_relations"] = jax.random.randint(ks[6], (L, N, K), 0, N_REL)
    inp["i_tails"] = jax.random.randint(ks[7], (L, N, K), 0, N_ENT)
    be = float(np.sqrt(6.0 / (N_ENT + DIM)))
    br = float(np.sqrt(6.0 / (N_REL + DIM)))
    inp["entity_emb"] = jax.random.uniform(ks[8], (N_ENT, DIM), minval=-be, maxval=be, dtype=jnp.float32)
    inp["rel_emb"] = jax.random.uniform(ks[9], (N_REL, DIM), minval=-br, maxval=br, dtype=jnp.float32)
    inp["W1"] = jax.random.normal(ks[10], (2 * DIM, DIM), dtype=jnp.float32) * 0.05
    inp["b1"] = jnp.zeros((DIM,), dtype=jnp.float32)
    inp["W2"] = jax.random.normal(ks[11], (DIM, DIM), dtype=jnp.float32) * 0.05
    inp["b2"] = jnp.zeros((DIM,), dtype=jnp.float32)
    inp["W3"] = jax.random.normal(ks[12], (DIM, 1), dtype=jnp.float32) * 0.05
    inp["b3"] = jnp.zeros((1,), dtype=jnp.float32)
    inp["Wagg"] = jax.random.normal(ks[13], ((L + 1) * DIM, DIM), dtype=jnp.float32) * 0.05
    inp["bagg"] = jnp.zeros((DIM,), dtype=jnp.float32)
    return inp


def _dnn(x, W1, b1, W2, b2, W3, b3):
    y = jax.nn.relu(x @ W1 + b1)
    y = jax.nn.relu(y @ W2 + b2)
    return jax.nn.sigmoid(y @ W3 + b3)


def _side_embedding(entity, heads, relations, tails, entity_emb, rel_emb, W1, b1, W2, b2, W3, b3, Wagg, bagg):
    e_list = [jnp.take(entity_emb, entity, axis=0).mean(axis=1)]
    for l in range(L):
        h = jnp.take(entity_emb, heads[l].reshape(-1), axis=0)
        r = jnp.take(rel_emb, relations[l].reshape(-1), axis=0)
        tl = jnp.take(entity_emb, tails[l].reshape(-1), axis=0).reshape(N, K, DIM)
        pi = _dnn(jnp.concatenate([h, r], axis=1), W1, b1, W2, b2, W3, b3)
        pi = jax.nn.softmax(pi.reshape(N, K, 1), axis=1)
        e_list.append((pi * tl).sum(axis=1))
    emb = jnp.concatenate(e_list, axis=1)
    return jax.nn.sigmoid(emb @ Wagg + bagg)


def reference(u_entity, u_heads, u_relations, u_tails, i_entity, i_heads, i_relations, i_tails, entity_emb, rel_emb, W1, b1, W2, b2, W3, b3, Wagg, bagg):
    ue = _side_embedding(u_entity, u_heads, u_relations, u_tails, entity_emb, rel_emb, W1, b1, W2, b2, W3, b3, Wagg, bagg)
    ie = _side_embedding(i_entity, i_heads, i_relations, i_tails, entity_emb, rel_emb, W1, b1, W2, b2, W3, b3, Wagg, bagg)
    return jax.nn.sigmoid((ue * ie).sum(axis=1))

if __name__ == "__main__":
    import jax
    _d = setup_inputs()
    print(jax.jit(kernel)(*tuple(_d.values())))

</pallas_src>

<mosaic_0001>
#map = affine_map<(d0, d1) -> (0, 0)>
#map1 = affine_map<(d0, d1) -> (0)>
module attributes {stable_mosaic.version = 14 : i64} {
  func.func @k(%arg0: i32, %arg1: i32, %arg2: memref<100000x128xf32, #tpu.memory_space<hbm>>, %arg3: memref<524288xi32, #tpu.memory_space<hbm>>, %arg4: memref<524288x128xf32, #tpu.memory_space<hbm>>, %arg5: memref<4x128xi32, #tpu.memory_space<vmem>>, %arg6: memref<128x128xf32, #tpu.memory_space<vmem>>, %arg7: memref<128x128xf32, #tpu.memory_space<vmem>>, %arg8: memref<128x128xf32, #tpu.memory_space<vmem>>, %arg9: memref<128x128xf32, #tpu.memory_space<vmem>>, %arg10: memref<!tpu.dma_semaphore, #tpu.memory_space<semaphore_mem>>, %arg11: memref<!tpu.dma_semaphore, #tpu.memory_space<semaphore_mem>>, %arg12: memref<!tpu.dma_semaphore, #tpu.memory_space<semaphore_mem>>, %arg13: memref<!tpu.dma_semaphore, #tpu.memory_space<semaphore_mem>>, %arg14: memref<!tpu.dma_semaphore, #tpu.memory_space<semaphore_mem>>, %arg15: memref<!tpu.dma_semaphore, #tpu.memory_space<semaphore_mem>>, %arg16: memref<!tpu.dma_semaphore, #tpu.memory_space<semaphore_mem>>, %arg17: memref<!tpu.dma_semaphore, #tpu.memory_space<semaphore_mem>>, %arg18: memref<!tpu.dma_semaphore, #tpu.memory_space<semaphore_mem>>, %arg19: memref<!tpu.dma_semaphore, #tpu.memory_space<semaphore_mem>>, %arg20: memref<!tpu.dma_semaphore, #tpu.memory_space<semaphore_mem>>, %arg21: memref<!tpu.dma_semaphore, #tpu.memory_space<semaphore_mem>>) attributes {dimension_semantics = [#tpu.dimension_semantics<core_parallel>, #tpu.dimension_semantics<subcore_parallel>], iteration_bounds = array<i64: 2, 16>, scalar_prefetch = 0 : i64, scratch_operands = 17 : i64, tpu.core_type = #tpu.core_type<sc_vector_subcore>, window_params = [{transform_indices = #map}, {transform_indices = #map1}, {transform_indices = #map}]} {
    %mul3A = arith.constant 2 : i32
    %mul3A_0 = arith.muli %arg1, %mul3A : i32
    %add3A = arith.addi %mul3A_0, %arg0 : i32
    %mul3A_1 = arith.constant 16384 : i32
    %mul3A_2 = arith.muli %add3A, %mul3A_1 : i32
    %add3A_3 = arith.constant 0 : i32
    %add3A_4 = arith.addi %mul3A_2, %add3A_3 : i32
    %dma_start3A = arith.constant 0 : i32
    %dma_start3A_5 = arith.constant 0 : i32
    %dma_start3A_6 = tpu.memref_slice %arg5[%dma_start3A, %dma_start3A_5] : memref<4x128xi32, #tpu.memory_space<vmem>> -> memref<1x128xi32, #tpu.memory_space<vmem>>
    %dma_start3A_7 = tpu.memref_squeeze %dma_start3A_6 : memref<1x128xi32, #tpu.memory_space<vmem>> -> memref<128xi32, #tpu.memory_space<vmem>>
    %dma_start3A_8 = tpu.memref_slice %arg3[%add3A_4] : memref<524288xi32, #tpu.memory_space<hbm>> -> memref<128xi32, #tpu.memory_space<hbm>>
    %dma_start3A_9 = arith.constant 0 : i32
    %dma_start3A_10 = tpu.memref_slice %arg5[%dma_start3A, %dma_start3A_9] : memref<4x128xi32, #tpu.memory_space<vmem>> -> memref<1x128xi32, #tpu.memory_space<vmem>>
    %dma_start3A_11 = tpu.memref_squeeze %dma_start3A_10 : memref<1x128xi32, #tpu.memory_space<vmem>> -> memref<128xi32, #tpu.memory_space<vmem>>
    %dma_start3A_12 = tpu.memref_slice %arg3[%add3A_4] : memref<524288xi32, #tpu.memory_space<hbm>> -> memref<128xi32, #tpu.memory_space<hbm>>
    tpu.enqueue_dma source(%dma_start3A_12 : memref<128xi32, #tpu.memory_space<hbm>>) target(%dma_start3A_11 : memref<128xi32, #tpu.memory_space<vmem>>) target_semaphore(%arg10 : memref<!tpu.dma_semaphore, #tpu.memory_space<semaphore_mem>>)
    %add3A_13 = arith.constant 128 : i32
    %add3A_14 = arith.addi %mul3A_2, %add3A_13 : i32
    %dma_start3A_15 = arith.constant 1 : i32
    %dma_start3A_16 = arith.constant 0 : i32
    %dma_start3A_17 = tpu.memref_slice %arg5[%dma_start3A_15, %dma_start3A_16] : memref<4x128xi32, #tpu.memory_space<vmem>> -> memref<1x128xi32, #tpu.memory_space<vmem>>
    %dma_start3A_18 = tpu.memref_squeeze %dma_start3A_17 : memref<1x128xi32, #tpu.memory_space<vmem>> -> memref<128xi32, #tpu.memory_space<vmem>>
    %dma_start3A_19 = tpu.memref_slice %arg3[%add3A_14] : memref<524288xi32, #tpu.memory_space<hbm>> -> memref<128xi32, #tpu.memory_space<hbm>>
    %dma_start3A_20 = arith.constant 0 : i32
    %dma_start3A_21 = tpu.memref_slice %arg5[%dma_start3A_15, %dma_start3A_20] : memref<4x128xi32, #tpu.memory_space<vmem>> -> memref<1x128xi32, #tpu.memory_space<vmem>>
    %dma_start3A_22 = tpu.memref_squeeze %dma_start3A_21 : memref<1x128xi32, #tpu.memory_space<vmem>> -> memref<128xi32, #tpu.memory_space<vmem>>
    %dma_start3A_23 = tpu.memref_slice %arg3[%add3A_14] : memref<524288xi32, #tpu.memory_space<hbm>> -> memref<128xi32, #tpu.memory_space<hbm>>
    tpu.enqueue_dma source(%dma_start3A_23 : memref<128xi32, #tpu.memory_space<hbm>>) target(%dma_start3A_22 : memref<128xi32, #tpu.memory_space<vmem>>) target_semaphore(%arg11 : memref<!tpu.dma_semaphore, #tpu.memory_space<semaphore_mem>>)
    %add3A_24 = arith.constant 0 : i32
    %add3A_25 = arith.addi %mul3A_2, %add3A_24 : i32
    %dma_wait3A = arith.constant 0 : i32
    %dma_wait3A_26 = arith.constant 0 : i32
    %dma_wait3A_27 = tpu.memref_slice %arg5[%dma_wait3A, %dma_wait3A_26] : memref<4x128xi32, #tpu.memory_space<vmem>> -> memref<1x128xi32, #tpu.memory_space<vmem>>
    %dma_wait3A_28 = tpu.memref_squeeze %dma_wait3A_27 : memref<1x128xi32, #tpu.memory_space<vmem>> -> memref<128xi32, #tpu.memory_space<vmem>>
    %dma_wait3A_29 = tpu.memref_slice %arg3[%add3A_25] : memref<524288xi32, #tpu.memory_space<hbm>> -> memref<128xi32, #tpu.memory_space<hbm>>
    %dma_wait3A_30 = arith.constant 0 : i32
    %dma_wait3A_31 = tpu.memref_slice %arg5[%dma_wait3A, %dma_wait3A_30] : memref<4x128xi32, #tpu.memory_space<vmem>> -> memref<1x128xi32, #tpu.memory_space<vmem>>
    %dma_wait3A_32 = tpu.memref_squeeze %dma_wait3A_31 : memref<1x128xi32, #tpu.memory_space<vmem>> -> memref<128xi32, #tpu.memory_space<vmem>>
    %dma_wait3A_33 = tpu.memref_slice %arg3[%add3A_25] : memref<524288xi32, #tpu.memory_space<hbm>> -> memref<128xi32, #tpu.memory_space<hbm>>
    tpu.wait_dma2 semaphore(%arg10 : memref<!tpu.dma_semaphore, #tpu.memory_space<semaphore_mem>>) src(%dma_wait3A_33 : memref<128xi32, #tpu.memory_space<hbm>>) dst(%dma_wait3A_32 : memref<128xi32, #tpu.memory_space<vmem>>)
    %dma_start3A_34 = arith.constant 0 : i32
    %dma_start3A_35 = arith.constant 0 : i32
    %dma_start3A_36 = tpu.memref_slice %arg5[%dma_start3A_34, %dma_start3A_35] : memref<4x128xi32, #tpu.memory_space<vmem>> -> memref<1x128xi32, #tpu.memory_space<vmem>>
    %dma_start3A_37 = tpu.memref_squeeze %dma_start3A_36 : memref<1x128xi32, #tpu.memory_space<vmem>> -> memref<128xi32, #tpu.memory_space<vmem>>
    %dma_start3A_38 = arith.constant 0 : i32
    %dma_start3A_39 = arith.constant 0 : i32
    %dma_start3A_40 = tpu.memref_slice %arg2[%dma_start3A_38, %dma_start3A_39] : memref<100000x128xf32, #tpu.memory_space<hbm>> -> memref<100000x128xf32, #tpu.memory_space<hbm>>
    tpu.enqueue_indirect_dma source(%dma_start3A_40 : memref<100000x128xf32, #tpu.memory_space<hbm>>) target(%arg6 : memref<128x128xf32, #tpu.memory_space<vmem>>) offsets(%dma_start3A_37 : memref<128xi32, #tpu.memory_space<vmem>>) semaphore(%arg14 : memref<!tpu.dma_semaphore, #tpu.memory_space<semaphore_mem>>)
    %add3A_41 = arith.constant 256 : i32
    %add3A_42 = arith.addi %mul3A_2, %add3A_41 : i32
    %dma_start3A_43 = arith.constant 2 : i32
    %dma_start3A_44 = arith.constant 0 : i32
    %dma_start3A_45 = tpu.memref_slice %arg5[%dma_start3A_43, %dma_start3A_44] : memref<4x128xi32, #tpu.memory_space<vmem>> -> memref<1x128xi32, #tpu.memory_space<vmem>>
    %dma_start3A_46 = tpu.memref_squeeze %dma_start3A_45 : memref<1x128xi32, #tpu.memory_space<vmem>> -> memref<128xi32, #tpu.memory_space<vmem>>
    %dma_start3A_47 = tpu.memref_slice %arg3[%add3A_42] : memref<524288xi32, #tpu.memory_space<hbm>> -> memref<128xi32, #tpu.memory_space<hbm>>
    %dma_start3A_48 = arith.constant 0 : i32
    %dma_start3A_49 = tpu.memref_slice %arg5[%dma_start3A_43, %dma_start3A_48] : memref<4x128xi32, #tpu.memory_space<vmem>> -> memref<1x128xi32, #tpu.memory_space<vmem>>
    %dma_start3A_50 = tpu.memref_squeeze %dma_start3A_49 : memref<1x128xi32, #tpu.memory_space<vmem>> -> memref<128xi32, #tpu.memory_space<vmem>>
    %dma_start3A_51 = tpu.memref_slice %arg3[%add3A_42] : memref<524288xi32, #tpu.memory_space<hbm>> -> memref<128xi32, #tpu.memory_space<hbm>>
    tpu.enqueue_dma source(%dma_start3A_51 : memref<128xi32, #tpu.memory_space<hbm>>) target(%dma_start3A_50 : memref<128xi32, #tpu.memory_space<vmem>>) target_semaphore(%arg12 : memref<!tpu.dma_semaphore, #tpu.memory_space<semaphore_mem>>)
    %add3A_52 = arith.constant 128 : i32
    %add3A_53 = arith.addi %mul3A_2, %add3A_52 : i32
    %dma_wait3A_54 = arith.constant 1 : i32
    %dma_wait3A_55 = arith.constant 0 : i32
    %dma_wait3A_56 = tpu.memref_slice %arg5[%dma_wait3A_54, %dma_wait3A_55] : memref<4x128xi32, #tpu.memory_space<vmem>> -> memref<1x128xi32, #tpu.memory_space<vmem>>
    %dma_wait3A_57 = tpu.memref_squeeze %dma_wait3A_56 : memref<1x128xi32, #tpu.memory_space<vmem>> -> memref<128xi32, #tpu.memory_space<vmem>>
    %dma_wait3A_58 = tpu.memref_slice %arg3[%add3A_53] : memref<524288xi32, #tpu.memory_space<hbm>> -> memref<128xi32, #tpu.memory_space<hbm>>
    %dma_wait3A_59 = arith.constant 0 : i32
    %dma_wait3A_60 = tpu.memref_slice %arg5[%dma_wait3A_54, %dma_wait3A_59] : memref<4x128xi32, #tpu.memory_space<vmem>> -> memref<1x128xi32, #tpu.memory_space<vmem>>
    %dma_wait3A_61 = tpu.memref_squeeze %dma_wait3A_60 : memref<1x128xi32, #tpu.memory_space<vmem>> -> memref<128xi32, #tpu.memory_space<vmem>>
    %dma_wait3A_62 = tpu.memref_slice %arg3[%add3A_53] : memref<524288xi32, #tpu.memory_space<hbm>> -> memref<128xi32, #tpu.memory_space<hbm>>
    tpu.wait_dma2 semaphore(%arg11 : memref<!tpu.dma_semaphore, #tpu.memory_space<semaphore_mem>>) src(%dma_wait3A_62 : memref<128xi32, #tpu.memory_space<hbm>>) dst(%dma_wait3A_61 : memref<128xi32, #tpu.memory_space<vmem>>)
    %dma_start3A_63 = arith.constant 1 : i32
    %dma_start3A_64 = arith.constant 0 : i32
    %dma_start3A_65 = tpu.memref_slice %arg5[%dma_start3A_63, %dma_start3A_64] : memref<4x128xi32, #tpu.memory_space<vmem>> -> memref<1x128xi32, #tpu.memory_space<vmem>>
    %dma_start3A_66 = tpu.memref_squeeze %dma_start3A_65 : memref<1x128xi32, #tpu.memory_space<vmem>> -> memref<128xi32, #tpu.memory_space<vmem>>
    %dma_start3A_67 = arith.constant 0 : i32
    %dma_start3A_68 = arith.constant 0 : i32
    %dma_start3A_69 = tpu.memref_slice %arg2[%dma_start3A_67, %dma_start3A_68] : memref<100000x128xf32, #tpu.memory_space<hbm>> -> memref<100000x128xf32, #tpu.memory_space<hbm>>
    tpu.enqueue_indirect_dma source(%dma_start3A_69 : memref<100000x128xf32, #tpu.memory_space<hbm>>) target(%arg7 : memref<128x128xf32, #tpu.memory_space<vmem>>) offsets(%dma_start3A_66 : memref<128xi32, #tpu.memory_space<vmem>>) semaphore(%arg15 : memref<!tpu.dma_semaphore, #tpu.memory_space<semaphore_mem>>)
    %add3A_70 = arith.constant 384 : i32
    %add3A_71 = arith.addi %mul3A_2, %add3A_70 : i32
    %dma_start3A_72 = arith.constant 3 : i32
    %dma_start3A_73 = arith.constant 0 : i32
    %dma_start3A_74 = tpu.memref_slice %arg5[%dma_start3A_72, %dma_start3A_73] : memref<4x128xi32, #tpu.memory_space<vmem>> -> memref<1x128xi32, #tpu.memory_space<vmem>>
    %dma_start3A_75 = tpu.memref_squeeze %dma_start3A_74 : memref<1x128xi32, #tpu.memory_space<vmem>> -> memref<128xi32, #tpu.memory_space<vmem>>
    %dma_start3A_76 = tpu.memref_slice %arg3[%add3A_71] : memref<524288xi32, #tpu.memory_space<hbm>> -> memref<128xi32, #tpu.memory_space<hbm>>
    %dma_start3A_77 = arith.constant 0 : i32
    %dma_start3A_78 = tpu.memref_slice %arg5[%dma_start3A_72, %dma_start3A_77] : memref<4x128xi32, #tpu.memory_space<vmem>> -> memref<1x128xi32, #tpu.memory_space<vmem>>
    %dma_start3A_79 = tpu.memref_squeeze %dma_start3A_78 : memref<1x128xi32, #tpu.memory_space<vmem>> -> memref<128xi32, #tpu.memory_space<vmem>>
    %dma_start3A_80 = tpu.memref_slice %arg3[%add3A_71] : memref<524288xi32, #tpu.memory_space<hbm>> -> memref<128xi32, #tpu.memory_space<hbm>>
    tpu.enqueue_dma source(%dma_start3A_80 : memref<128xi32, #tpu.memory_space<hbm>>) target(%dma_start3A_79 : memref<128xi32, #tpu.memory_space<vmem>>) target_semaphore(%arg13 : memref<!tpu.dma_semaphore, #tpu.memory_space<semaphore_mem>>)
    %add3A_81 = arith.constant 256 : i32
    %add3A_82 = arith.addi %mul3A_2, %add3A_81 : i32
    %dma_wait3A_83 = arith.constant 2 : i32
    %dma_wait3A_84 = arith.constant 0 : i32
    %dma_wait3A_85 = tpu.memref_slice %arg5[%dma_wait3A_83, %dma_wait3A_84] : memref<4x128xi32, #tpu.memory_space<vmem>> -> memref<1x128xi32, #tpu.memory_space<vmem>>
    %dma_wait3A_86 = tpu.memref_squeeze %dma_wait3A_85 : memref<1x128xi32, #tpu.memory_space<vmem>> -> memref<128xi32, #tpu.memory_space<vmem>>
    %dma_wait3A_87 = tpu.memref_slice %arg3[%add3A_82] : memref<524288xi32, #tpu.memory_space<hbm>> -> memref<128xi32, #tpu.memory_space<hbm>>
    %dma_wait3A_88 = arith.constant 0 : i32
    %dma_wait3A_89 = tpu.memref_slice %arg5[%dma_wait3A_83, %dma_wait3A_88] : memref<4x128xi32, #tpu.memory_space<vmem>> -> memref<1x128xi32, #tpu.memory_space<vmem>>
    %dma_wait3A_90 = tpu.memref_squeeze %dma_wait3A_89 : memref<1x128xi32, #tpu.memory_space<vmem>> -> memref<128xi32, #tpu.memory_space<vmem>>
    %dma_wait3A_91 = tpu.memref_slice %arg3[%add3A_82] : memref<524288xi32, #tpu.memory_space<hbm>> -> memref<128xi32, #tpu.memory_space<hbm>>
    tpu.wait_dma2 semaphore(%arg12 : memref<!tpu.dma_semaphore, #tpu.memory_space<semaphore_mem>>) src(%dma_wait3A_91 : memref<128xi32, #tpu.memory_space<hbm>>) dst(%dma_wait3A_90 : memref<128xi32, #tpu.memory_space<vmem>>)
    %dma_start3A_92 = arith.constant 2 : i32
    %dma_start3A_93 = arith.constant 0 : i32
    %dma_start3A_94 = tpu.memref_slice %arg5[%dma_start3A_92, %dma_start3A_93] : memref<4x128xi32, #tpu.memory_space<vmem>> -> memref<1x128xi32, #tpu.memory_space<vmem>>
    %dma_start3A_95 = tpu.memref_squeeze %dma_start3A_94 : memref<1x128xi32, #tpu.memory_space<vmem>> -> memref<128xi32, #tpu.memory_space<vmem>>
    %dma_start3A_96 = arith.constant 0 : i32
    %dma_start3A_97 = arith.constant 0 : i32
    %dma_start3A_98 = tpu.memref_slice %arg2[%dma_start3A_96, %dma_start3A_97] : memref<100000x128xf32, #tpu.memory_space<hbm>> -> memref<100000x128xf32, #tpu.memory_space<hbm>>
    tpu.enqueue_indirect_dma source(%dma_start3A_98 : memref<100000x128xf32, #tpu.memory_space<hbm>>) target(%arg8 : memref<128x128xf32, #tpu.memory_space<vmem>>) offsets(%dma_start3A_95 : memref<128xi32, #tpu.memory_space<vmem>>) semaphore(%arg16 : memref<!tpu.dma_semaphore, #tpu.memory_space<semaphore_mem>>)
    %dma_wait3A_99 = arith.constant 0 : i32
    %dma_wait3A_100 = arith.constant 0 : i32
    %dma_wait3A_101 = tpu.memref_slice %arg5[%dma_wait3A_99, %dma_wait3A_100] : memref<4x128xi32, #tpu.memory_space<vmem>> -> memref<1x128xi32, #tpu.memory_space<vmem>>
    %dma_wait3A_102 = tpu.memref_squeeze %dma_wait3A_101 : memref<1x128xi32, #tpu.memory_space<vmem>> -> memref<128xi32, #tpu.memory_space<vmem>>
    %dma_wait3A_103 = arith.constant 0 : i32
    %dma_wait3A_104 = arith.constant 0 : i32
    %dma_wait3A_105 = tpu.memref_slice %arg2[%dma_wait3A_103, %dma_wait3A_104] : memref<100000x128xf32, #tpu.memory_space<hbm>> -> memref<100000x128xf32, #tpu.memory_space<hbm>>
    tpu.wait_indirect_dma semaphore(%arg14 : memref<!tpu.dma_semaphore, #tpu.memory_space<semaphore_mem>>) src(%dma_wait3A_105 : memref<100000x128xf32, #tpu.memory_space<hbm>>) dst(%arg6 : memref<128x128xf32, #tpu.memory_space<vmem>>)
    %add3A_106 = arith.constant 0 : i32
    %add3A_107 = arith.addi %mul3A_2, %add3A_106 : i32
    %dma_start3A_108 = arith.constant 0 : i32
    %dma_start3A_109 = tpu.memref_slice %arg4[%add3A_107, %dma_start3A_108] : memref<524288x128xf32, #tpu.memory_space<hbm>> -> memref<128x128xf32, #tpu.memory_space<hbm>>
    %dma_start3A_110 = arith.constant 0 : i32
    %dma_start3A_111 = tpu.memref_slice %arg4[%add3A_107, %dma_start3A_110] : memref<524288x128xf32, #tpu.memory_space<hbm>> -> memref<128x128xf32, #tpu.memory_space<hbm>>
    tpu.enqueue_dma source(%arg6 : memref<128x128xf32, #tpu.memory_space<vmem>>) target(%dma_start3A_111 : memref<128x128xf32, #tpu.memory_space<hbm>>) target_semaphore(%arg18 : memref<!tpu.dma_semaphore, #tpu.memory_space<semaphore_mem>>)
    %add3A_112 = arith.constant 512 : i32
    %add3A_113 = arith.addi %mul3A_2, %add3A_112 : i32
    %dma_start3A_114 = arith.constant 0 : i32
    %dma_start3A_115 = arith.constant 0 : i32
    %dma_start3A_116 = tpu.memref_slice %arg5[%dma_start3A_114, %dma_start3A_115] : memref<4x128xi32, #tpu.memory_space<vmem>> -> memref<1x128xi32, #tpu.memory_space<vmem>>
    %dma_start3A_117 = tpu.memref_squeeze %dma_start3A_116 : memref<1x128xi32, #tpu.memory_space<vmem>> -> memref<128xi32, #tpu.memory_space<vmem>>
    %dma_start3A_118 = tpu.memref_slice %arg3[%add3A_113] : memref<524288xi32, #tpu.memory_space<hbm>> -> memref<128xi32, #tpu.memory_space<hbm>>
    %dma_start3A_119 = arith.constant 0 : i32
    %dma_start3A_120 = tpu.memref_slice %arg5[%dma_start3A_114, %dma_start3A_119] : memref<4x128xi32, #tpu.memory_space<vmem>> -> memref<1x128xi32, #tpu.memory_space<vmem>>
    %dma_start3A_121 = tpu.memref_squeeze %dma_start3A_120 : memref<1x128xi32, #tpu.memory_space<vmem>> -> memref<128xi32, #tpu.memory_space<vmem>>
    %dma_start3A_122 = tpu.memref_slice %arg3[%add3A_113] : memref<524288xi32, #tpu.memory_space<hbm>> -> memref<128xi32, #tpu.memory_space<hbm>>
    tpu.enqueue_dma source(%dma_start3A_122 : memref<128xi32, #tpu.memory_space<hbm>>) target(%dma_start3A_121 : memref<128xi32, #tpu.memory_space<vmem>>) target_semaphore(%arg10 : memref<!tpu.dma_semaphore, #tpu.memory_space<semaphore_mem>>)
    %add3A_123 = arith.constant 384 : i32
    %add3A_124 = arith.addi %mul3A_2, %add3A_123 : i32
    %dma_wait3A_125 = arith.constant 3 : i32
    %dma_wait3A_126 = arith.constant 0 : i32
    %dma_wait3A_127 = tpu.memref_slice %arg5[%dma_wait3A_125, %dma_wait3A_126] : memref<4x128xi32, #tpu.memory_space<vmem>> -> memref<1x128xi32, #tpu.memory_space<vmem>>
    %dma_wait3A_128 = tpu.memref_squeeze %dma_wait3A_127 : memref<1x128xi32, #tpu.memory_space<vmem>> -> memref<128xi32, #tpu.memory_space<vmem>>
    %dma_wait3A_129 = tpu.memref_slice %arg3[%add3A_124] : memref<524288xi32, #tpu.memory_space<hbm>> -> memref<128xi32, #tpu.memory_space<hbm>>
    %dma_wait3A_130 = arith.constant 0 : i32
    %dma_wait3A_131 = tpu.memref_slice %arg5[%dma_wait3A_125, %dma_wait3A_130] : memref<4x128xi32, #tpu.memory_space<vmem>> -> memref<1x128xi32, #tpu.memory_space<vmem>>
    %dma_wait3A_132 = tpu.memref_squeeze %dma_wait3A_131 : memref<1x128xi32, #tpu.memory_space<vmem>> -> memref<128xi32, #tpu.memory_space<vmem>>
    %dma_wait3A_133 = tpu.memref_slice %arg3[%add3A_124] : memref<524288xi32, #tpu.memory_space<hbm>> -> memref<128xi32, #tpu.memory_space<hbm>>
    tpu.wait_dma2 semaphore(%arg13 : memref<!tpu.dma_semaphore, #tpu.memory_space<semaphore_mem>>) src(%dma_wait3A_133 : memref<128xi32, #tpu.memory_space<hbm>>) dst(%dma_wait3A_132 : memref<128xi32, #tpu.memory_space<vmem>>)
    %dma_start3A_134 = arith.constant 3 : i32
    %dma_start3A_135 = arith.constant 0 : i32
    %dma_start3A_136 = tpu.memref_slice %arg5[%dma_start3A_134, %dma_start3A_135] : memref<4x128xi32, #tpu.memory_space<vmem>> -> memref<1x128xi32, #tpu.memory_space<vmem>>
    %dma_start3A_137 = tpu.memref_squeeze %dma_start3A_136 : memref<1x128xi32, #tpu.memory_space<vmem>> -> memref<128xi32, #tpu.memory_space<vmem>>
    %dma_start3A_138 = arith.constant 0 : i32
    %dma_start3A_139 = arith.constant 0 : i32
    %dma_start3A_140 = tpu.memref_slice %arg2[%dma_start3A_138, %dma_start3A_139] : memref<100000x128xf32, #tpu.memory_space<hbm>> -> memref<100000x128xf32, #tpu.memory_space<hbm>>
    tpu.enqueue_indirect_dma source(%dma_start3A_140 : memref<100000x128xf32, #tpu.memory_space<hbm>>) target(%arg9 : memref<128x128xf32, #tpu.memory_space<vmem>>) offsets(%dma_start3A_137 : memref<128xi32, #tpu.memory_space<vmem>>) semaphore(%arg17 : memref<!tpu.dma_semaphore, #tpu.memory_space<semaphore_mem>>)
    %dma_wait3A_141 = arith.constant 1 : i32
    %dma_wait3A_142 = arith.constant 0 : i32
    %dma_wait3A_143 = tpu.memref_slice %arg5[%dma_wait3A_141, %dma_wait3A_142] : memref<4x128xi32, #tpu.memory_space<vmem>> -> memref<1x128xi32, #tpu.memory_space<vmem>>
    %dma_wait3A_144 = tpu.memref_squeeze %dma_wait3A_143 : memref<1x128xi32, #tpu.memory_space<vmem>> -> memref<128xi32, #tpu.memory_space<vmem>>
    %dma_wait3A_145 = arith.constant 0 : i32
    %dma_wait3A_146 = arith.constant 0 : i32
    %dma_wait3A_147 = tpu.memref_slice %arg2[%dma_wait3A_145, %dma_wait3A_146] : memref<100000x128xf32, #tpu.memory_space<hbm>> -> memref<100000x128xf32, #tpu.memory_space<hbm>>
    tpu.wait_indirect_dma semaphore(%arg15 : memref<!tpu.dma_semaphore, #tpu.memory_space<semaphore_mem>>) src(%dma_wait3A_147 : memref<100000x128xf32, #tpu.memory_space<hbm>>) dst(%arg7 : memref<128x128xf32, #tpu.memory_space<vmem>>)
    %add3A_148 = arith.constant 128 : i32
    %add3A_149 = arith.addi %mul3A_2, %add3A_148 : i32
    %dma_start3A_150 = arith.constant 0 : i32
    %dma_start3A_151 = tpu.memref_slice %arg4[%add3A_149, %dma_start3A_150] : memref<524288x128xf32, #tpu.memory_space<hbm>> -> memref<128x128xf32, #tpu.memory_space<hbm>>
    %dma_start3A_152 = arith.constant 0 : i32
    %dma_start3A_153 = tpu.memref_slice %arg4[%add3A_149, %dma_start3A_152] : memref<524288x128xf32, #tpu.memory_space<hbm>> -> memref<128x128xf32, #tpu.memory_space<hbm>>
    tpu.enqueue_dma source(%arg7 : memref<128x128xf32, #tpu.memory_space<vmem>>) target(%dma_start3A_153 : memref<128x128xf32, #tpu.memory_space<hbm>>) target_semaphore(%arg19 : memref<!tpu.dma_semaphore, #tpu.memory_space<semaphore_mem>>)
    %add3A_154 = arith.constant 640 : i32
    %add3A_155 = arith.addi %mul3A_2, %add3A_154 : i32
    %dma_start3A_156 = arith.constant 1 : i32
    %dma_start3A_157 = arith.constant 0 : i32
    %dma_start3A_158 = tpu.memref_slice %arg5[%dma_start3A_156, %dma_start3A_157] : memref<4x128xi32, #tpu.memory_space<vmem>> -> memref<1x128xi32, #tpu.memory_space<vmem>>
    %dma_start3A_159 = tpu.memref_squeeze %dma_start3A_158 : memref<1x128xi32, #tpu.memory_space<vmem>> -> memref<128xi32, #tpu.memory_space<vmem>>
    %dma_start3A_160 = tpu.memref_slice %arg3[%add3A_155] : memref<524288xi32, #tpu.memory_space<hbm>> -> memref<128xi32, #tpu.memory_space<hbm>>
    %dma_start3A_161 = arith.constant 0 : i32
    %dma_start3A_162 = tpu.memref_slice %arg5[%dma_start3A_156, %dma_start3A_161] : memref<4x128xi32, #tpu.memory_space<vmem>> -> memref<1x128xi32, #tpu.memory_space<vmem>>
    %dma_start3A_163 = tpu.memref_squeeze %dma_start3A_162 : memref<1x128xi32, #tpu.memory_space<vmem>> -> memref<128xi32, #tpu.memory_space<vmem>>
    %dma_start3A_164 = tpu.memref_slice %arg3[%add3A_155] : memref<524288xi32, #tpu.memory_space<hbm>> -> memref<128xi32, #tpu.memory_space<hbm>>
    tpu.enqueue_dma source(%dma_start3A_164 : memref<128xi32, #tpu.memory_space<hbm>>) target(%dma_start3A_163 : memref<128xi32, #tpu.memory_space<vmem>>) target_semaphore(%arg11 : memref<!tpu.dma_semaphore, #tpu.memory_space<semaphore_mem>>)
    %scan3A = arith.constant 0 : i32
    %scan3A_165 = arith.constant 1 : i32
    %scan3A_166 = arith.constant 30 : i32
    %scan3A_167 = arith.addi %scan3A_165, %scan3A_166 : i32
    %scan3A_168 = arith.constant 1 : i32
    scf.for %scan3A_390 = %scan3A_165 to %scan3A_167 step %scan3A_168  : i32 {
      %mul3A_391 = arith.constant 4 : i32
      %mul3A_392 = arith.muli %mul3A_391, %scan3A_390 : i32
      %add3A_393 = arith.constant 0 : i32
      %add3A_394 = arith.addi %mul3A_392, %add3A_393 : i32
      %sub3A = arith.constant 4 : i32
      %sub3A_395 = arith.subi %add3A_394, %sub3A : i32
      %mul3A_396 = arith.constant 128 : i32
      %mul3A_397 = arith.muli %sub3A_395, %mul3A_396 : i32
      %add3A_398 = arith.addi %mul3A_2, %mul3A_397 : i32
      %dma_wait3A_399 = arith.constant 0 : i32
      %dma_wait3A_400 = tpu.memref_slice %arg4[%add3A_398, %dma_wait3A_399] : memref<524288x128xf32, #tpu.memory_space<hbm>> -> memref<128x128xf32, #tpu.memory_space<hbm>>
      %dma_wait3A_401 = arith.constant 0 : i32
      %dma_wait3A_402 = tpu.memref_slice %arg4[%add3A_398, %dma_wait3A_401] : memref<524288x128xf32, #tpu.memory_space<hbm>> -> memref<128x128xf32, #tpu.memory_space<hbm>>
      tpu.wait_dma2 semaphore(%arg18 : memref<!tpu.dma_semaphore, #tpu.memory_space<semaphore_mem>>) src(%arg6 : memref<128x128xf32, #tpu.memory_space<vmem>>) dst(%dma_wait3A_402 : memref<128x128xf32, #tpu.memory_space<hbm>>)
      %mul3A_403 = arith.constant 128 : i32
      %mul3A_404 = arith.muli %add3A_394, %mul3A_403 : i32
      %add3A_405 = arith.addi %mul3A_2, %mul3A_404 : i32
      %dma_wait3A_406 = arith.constant 0 : i32
      %dma_wait3A_407 = arith.constant 0 : i32
      %dma_wait3A_408 = tpu.memref_slice %arg5[%dma_wait3A_406, %dma_wait3A_407] : memref<4x128xi32, #tpu.memory_space<vmem>> -> memref<1x128xi32, #tpu.memory_space<vmem>>
      %dma_wait3A_409 = tpu.memref_squeeze %dma_wait3A_408 : memref<1x128xi32, #tpu.memory_space<vmem>> -> memref<128xi32, #tpu.memory_space<vmem>>
      %dma_wait3A_410 = tpu.memref_slice %arg3[%add3A_405] : memref<524288xi32, #tpu.memory_space<hbm>> -> memref<128xi32, #tpu.memory_space<hbm>>
      %dma_wait3A_411 = arith.constant 0 : i32
      %dma_wait3A_412 = tpu.memref_slice %arg5[%dma_wait3A_406, %dma_wait3A_411] : memref<4x128xi32, #tpu.memory_space<vmem>> -> memref<1x128xi32, #tpu.memory_space<vmem>>
      %dma_wait3A_413 = tpu.memref_squeeze %dma_wait3A_412 : memref<1x128xi32, #tpu.memory_space<vmem>> -> memref<128xi32, #tpu.memory_space<vmem>>
      %dma_wait3A_414 = tpu.memref_slice %arg3[%add3A_405] : memref<524288xi32, #tpu.memory_space<hbm>> -> memref<128xi32, #tpu.memory_space<hbm>>
      tpu.wait_dma2 semaphore(%arg10 : memref<!tpu.dma_semaphore, #tpu.memory_space<semaphore_mem>>) src(%dma_wait3A_414 : memref<128xi32, #tpu.memory_space<hbm>>) dst(%dma_wait3A_413 : memref<128xi32, #tpu.memory_space<vmem>>)
      %dma_start3A_415 = arith.constant 0 : i32
      %dma_start3A_416 = arith.constant 0 : i32
      %dma_start3A_417 = tpu.memref_slice %arg5[%dma_start3A_415, %dma_start3A_416] : memref<4x128xi32, #tpu.memory_space<vmem>> -> memref<1x128xi32, #tpu.memory_space<vmem>>
      %dma_start3A_418 = tpu.memref_squeeze %dma_start3A_417 : memref<1x128xi32, #tpu.memory_space<vmem>> -> memref<128xi32, #tpu.memory_space<vmem>>
      %dma_start3A_419 = arith.constant 0 : i32
      %dma_start3A_420 = arith.constant 0 : i32
      %dma_start3A_421 = tpu.memref_slice %arg2[%dma_start3A_419, %dma_start3A_420] : memref<100000x128xf32, #tpu.memory_space<hbm>> -> memref<100000x128xf32, #tpu.memory_space<hbm>>
      tpu.enqueue_indirect_dma source(%dma_start3A_421 : memref<100000x128xf32, #tpu.memory_space<hbm>>) target(%arg6 : memref<128x128xf32, #tpu.memory_space<vmem>>) offsets(%dma_start3A_418 : memref<128xi32, #tpu.memory_space<vmem>>) semaphore(%arg14 : memref<!tpu.dma_semaphore, #tpu.memory_space<semaphore_mem>>)
      %dma_wait3A_422 = arith.constant 2 : i32
      %dma_wait3A_423 = arith.constant 0 : i32
      %dma_wait3A_424 = tpu.memref_slice %arg5[%dma_wait3A_422, %dma_wait3A_423] : memref<4x128xi32, #tpu.memory_space<vmem>> -> memref<1x128xi32, #tpu.memory_space<vmem>>
      %dma_wait3A_425 = tpu.memref_squeeze %dma_wait3A_424 : memref<1x128xi32, #tpu.memory_space<vmem>> -> memref<128xi32, #tpu.memory_space<vmem>>
      %dma_wait3A_426 = arith.constant 0 : i32
      %dma_wait3A_427 = arith.constant 0 : i32
      %dma_wait3A_428 = tpu.memref_slice %arg2[%dma_wait3A_426, %dma_wait3A_427] : memref<100000x128xf32, #tpu.memory_space<hbm>> -> memref<100000x128xf32, #tpu.memory_space<hbm>>
      tpu.wait_indirect_dma semaphore(%arg16 : memref<!tpu.dma_semaphore, #tpu.memory_space<semaphore_mem>>) src(%dma_wait3A_428 : memref<100000x128xf32, #tpu.memory_space<hbm>>) dst(%arg8 : memref<128x128xf32, #tpu.memory_space<vmem>>)
      %sub3A_429 = arith.constant 2 : i32
      %sub3A_430 = arith.subi %add3A_394, %sub3A_429 : i32
      %mul3A_431 = arith.constant 128 : i32
      %mul3A_432 = arith.muli %sub3A_430, %mul3A_431 : i32
      %add3A_433 = arith.addi %mul3A_2, %mul3A_432 : i32
      %dma_start3A_434 = arith.constant 0 : i32
      %dma_start3A_435 = tpu.memref_slice %arg4[%add3A_433, %dma_start3A_434] : memref<524288x128xf32, #tpu.memory_space<hbm>> -> memref<128x128xf32, #tpu.memory_space<hbm>>
      %dma_start3A_436 = arith.constant 0 : i32
      %dma_start3A_437 = tpu.memref_slice %arg4[%add3A_433, %dma_start3A_436] : memref<524288x128xf32, #tpu.memory_space<hbm>> -> memref<128x128xf32, #tpu.memory_space<hbm>>
      tpu.enqueue_dma source(%arg8 : memref<128x128xf32, #tpu.memory_space<vmem>>) target(%dma_start3A_437 : memref<128x128xf32, #tpu.memory_space<hbm>>) target_semaphore(%arg20 : memref<!tpu.dma_semaphore, #tpu.memory_space<semaphore_mem>>)
      %add3A_438 = arith.constant 2 : i32
      %add3A_439 = arith.addi %add3A_394, %add3A_438 : i32
      %mul3A_440 = arith.constant 128 : i32
      %mul3A_441 = arith.muli %add3A_439, %mul3A_440 : i32
      %add3A_442 = arith.addi %mul3A_2, %mul3A_441 : i32
      %dma_start3A_443 = arith.constant 2 : i32
      %dma_start3A_444 = arith.constant 0 : i32
      %dma_start3A_445 = tpu.memref_slice %arg5[%dma_start3A_443, %dma_start3A_444] : memref<4x128xi32, #tpu.memory_space<vmem>> -> memref<1x128xi32, #tpu.memory_space<vmem>>
      %dma_start3A_446 = tpu.memref_squeeze %dma_start3A_445 : memref<1x128xi32, #tpu.memory_space<vmem>> -> memref<128xi32, #tpu.memory_space<vmem>>
      %dma_start3A_447 = tpu.memref_slice %arg3[%add3A_442] : memref<524288xi32, #tpu.memory_space<hbm>> -> memref<128xi32, #tpu.memory_space<hbm>>
      %dma_start3A_448 = arith.constant 0 : i32
      %dma_start3A_449 = tpu.memref_slice %arg5[%dma_start3A_443, %dma_start3A_448] : memref<4x128xi32, #tpu.memory_space<vmem>> -> memref<1x128xi32, #tpu.memory_space<vmem>>
      %dma_start3A_450 = tpu.memref_squeeze %dma_start3A_449 : memref<1x128xi32, #tpu.memory_space<vmem>> -> memref<128xi32, #tpu.memory_space<vmem>>
      %dma_start3A_451 = tpu.memref_slice %arg3[%add3A_442] : memref<524288xi32, #tpu.memory_space<hbm>> -> memref<128xi32, #tpu.memory_space<hbm>>
      tpu.enqueue_dma source(%dma_start3A_451 : memref<128xi32, #tpu.memory_space<hbm>>) target(%dma_start3A_450 : memref<128xi32, #tpu.memory_space<vmem>>) target_semaphore(%arg12 : memref<!tpu.dma_semaphore, #tpu.memory_space<semaphore_mem>>)
      %add3A_452 = arith.constant 1 : i32
      %add3A_453 = arith.addi %mul3A_392, %add3A_452 : i32
      %sub3A_454 = arith.constant 4 : i32
      %sub3A_455 = arith.subi %add3A_453, %sub3A_454 : i32
      %mul3A_456 = arith.constant 128 : i32
      %mul3A_457 = arith.muli %sub3A_455, %mul3A_456 : i32
      %add3A_458 = arith.addi %mul3A_2, %mul3A_457 : i32
      %dma_wait3A_459 = arith.constant 0 : i32
      %dma_wait3A_460 = tpu.memref_slice %arg4[%add3A_458, %dma_wait3A_459] : memref<524288x128xf32, #tpu.memory_space<hbm>> -> memref<128x128xf32, #tpu.memory_space<hbm>>
      %dma_wait3A_461 = arith.constant 0 : i32
      %dma_wait3A_462 = tpu.memref_slice %arg4[%add3A_458, %dma_wait3A_461] : memref<524288x128xf32, #tpu.memory_space<hbm>> -> memref<128x128xf32, #tpu.memory_space<hbm>>
      tpu.wait_dma2 semaphore(%arg19 : memref<!tpu.dma_semaphore, #tpu.memory_space<semaphore_mem>>) src(%arg7 : memref<128x128xf32, #tpu.memory_space<vmem>>) dst(%dma_wait3A_462 : memref<128x128xf32, #tpu.memory_space<hbm>>)
      %mul3A_463 = arith.constant 128 : i32
      %mul3A_464 = arith.muli %add3A_453, %mul3A_463 : i32
      %add3A_465 = arith.addi %mul3A_2, %mul3A_464 : i32
      %dma_wait3A_466 = arith.constant 1 : i32
      %dma_wait3A_467 = arith.constant 0 : i32
      %dma_wait3A_468 = tpu.memref_slice %arg5[%dma_wait3A_466, %dma_wait3A_467] : memref<4x128xi32, #tpu.memory_space<vmem>> -> memref<1x128xi32, #tpu.memory_space<vmem>>
      %dma_wait3A_469 = tpu.memref_squeeze %dma_wait3A_468 : memref<1x128xi32, #tpu.memory_space<vmem>> -> memref<128xi32, #tpu.memory_space<vmem>>
      %dma_wait3A_470 = tpu.memref_slice %arg3[%add3A_465] : memref<524288xi32, #tpu.memory_space<hbm>> -> memref<128xi32, #tpu.memory_space<hbm>>
      %dma_wait3A_471 = arith.constant 0 : i32
      %dma_wait3A_472 = tpu.memref_slice %arg5[%dma_wait3A_466, %dma_wait3A_471] : memref<4x128xi32, #tpu.memory_space<vmem>> -> memref<1x128xi32, #tpu.memory_space<vmem>>
      %dma_wait3A_473 = tpu.memref_squeeze %dma_wait3A_472 : memref<1x128xi32, #tpu.memory_space<vmem>> -> memref<128xi32, #tpu.memory_space<vmem>>
      %dma_wait3A_474 = tpu.memref_slice %arg3[%add3A_465] : memref<524288xi32, #tpu.memory_space<hbm>> -> memref<128xi32, #tpu.memory_space<hbm>>
      tpu.wait_dma2 semaphore(%arg11 : memref<!tpu.dma_semaphore, #tpu.memory_space<semaphore_mem>>) src(%dma_wait3A_474 : memref<128xi32, #tpu.memory_space<hbm>>) dst(%dma_wait3A_473 : memref<128xi32, #tpu.memory_space<vmem>>)
      %dma_start3A_475 = arith.constant 1 : i32
      %dma_start3A_476 = arith.constant 0 : i32
      %dma_start3A_477 = tpu.memref_slice %arg5[%dma_start3A_475, %dma_start3A_476] : memref<4x128xi32, #tpu.memory_space<vmem>> -> memref<1x128xi32, #tpu.memory_space<vmem>>
      %dma_start3A_478 = tpu.memref_squeeze %dma_start3A_477 : memref<1x128xi32, #tpu.memory_space<vmem>> -> memref<128xi32, #tpu.memory_space<vmem>>
      %dma_start3A_479 = arith.constant 0 : i32
      %dma_start3A_480 = arith.constant 0 : i32
      %dma_start3A_481 = tpu.memref_slice %arg2[%dma_start3A_479, %dma_start3A_480] : memref<100000x128xf32, #tpu.memory_space<hbm>> -> memref<100000x128xf32, #tpu.memory_space<hbm>>
      tpu.enqueue_indirect_dma source(%dma_start3A_481 : memref<100000x128xf32, #tpu.memory_space<hbm>>) target(%arg7 : memref<128x128xf32, #tpu.memory_space<vmem>>) offsets(%dma_start3A_478 : memref<128xi32, #tpu.memory_space<vmem>>) semaphore(%arg15 : memref<!tpu.dma_semaphore, #tpu.memory_space<semaphore_mem>>)
      %dma_wait3A_482 = arith.constant 3 : i32
      %dma_wait3A_483 = arith.constant 0 : i32
      %dma_wait3A_484 = tpu.memref_slice %arg5[%dma_wait3A_482, %dma_wait3A_483] : memref<4x128xi32, #tpu.memory_space<vmem>> -> memref<1x128xi32, #tpu.memory_space<vmem>>
      %dma_wait3A_485 = tpu.memref_squeeze %dma_wait3A_484 : memref<1x128xi32, #tpu.memory_space<vmem>> -> memref<128xi32, #tpu.memory_space<vmem>>
      %dma_wait3A_486 = arith.constant 0 : i32
      %dma_wait3A_487 = arith.constant 0 : i32
      %dma_wait3A_488 = tpu.memref_slice %arg2[%dma_wait3A_486, %dma_wait3A_487] : memref<100000x128xf32, #tpu.memory_space<hbm>> -> memref<100000x128xf32, #tpu.memory_space<hbm>>
      tpu.wait_indirect_dma semaphore(%arg17 : memref<!tpu.dma_semaphore, #tpu.memory_space<semaphore_mem>>) src(%dma_wait3A_488 : memref<100000x128xf32, #tpu.memory_space<hbm>>) dst(%arg9 : memref<128x128xf32, #tpu.memory_space<vmem>>)
      %sub3A_489 = arith.constant 2 : i32
      %sub3A_490 = arith.subi %add3A_453, %sub3A_489 : i32
      %mul3A_491 = arith.constant 128 : i32
      %mul3A_492 = arith.muli %sub3A_490, %mul3A_491 : i32
      %add3A_493 = arith.addi %mul3A_2, %mul3A_492 : i32
      %dma_start3A_494 = arith.constant 0 : i32
      %dma_start3A_495 = tpu.memref_slice %arg4[%add3A_493, %dma_start3A_494] : memref<524288x128xf32, #tpu.memory_space<hbm>> -> memref<128x128xf32, #tpu.memory_space<hbm>>
      %dma_start3A_496 = arith.constant 0 : i32
      %dma_start3A_497 = tpu.memref_slice %arg4[%add3A_493, %dma_start3A_496] : memref<524288x128xf32, #tpu.memory_space<hbm>> -> memref<128x128xf32, #tpu.memory_space<hbm>>
      tpu.enqueue_dma source(%arg9 : memref<128x128xf32, #tpu.memory_space<vmem>>) target(%dma_start3A_497 : memref<128x128xf32, #tpu.memory_space<hbm>>) target_semaphore(%arg21 : memref<!tpu.dma_semaphore, #tpu.memory_space<semaphore_mem>>)
      %add3A_498 = arith.constant 2 : i32
      %add3A_499 = arith.addi %add3A_453, %add3A_498 : i32
      %mul3A_500 = arith.constant 128 : i32
      %mul3A_501 = arith.muli %add3A_499, %mul3A_500 : i32
      %add3A_502 = arith.addi %mul3A_2, %mul3A_501 : i32
      %dma_start3A_503 = arith.constant 3 : i32
      %dma_start3A_504 = arith.constant 0 : i32
      %dma_start3A_505 = tpu.memref_slice %arg5[%dma_start3A_503, %dma_start3A_504] : memref<4x128xi32, #tpu.memory_space<vmem>> -> memref<1x128xi32, #tpu.memory_space<vmem>>
      %dma_start3A_506 = tpu.memref_squeeze %dma_start3A_505 : memref<1x128xi32, #tpu.memory_space<vmem>> -> memref<128xi32, #tpu.memory_space<vmem>>
      %dma_start3A_507 = tpu.memref_slice %arg3[%add3A_502] : memref<524288xi32, #tpu.memory_space<hbm>> -> memref<128xi32, #tpu.memory_space<hbm>>
      %dma_start3A_508 = arith.constant 0 : i32
      %dma_start3A_509 = tpu.memref_slice %arg5[%dma_start3A_503, %dma_start3A_508] : memref<4x128xi32, #tpu.memory_space<vmem>> -> memref<1x128xi32, #tpu.memory_space<vmem>>
      %dma_start3A_510 = tpu.memref_squeeze %dma_start3A_509 : memref<1x128xi32, #tpu.memory_space<vmem>> -> memref<128xi32, #tpu.memory_space<vmem>>
      %dma_start3A_511 = tpu.memref_slice %arg3[%add3A_502] : memref<524288xi32, #tpu.memory_space<hbm>> -> memref<128xi32, #tpu.memory_space<hbm>>
      tpu.enqueue_dma source(%dma_start3A_511 : memref<128xi32, #tpu.memory_space<hbm>>) target(%dma_start3A_510 : memref<128xi32, #tpu.memory_space<vmem>>) target_semaphore(%arg13 : memref<!tpu.dma_semaphore, #tpu.memory_space<semaphore_mem>>)
      %add3A_512 = arith.constant 2 : i32
      %add3A_513 = arith.addi %mul3A_392, %add3A_512 : i32
      %sub3A_514 = arith.constant 4 : i32
      %sub3A_515 = arith.subi %add3A_513, %sub3A_514 : i32
      %mul3A_516 = arith.constant 128 : i32
      %mul3A_517 = arith.muli %sub3A_515, %mul3A_516 : i32
      %add3A_518 = arith.addi %mul3A_2, %mul3A_517 : i32
      %dma_wait3A_519 = arith.constant 0 : i32
      %dma_wait3A_520 = tpu.memref_slice %arg4[%add3A_518, %dma_wait3A_519] : memref<524288x128xf32, #tpu.memory_space<hbm>> -> memref<128x128xf32, #tpu.memory_space<hbm>>
      %dma_wait3A_521 = arith.constant 0 : i32
      %dma_wait3A_522 = tpu.memref_slice %arg4[%add3A_518, %dma_wait3A_521] : memref<524288x128xf32, #tpu.memory_space<hbm>> -> memref<128x128xf32, #tpu.memory_space<hbm>>
      tpu.wait_dma2 semaphore(%arg20 : memref<!tpu.dma_semaphore, #tpu.memory_space<semaphore_mem>>) src(%arg8 : memref<128x128xf32, #tpu.memory_space<vmem>>) dst(%dma_wait3A_522 : memref<128x128xf32, #tpu.memory_space<hbm>>)
      %mul3A_523 = arith.constant 128 : i32
      %mul3A_524 = arith.muli %add3A_513, %mul3A_523 : i32
      %add3A_525 = arith.addi %mul3A_2, %mul3A_524 : i32
      %dma_wait3A_526 = arith.constant 2 : i32
      %dma_wait3A_527 = arith.constant 0 : i32
      %dma_wait3A_528 = tpu.memref_slice %arg5[%dma_wait3A_526, %dma_wait3A_527] : memref<4x128xi32, #tpu.memory_space<vmem>> -> memref<1x128xi32, #tpu.memory_space<vmem>>
      %dma_wait3A_529 = tpu.memref_squeeze %dma_wait3A_528 : memref<1x128xi32, #tpu.memory_space<vmem>> -> memref<128xi32, #tpu.memory_space<vmem>>
      %dma_wait3A_530 = tpu.memref_slice %arg3[%add3A_525] : memref<524288xi32, #tpu.memory_space<hbm>> -> memref<128xi32, #tpu.memory_space<hbm>>
      %dma_wait3A_531 = arith.constant 0 : i32
      %dma_wait3A_532 = tpu.memref_slice %arg5[%dma_wait3A_526, %dma_wait3A_531] : memref<4x128xi32, #tpu.memory_space<vmem>> -> memref<1x128xi32, #tpu.memory_space<vmem>>
      %dma_wait3A_533 = tpu.memref_squeeze %dma_wait3A_532 : memref<1x128xi32, #tpu.memory_space<vmem>> -> memref<128xi32, #tpu.memory_space<vmem>>
      %dma_wait3A_534 = tpu.memref_slice %arg3[%add3A_525] : memref<524288xi32, #tpu.memory_space<hbm>> -> memref<128xi32, #tpu.memory_space<hbm>>
      tpu.wait_dma2 semaphore(%arg12 : memref<!tpu.dma_semaphore, #tpu.memory_space<semaphore_mem>>) src(%dma_wait3A_534 : memref<128xi32, #tpu.memory_space<hbm>>) dst(%dma_wait3A_533 : memref<128xi32, #tpu.memory_space<vmem>>)
      %dma_start3A_535 = arith.constant 2 : i32
      %dma_start3A_536 = arith.constant 0 : i32
      %dma_start3A_537 = tpu.memref_slice %arg5[%dma_start3A_535, %dma_start3A_536] : memref<4x128xi32, #tpu.memory_space<vmem>> -> memref<1x128xi32, #tpu.memory_space<vmem>>
      %dma_start3A_538 = tpu.memref_squeeze %dma_start3A_537 : memref<1x128xi32, #tpu.memory_space<vmem>> -> memref<128xi32, #tpu.memory_space<vmem>>
      %dma_start3A_539 = arith.constant 0 : i32
      %dma_start3A_540 = arith.constant 0 : i32
      %dma_start3A_541 = tpu.memref_slice %arg2[%dma_start3A_539, %dma_start3A_540] : memref<100000x128xf32, #tpu.memory_space<hbm>> -> memref<100000x128xf32, #tpu.memory_space<hbm>>
      tpu.enqueue_indirect_dma source(%dma_start3A_541 : memref<100000x128xf32, #tpu.memory_space<hbm>>) target(%arg8 : memref<128x128xf32, #tpu.memory_space<vmem>>) offsets(%dma_start3A_538 : memref<128xi32, #tpu.memory_space<vmem>>) semaphore(%arg16 : memref<!tpu.dma_semaphore, #tpu.memory_space<semaphore_mem>>)
      %dma_wait3A_542 = arith.constant 0 : i32
      %dma_wait3A_543 = arith.constant 0 : i32
      %dma_wait3A_544 = tpu.memref_slice %arg5[%dma_wait3A_542, %dma_wait3A_543] : memref<4x128xi32, #tpu.memory_space<vmem>> -> memref<1x128xi32, #tpu.memory_space<vmem>>
      %dma_wait3A_545 = tpu.memref_squeeze %dma_wait3A_544 : memref<1x128xi32, #tpu.memory_space<vmem>> -> memref<128xi32, #tpu.memory_space<vmem>>
      %dma_wait3A_546 = arith.constant 0 : i32
      %dma_wait3A_547 = arith.constant 0 : i32
      %dma_wait3A_548 = tpu.memref_slice %arg2[%dma_wait3A_546, %dma_wait3A_547] : memref<100000x128xf32, #tpu.memory_space<hbm>> -> memref<100000x128xf32, #tpu.memory_space<hbm>>
      tpu.wait_indirect_dma semaphore(%arg14 : memref<!tpu.dma_semaphore, #tpu.memory_space<semaphore_mem>>) src(%dma_wait3A_548 : memref<100000x128xf32, #tpu.memory_space<hbm>>) dst(%arg6 : memref<128x128xf32, #tpu.memory_space<vmem>>)
      %sub3A_549 = arith.constant 2 : i32
      %sub3A_550 = arith.subi %add3A_513, %sub3A_549 : i32
      %mul3A_551 = arith.constant 128 : i32
      %mul3A_552 = arith.muli %sub3A_550, %mul3A_551 : i32
      %add3A_553 = arith.addi %mul3A_2, %mul3A_552 : i32
      %dma_start3A_554 = arith.constant 0 : i32
      %dma_start3A_555 = tpu.memref_slice %arg4[%add3A_553, %dma_start3A_554] : memref<524288x128xf32, #tpu.memory_space<hbm>> -> memref<128x128xf32, #tpu.memory_space<hbm>>
      %dma_start3A_556 = arith.constant 0 : i32
      %dma_start3A_557 = tpu.memref_slice %arg4[%add3A_553, %dma_start3A_556] : memref<524288x128xf32, #tpu.memory_space<hbm>> -> memref<128x128xf32, #tpu.memory_space<hbm>>
      tpu.enqueue_dma source(%arg6 : memref<128x128xf32, #tpu.memory_space<vmem>>) target(%dma_start3A_557 : memref<128x128xf32, #tpu.memory_space<hbm>>) target_semaphore(%arg18 : memref<!tpu.dma_semaphore, #tpu.memory_space<semaphore_mem>>)
      %add3A_558 = arith.constant 2 : i32
      %add3A_559 = arith.addi %add3A_513, %add3A_558 : i32
      %mul3A_560 = arith.constant 128 : i32
      %mul3A_561 = arith.muli %add3A_559, %mul3A_560 : i32
      %add3A_562 = arith.addi %mul3A_2, %mul3A_561 : i32
      %dma_start3A_563 = arith.constant 0 : i32
      %dma_start3A_564 = arith.constant 0 : i32
      %dma_start3A_565 = tpu.memref_slice %arg5[%dma_start3A_563, %dma_start3A_564] : memref<4x128xi32, #tpu.memory_space<vmem>> -> memref<1x128xi32, #tpu.memory_space<vmem>>
      %dma_start3A_566 = tpu.memref_squeeze %dma_start3A_565 : memref<1x128xi32, #tpu.memory_space<vmem>> -> memref<128xi32, #tpu.memory_space<vmem>>
      %dma_start3A_567 = tpu.memref_slice %arg3[%add3A_562] : memref<524288xi32, #tpu.memory_space<hbm>> -> memref<128xi32, #tpu.memory_space<hbm>>
      %dma_start3A_568 = arith.constant 0 : i32
      %dma_start3A_569 = tpu.memref_slice %arg5[%dma_start3A_563, %dma_start3A_568] : memref<4x128xi32, #tpu.memory_space<vmem>> -> memref<1x128xi32, #tpu.memory_space<vmem>>
      %dma_start3A_570 = tpu.memref_squeeze %dma_start3A_569 : memref<1x128xi32, #tpu.memory_space<vmem>> -> memref<128xi32, #tpu.memory_space<vmem>>
      %dma_start3A_571 = tpu.memref_slice %arg3[%add3A_562] : memref<524288xi32, #tpu.memory_space<hbm>> -> memref<128xi32, #tpu.memory_space<hbm>>
      tpu.enqueue_dma source(%dma_start3A_571 : memref<128xi32, #tpu.memory_space<hbm>>) target(%dma_start3A_570 : memref<128xi32, #tpu.memory_space<vmem>>) target_semaphore(%arg10 : memref<!tpu.dma_semaphore, #tpu.memory_space<semaphore_mem>>)
      %add3A_572 = arith.constant 3 : i32
      %add3A_573 = arith.addi %mul3A_392, %add3A_572 : i32
      %sub3A_574 = arith.constant 4 : i32
      %sub3A_575 = arith.subi %add3A_573, %sub3A_574 : i32
      %mul3A_576 = arith.constant 128 : i32
      %mul3A_577 = arith.muli %sub3A_575, %mul3A_576 : i32
      %add3A_578 = arith.addi %mul3A_2, %mul3A_577 : i32
      %dma_wait3A_579 = arith.constant 0 : i32
      %dma_wait3A_580 = tpu.memref_slice %arg4[%add3A_578, %dma_wait3A_579] : memref<524288x128xf32, #tpu.memory_space<hbm>> -> memref<128x128xf32, #tpu.memory_space<hbm>>
      %dma_wait3A_581 = arith.constant 0 : i32
      %dma_wait3A_582 = tpu.memref_slice %arg4[%add3A_578, %dma_wait3A_581] : memref<524288x128xf32, #tpu.memory_space<hbm>> -> memref<128x128xf32, #tpu.memory_space<hbm>>
      tpu.wait_dma2 semaphore(%arg21 : memref<!tpu.dma_semaphore, #tpu.memory_space<semaphore_mem>>) src(%arg9 : memref<128x128xf32, #tpu.memory_space<vmem>>) dst(%dma_wait3A_582 : memref<128x128xf32, #tpu.memory_space<hbm>>)
      %mul3A_583 = arith.constant 128 : i32
      %mul3A_584 = arith.muli %add3A_573, %mul3A_583 : i32
      %add3A_585 = arith.addi %mul3A_2, %mul3A_584 : i32
      %dma_wait3A_586 = arith.constant 3 : i32
      %dma_wait3A_587 = arith.constant 0 : i32
      %dma_wait3A_588 = tpu.memref_slice %arg5[%dma_wait3A_586, %dma_wait3A_587] : memref<4x128xi32, #tpu.memory_space<vmem>> -> memref<1x128xi32, #tpu.memory_space<vmem>>
      %dma_wait3A_589 = tpu.memref_squeeze %dma_wait3A_588 : memref<1x128xi32, #tpu.memory_space<vmem>> -> memref<128xi32, #tpu.memory_space<vmem>>
      %dma_wait3A_590 = tpu.memref_slice %arg3[%add3A_585] : memref<524288xi32, #tpu.memory_space<hbm>> -> memref<128xi32, #tpu.memory_space<hbm>>
      %dma_wait3A_591 = arith.constant 0 : i32
      %dma_wait3A_592 = tpu.memref_slice %arg5[%dma_wait3A_586, %dma_wait3A_591] : memref<4x128xi32, #tpu.memory_space<vmem>> -> memref<1x128xi32, #tpu.memory_space<vmem>>
      %dma_wait3A_593 = tpu.memref_squeeze %dma_wait3A_592 : memref<1x128xi32, #tpu.memory_space<vmem>> -> memref<128xi32, #tpu.memory_space<vmem>>
      %dma_wait3A_594 = tpu.memref_slice %arg3[%add3A_585] : memref<524288xi32, #tpu.memory_space<hbm>> -> memref<128xi32, #tpu.memory_space<hbm>>
      tpu.wait_dma2 semaphore(%arg13 : memref<!tpu.dma_semaphore, #tpu.memory_space<semaphore_mem>>) src(%dma_wait3A_594 : memref<128xi32, #tpu.memory_space<hbm>>) dst(%dma_wait3A_593 : memref<128xi32, #tpu.memory_space<vmem>>)
      %dma_start3A_595 = arith.constant 3 : i32
      %dma_start3A_596 = arith.constant 0 : i32
      %dma_start3A_597 = tpu.memref_slice %arg5[%dma_start3A_595, %dma_start3A_596] : memref<4x128xi32, #tpu.memory_space<vmem>> -> memref<1x128xi32, #tpu.memory_space<vmem>>
      %dma_start3A_598 = tpu.memref_squeeze %dma_start3A_597 : memref<1x128xi32, #tpu.memory_space<vmem>> -> memref<128xi32, #tpu.memory_space<vmem>>
      %dma_start3A_599 = arith.constant 0 : i32
      %dma_start3A_600 = arith.constant 0 : i32
      %dma_start3A_601 = tpu.memref_slice %arg2[%dma_start3A_599, %dma_start3A_600] : memref<100000x128xf32, #tpu.memory_space<hbm>> -> memref<100000x128xf32, #tpu.memory_space<hbm>>
      tpu.enqueue_indirect_dma source(%dma_start3A_601 : memref<100000x128xf32, #tpu.memory_space<hbm>>) target(%arg9 : memref<128x128xf32, #tpu.memory_space<vmem>>) offsets(%dma_start3A_598 : memref<128xi32, #tpu.memory_space<vmem>>) semaphore(%arg17 : memref<!tpu.dma_semaphore, #tpu.memory_space<semaphore_mem>>)
      %dma_wait3A_602 = arith.constant 1 : i32
      %dma_wait3A_603 = arith.constant 0 : i32
      %dma_wait3A_604 = tpu.memref_slice %arg5[%dma_wait3A_602, %dma_wait3A_603] : memref<4x128xi32, #tpu.memory_space<vmem>> -> memref<1x128xi32, #tpu.memory_space<vmem>>
      %dma_wait3A_605 = tpu.memref_squeeze %dma_wait3A_604 : memref<1x128xi32, #tpu.memory_space<vmem>> -> memref<128xi32, #tpu.memory_space<vmem>>
      %dma_wait3A_606 = arith.constant 0 : i32
      %dma_wait3A_607 = arith.constant 0 : i32
      %dma_wait3A_608 = tpu.memref_slice %arg2[%dma_wait3A_606, %dma_wait3A_607] : memref<100000x128xf32, #tpu.memory_space<hbm>> -> memref<100000x128xf32, #tpu.memory_space<hbm>>
      tpu.wait_indirect_dma semaphore(%arg15 : memref<!tpu.dma_semaphore, #tpu.memory_space<semaphore_mem>>) src(%dma_wait3A_608 : memref<100000x128xf32, #tpu.memory_space<hbm>>) dst(%arg7 : memref<128x128xf32, #tpu.memory_space<vmem>>)
      %sub3A_609 = arith.constant 2 : i32
      %sub3A_610 = arith.subi %add3A_573, %sub3A_609 : i32
      %mul3A_611 = arith.constant 128 : i32
      %mul3A_612 = arith.muli %sub3A_610, %mul3A_611 : i32
      %add3A_613 = arith.addi %mul3A_2, %mul3A_612 : i32
      %dma_start3A_614 = arith.constant 0 : i32
      %dma_start3A_615 = tpu.memref_slice %arg4[%add3A_613, %dma_start3A_614] : memref<524288x128xf32, #tpu.memory_space<hbm>> -> memref<128x128xf32, #tpu.memory_space<hbm>>
      %dma_start3A_616 = arith.constant 0 : i32
      %dma_start3A_617 = tpu.memref_slice %arg4[%add3A_613, %dma_start3A_616] : memref<524288x128xf32, #tpu.memory_space<hbm>> -> memref<128x128xf32, #tpu.memory_space<hbm>>
      tpu.enqueue_dma source(%arg7 : memref<128x128xf32, #tpu.memory_space<vmem>>) target(%dma_start3A_617 : memref<128x128xf32, #tpu.memory_space<hbm>>) target_semaphore(%arg19 : memref<!tpu.dma_semaphore, #tpu.memory_space<semaphore_mem>>)
      %add3A_618 = arith.constant 2 : i32
      %add3A_619 = arith.addi %add3A_573, %add3A_618 : i32
      %mul3A_620 = arith.constant 128 : i32
      %mul3A_621 = arith.muli %add3A_619, %mul3A_620 : i32
      %add3A_622 = arith.addi %mul3A_2, %mul3A_621 : i32
      %dma_start3A_623 = arith.constant 1 : i32
      %dma_start3A_624 = arith.constant 0 : i32
      %dma_start3A_625 = tpu.memref_slice %arg5[%dma_start3A_623, %dma_start3A_624] : memref<4x128xi32, #tpu.memory_space<vmem>> -> memref<1x128xi32, #tpu.memory_space<vmem>>
      %dma_start3A_626 = tpu.memref_squeeze %dma_start3A_625 : memref<1x128xi32, #tpu.memory_space<vmem>> -> memref<128xi32, #tpu.memory_space<vmem>>
      %dma_start3A_627 = tpu.memref_slice %arg3[%add3A_622] : memref<524288xi32, #tpu.memory_space<hbm>> -> memref<128xi32, #tpu.memory_space<hbm>>
      %dma_start3A_628 = arith.constant 0 : i32
      %dma_start3A_629 = tpu.memref_slice %arg5[%dma_start3A_623, %dma_start3A_628] : memref<4x128xi32, #tpu.memory_space<vmem>> -> memref<1x128xi32, #tpu.memory_space<vmem>>
      %dma_start3A_630 = tpu.memref_squeeze %dma_start3A_629 : memref<1x128xi32, #tpu.memory_space<vmem>> -> memref<128xi32, #tpu.memory_space<vmem>>
      %dma_start3A_631 = tpu.memref_slice %arg3[%add3A_622] : memref<524288xi32, #tpu.memory_space<hbm>> -> memref<128xi32, #tpu.memory_space<hbm>>
      tpu.enqueue_dma source(%dma_start3A_631 : memref<128xi32, #tpu.memory_space<hbm>>) target(%dma_start3A_630 : memref<128xi32, #tpu.memory_space<vmem>>) target_semaphore(%arg11 : memref<!tpu.dma_semaphore, #tpu.memory_space<semaphore_mem>>)
    }
    %scan3A_169 = arith.constant 30 : i32
    %add3A_170 = arith.constant 15360 : i32
    %add3A_171 = arith.addi %mul3A_2, %add3A_170 : i32
    %dma_wait3A_172 = arith.constant 0 : i32
    %dma_wait3A_173 = tpu.memref_slice %arg4[%add3A_171, %dma_wait3A_172] : memref<524288x128xf32, #tpu.memory_space<hbm>> -> memref<128x128xf32, #tpu.memory_space<hbm>>
    %dma_wait3A_174 = arith.constant 0 : i32
    %dma_wait3A_175 = tpu.memref_slice %arg4[%add3A_171, %dma_wait3A_174] : memref<524288x128xf32, #tpu.memory_space<hbm>> -> memref<128x128xf32, #tpu.memory_space<hbm>>
    tpu.wait_dma2 semaphore(%arg18 : memref<!tpu.dma_semaphore, #tpu.memory_space<semaphore_mem>>) src(%arg6 : memref<128x128xf32, #tpu.memory_space<vmem>>) dst(%dma_wait3A_175 : memref<128x128xf32, #tpu.memory_space<hbm>>)
    %add3A_176 = arith.constant 15872 : i32
    %add3A_177 = arith.addi %mul3A_2, %add3A_176 : i32
    %dma_wait3A_178 = arith.constant 0 : i32
    %dma_wait3A_179 = arith.constant 0 : i32
    %dma_wait3A_180 = tpu.memref_slice %arg5[%dma_wait3A_178, %dma_wait3A_179] : memref<4x128xi32, #tpu.memory_space<vmem>> -> memref<1x128xi32, #tpu.memory_space<vmem>>
    %dma_wait3A_181 = tpu.memref_squeeze %dma_wait3A_180 : memref<1x128xi32, #tpu.memory_space<vmem>> -> memref<128xi32, #tpu.memory_space<vmem>>
    %dma_wait3A_182 = tpu.memref_slice %arg3[%add3A_177] : memref<524288xi32, #tpu.memory_space<hbm>> -> memref<128xi32, #tpu.memory_space<hbm>>
    %dma_wait3A_183 = arith.constant 0 : i32
    %dma_wait3A_184 = tpu.memref_slice %arg5[%dma_wait3A_178, %dma_wait3A_183] : memref<4x128xi32, #tpu.memory_space<vmem>> -> memref<1x128xi32, #tpu.memory_space<vmem>>
    %dma_wait3A_185 = tpu.memref_squeeze %dma_wait3A_184 : memref<1x128xi32, #tpu.memory_space<vmem>> -> memref<128xi32, #tpu.memory_space<vmem>>
    %dma_wait3A_186 = tpu.memref_slice %arg3[%add3A_177] : memref<524288xi32, #tpu.memory_space<hbm>> -> memref<128xi32, #tpu.memory_space<hbm>>
    tpu.wait_dma2 semaphore(%arg10 : memref<!tpu.dma_semaphore, #tpu.memory_space<semaphore_mem>>) src(%dma_wait3A_186 : memref<128xi32, #tpu.memory_space<hbm>>) dst(%dma_wait3A_185 : memref<128xi32, #tpu.memory_space<vmem>>)
    %dma_start3A_187 = arith.constant 0 : i32
    %dma_start3A_188 = arith.constant 0 : i32
    %dma_start3A_189 = tpu.memref_slice %arg5[%dma_start3A_187, %dma_start3A_188] : memref<4x128xi32, #tpu.memory_space<vmem>> -> memref<1x128xi32, #tpu.memory_space<vmem>>
    %dma_start3A_190 = tpu.memref_squeeze %dma_start3A_189 : memref<1x128xi32, #tpu.memory_space<vmem>> -> memref<128xi32, #tpu.memory_space<vmem>>
    %dma_start3A_191 = arith.constant 0 : i32
    %dma_start3A_192 = arith.constant 0 : i32
    %dma_start3A_193 = tpu.memref_slice %arg2[%dma_start3A_191, %dma_start3A_192] : memref<100000x128xf32, #tpu.memory_space<hbm>> -> memref<100000x128xf32, #tpu.memory_space<hbm>>
    tpu.enqueue_indirect_dma source(%dma_start3A_193 : memref<100000x128xf32, #tpu.memory_space<hbm>>) target(%arg6 : memref<128x128xf32, #tpu.memory_space<vmem>>) offsets(%dma_start3A_190 : memref<128xi32, #tpu.memory_space<vmem>>) semaphore(%arg14 : memref<!tpu.dma_semaphore, #tpu.memory_space<semaphore_mem>>)
    %dma_wait3A_194 = arith.constant 2 : i32
    %dma_wait3A_195 = arith.constant 0 : i32
    %dma_wait3A_196 = tpu.memref_slice %arg5[%dma_wait3A_194, %dma_wait3A_195] : memref<4x128xi32, #tpu.memory_space<vmem>> -> memref<1x128xi32, #tpu.memory_space<vmem>>
    %dma_wait3A_197 = tpu.memref_squeeze %dma_wait3A_196 : memref<1x128xi32, #tpu.memory_space<vmem>> -> memref<128xi32, #tpu.memory_space<vmem>>
    %dma_wait3A_198 = arith.constant 0 : i32
    %dma_wait3A_199 = arith.constant 0 : i32
    %dma_wait3A_200 = tpu.memref_slice %arg2[%dma_wait3A_198, %dma_wait3A_199] : memref<100000x128xf32, #tpu.memory_space<hbm>> -> memref<100000x128xf32, #tpu.memory_space<hbm>>
    tpu.wait_indirect_dma semaphore(%arg16 : memref<!tpu.dma_semaphore, #tpu.memory_space<semaphore_mem>>) src(%dma_wait3A_200 : memref<100000x128xf32, #tpu.memory_space<hbm>>) dst(%arg8 : memref<128x128xf32, #tpu.memory_space<vmem>>)
    %add3A_201 = arith.constant 15616 : i32
    %add3A_202 = arith.addi %mul3A_2, %add3A_201 : i32
    %dma_start3A_203 = arith.constant 0 : i32
    %dma_start3A_204 = tpu.memref_slice %arg4[%add3A_202, %dma_start3A_203] : memref<524288x128xf32, #tpu.memory_space<hbm>> -> memref<128x128xf32, #tpu.memory_space<hbm>>
    %dma_start3A_205 = arith.constant 0 : i32
    %dma_start3A_206 = tpu.memref_slice %arg4[%add3A_202, %dma_start3A_205] : memref<524288x128xf32, #tpu.memory_space<hbm>> -> memref<128x128xf32, #tpu.memory_space<hbm>>
    tpu.enqueue_dma source(%arg8 : memref<128x128xf32, #tpu.memory_space<vmem>>) target(%dma_start3A_206 : memref<128x128xf32, #tpu.memory_space<hbm>>) target_semaphore(%arg20 : memref<!tpu.dma_semaphore, #tpu.memory_space<semaphore_mem>>)
    %add3A_207 = arith.constant 16128 : i32
    %add3A_208 = arith.addi %mul3A_2, %add3A_207 : i32
    %dma_start3A_209 = arith.constant 2 : i32
    %dma_start3A_210 = arith.constant 0 : i32
    %dma_start3A_211 = tpu.memref_slice %arg5[%dma_start3A_209, %dma_start3A_210] : memref<4x128xi32, #tpu.memory_space<vmem>> -> memref<1x128xi32, #tpu.memory_space<vmem>>
    %dma_start3A_212 = tpu.memref_squeeze %dma_start3A_211 : memref<1x128xi32, #tpu.memory_space<vmem>> -> memref<128xi32, #tpu.memory_space<vmem>>
    %dma_start3A_213 = tpu.memref_slice %arg3[%add3A_208] : memref<524288xi32, #tpu.memory_space<hbm>> -> memref<128xi32, #tpu.memory_space<hbm>>
    %dma_start3A_214 = arith.constant 0 : i32
    %dma_start3A_215 = tpu.memref_slice %arg5[%dma_start3A_209, %dma_start3A_214] : memref<4x128xi32, #tpu.memory_space<vmem>> -> memref<1x128xi32, #tpu.memory_space<vmem>>
    %dma_start3A_216 = tpu.memref_squeeze %dma_start3A_215 : memref<1x128xi32, #tpu.memory_space<vmem>> -> memref<128xi32, #tpu.memory_space<vmem>>
    %dma_start3A_217 = tpu.memref_slice %arg3[%add3A_208] : memref<524288xi32, #tpu.memory_space<hbm>> -> memref<128xi32, #tpu.memory_space<hbm>>
    tpu.enqueue_dma source(%dma_start3A_217 : memref<128xi32, #tpu.memory_space<hbm>>) target(%dma_start3A_216 : memref<128xi32, #tpu.memory_space<vmem>>) target_semaphore(%arg12 : memref<!tpu.dma_semaphore, #tpu.memory_space<semaphore_mem>>)
    %add3A_218 = arith.constant 15488 : i32
    %add3A_219 = arith.addi %mul3A_2, %add3A_218 : i32
    %dma_wait3A_220 = arith.constant 0 : i32
    %dma_wait3A_221 = tpu.memref_slice %arg4[%add3A_219, %dma_wait3A_220] : memref<524288x128xf32, #tpu.memory_space<hbm>> -> memref<128x128xf32, #tpu.memory_space<hbm>>
    %dma_wait3A_222 = arith.constant 0 : i32
    %dma_wait3A_223 = tpu.memref_slice %arg4[%add3A_219, %dma_wait3A_222] : memref<524288x128xf32, #tpu.memory_space<hbm>> -> memref<128x128xf32, #tpu.memory_space<hbm>>
    tpu.wait_dma2 semaphore(%arg19 : memref<!tpu.dma_semaphore, #tpu.memory_space<semaphore_mem>>) src(%arg7 : memref<128x128xf32, #tpu.memory_space<vmem>>) dst(%dma_wait3A_223 : memref<128x128xf32, #tpu.memory_space<hbm>>)
    %add3A_224 = arith.constant 16000 : i32
    %add3A_225 = arith.addi %mul3A_2, %add3A_224 : i32
    %dma_wait3A_226 = arith.constant 1 : i32
    %dma_wait3A_227 = arith.constant 0 : i32
    %dma_wait3A_228 = tpu.memref_slice %arg5[%dma_wait3A_226, %dma_wait3A_227] : memref<4x128xi32, #tpu.memory_space<vmem>> -> memref<1x128xi32, #tpu.memory_space<vmem>>
    %dma_wait3A_229 = tpu.memref_squeeze %dma_wait3A_228 : memref<1x128xi32, #tpu.memory_space<vmem>> -> memref<128xi32, #tpu.memory_space<vmem>>
    %dma_wait3A_230 = tpu.memref_slice %arg3[%add3A_225] : memref<524288xi32, #tpu.memory_space<hbm>> -> memref<128xi32, #tpu.memory_space<hbm>>
    %dma_wait3A_231 = arith.constant 0 : i32
    %dma_wait3A_232 = tpu.memref_slice %arg5[%dma_wait3A_226, %dma_wait3A_231] : memref<4x128xi32, #tpu.memory_space<vmem>> -> memref<1x128xi32, #tpu.memory_space<vmem>>
    %dma_wait3A_233 = tpu.memref_squeeze %dma_wait3A_232 : memref<1x128xi32, #tpu.memory_space<vmem>> -> memref<128xi32, #tpu.memory_space<vmem>>
    %dma_wait3A_234 = tpu.memref_slice %arg3[%add3A_225] : memref<524288xi32, #tpu.memory_space<hbm>> -> memref<128xi32, #tpu.memory_space<hbm>>
    tpu.wait_dma2 semaphore(%arg11 : memref<!tpu.dma_semaphore, #tpu.memory_space<semaphore_mem>>) src(%dma_wait3A_234 : memref<128xi32, #tpu.memory_space<hbm>>) dst(%dma_wait3A_233 : memref<128xi32, #tpu.memory_space<vmem>>)
    %dma_start3A_235 = arith.constant 1 : i32
    %dma_start3A_236 = arith.constant 0 : i32
    %dma_start3A_237 = tpu.memref_slice %arg5[%dma_start3A_235, %dma_start3A_236] : memref<4x128xi32, #tpu.memory_space<vmem>> -> memref<1x128xi32, #tpu.memory_space<vmem>>
    %dma_start3A_238 = tpu.memref_squeeze %dma_start3A_237 : memref<1x128xi32, #tpu.memory_space<vmem>> -> memref<128xi32, #tpu.memory_space<vmem>>
    %dma_start3A_239 = arith.constant 0 : i32
    %dma_start3A_240 = arith.constant 0 : i32
    %dma_start3A_241 = tpu.memref_slice %arg2[%dma_start3A_239, %dma_start3A_240] : memref<100000x128xf32, #tpu.memory_space<hbm>> -> memref<100000x128xf32, #tpu.memory_space<hbm>>
    tpu.enqueue_indirect_dma source(%dma_start3A_241 : memref<100000x128xf32, #tpu.memory_space<hbm>>) target(%arg7 : memref<128x128xf32, #tpu.memory_space<vmem>>) offsets(%dma_start3A_238 : memref<128xi32, #tpu.memory_space<vmem>>) semaphore(%arg15 : memref<!tpu.dma_semaphore, #tpu.memory_space<semaphore_mem>>)
    %dma_wait3A_242 = arith.constant 3 : i32
    %dma_wait3A_243 = arith.constant 0 : i32
    %dma_wait3A_244 = tpu.memref_slice %arg5[%dma_wait3A_242, %dma_wait3A_243] : memref<4x128xi32, #tpu.memory_space<vmem>> -> memref<1x128xi32, #tpu.memory_space<vmem>>
    %dma_wait3A_245 = tpu.memref_squeeze %dma_wait3A_244 : memref<1x128xi32, #tpu.memory_space<vmem>> -> memref<128xi32, #tpu.memory_space<vmem>>
    %dma_wait3A_246 = arith.constant 0 : i32
    %dma_wait3A_247 = arith.constant 0 : i32
    %dma_wait3A_248 = tpu.memref_slice %arg2[%dma_wait3A_246, %dma_wait3A_247] : memref<100000x128xf32, #tpu.memory_space<hbm>> -> memref<100000x128xf32, #tpu.memory_space<hbm>>
    tpu.wait_indirect_dma semaphore(%arg17 : memref<!tpu.dma_semaphore, #tpu.memory_space<semaphore_mem>>) src(%dma_wait3A_248 : memref<100000x128xf32, #tpu.memory_space<hbm>>) dst(%arg9 : memref<128x128xf32, #tpu.memory_space<vmem>>)
    %add3A_249 = arith.constant 15744 : i32
    %add3A_250 = arith.addi %mul3A_2, %add3A_249 : i32
    %dma_start3A_251 = arith.constant 0 : i32
    %dma_start3A_252 = tpu.memref_slice %arg4[%add3A_250, %dma_start3A_251] : memref<524288x128xf32, #tpu.memory_space<hbm>> -> memref<128x128xf32, #tpu.memory_space<hbm>>
    %dma_start3A_253 = arith.constant 0 : i32
    %dma_start3A_254 = tpu.memref_slice %arg4[%add3A_250, %dma_start3A_253] : memref<524288x128xf32, #tpu.memory_space<hbm>> -> memref<128x128xf32, #tpu.memory_space<hbm>>
    tpu.enqueue_dma source(%arg9 : memref<128x128xf32, #tpu.memory_space<vmem>>) target(%dma_start3A_254 : memref<128x128xf32, #tpu.memory_space<hbm>>) target_semaphore(%arg21 : memref<!tpu.dma_semaphore, #tpu.memory_space<semaphore_mem>>)
    %add3A_255 = arith.constant 16256 : i32
    %add3A_256 = arith.addi %mul3A_2, %add3A_255 : i32
    %dma_start3A_257 = arith.constant 3 : i32
    %dma_start3A_258 = arith.constant 0 : i32
    %dma_start3A_259 = tpu.memref_slice %arg5[%dma_start3A_257, %dma_start3A_258] : memref<4x128xi32, #tpu.memory_space<vmem>> -> memref<1x128xi32, #tpu.memory_space<vmem>>
    %dma_start3A_260 = tpu.memref_squeeze %dma_start3A_259 : memref<1x128xi32, #tpu.memory_space<vmem>> -> memref<128xi32, #tpu.memory_space<vmem>>
    %dma_start3A_261 = tpu.memref_slice %arg3[%add3A_256] : memref<524288xi32, #tpu.memory_space<hbm>> -> memref<128xi32, #tpu.memory_space<hbm>>
    %dma_start3A_262 = arith.constant 0 : i32
    %dma_start3A_263 = tpu.memref_slice %arg5[%dma_start3A_257, %dma_start3A_262] : memref<4x128xi32, #tpu.memory_space<vmem>> -> memref<1x128xi32, #tpu.memory_space<vmem>>
    %dma_start3A_264 = tpu.memref_squeeze %dma_start3A_263 : memref<1x128xi32, #tpu.memory_space<vmem>> -> memref<128xi32, #tpu.memory_space<vmem>>
    %dma_start3A_265 = tpu.memref_slice %arg3[%add3A_256] : memref<524288xi32, #tpu.memory_space<hbm>> -> memref<128xi32, #tpu.memory_space<hbm>>
    tpu.enqueue_dma source(%dma_start3A_265 : memref<128xi32, #tpu.memory_space<hbm>>) target(%dma_start3A_264 : memref<128xi32, #tpu.memory_space<vmem>>) target_semaphore(%arg13 : memref<!tpu.dma_semaphore, #tpu.memory_space<semaphore_mem>>)
    %add3A_266 = arith.constant 15616 : i32
    %add3A_267 = arith.addi %mul3A_2, %add3A_266 : i32
    %dma_wait3A_268 = arith.constant 0 : i32
    %dma_wait3A_269 = tpu.memref_slice %arg4[%add3A_267, %dma_wait3A_268] : memref<524288x128xf32, #tpu.memory_space<hbm>> -> memref<128x128xf32, #tpu.memory_space<hbm>>
    %dma_wait3A_270 = arith.constant 0 : i32
    %dma_wait3A_271 = tpu.memref_slice %arg4[%add3A_267, %dma_wait3A_270] : memref<524288x128xf32, #tpu.memory_space<hbm>> -> memref<128x128xf32, #tpu.memory_space<hbm>>
    tpu.wait_dma2 semaphore(%arg20 : memref<!tpu.dma_semaphore, #tpu.memory_space<semaphore_mem>>) src(%arg8 : memref<128x128xf32, #tpu.memory_space<vmem>>) dst(%dma_wait3A_271 : memref<128x128xf32, #tpu.memory_space<hbm>>)
    %add3A_272 = arith.constant 16128 : i32
    %add3A_273 = arith.addi %mul3A_2, %add3A_272 : i32
    %dma_wait3A_274 = arith.constant 2 : i32
    %dma_wait3A_275 = arith.constant 0 : i32
    %dma_wait3A_276 = tpu.memref_slice %arg5[%dma_wait3A_274, %dma_wait3A_275] : memref<4x128xi32, #tpu.memory_space<vmem>> -> memref<1x128xi32, #tpu.memory_space<vmem>>
    %dma_wait3A_277 = tpu.memref_squeeze %dma_wait3A_276 : memref<1x128xi32, #tpu.memory_space<vmem>> -> memref<128xi32, #tpu.memory_space<vmem>>
    %dma_wait3A_278 = tpu.memref_slice %arg3[%add3A_273] : memref<524288xi32, #tpu.memory_space<hbm>> -> memref<128xi32, #tpu.memory_space<hbm>>
    %dma_wait3A_279 = arith.constant 0 : i32
    %dma_wait3A_280 = tpu.memref_slice %arg5[%dma_wait3A_274, %dma_wait3A_279] : memref<4x128xi32, #tpu.memory_space<vmem>> -> memref<1x128xi32, #tpu.memory_space<vmem>>
    %dma_wait3A_281 = tpu.memref_squeeze %dma_wait3A_280 : memref<1x128xi32, #tpu.memory_space<vmem>> -> memref<128xi32, #tpu.memory_space<vmem>>
    %dma_wait3A_282 = tpu.memref_slice %arg3[%add3A_273] : memref<524288xi32, #tpu.memory_space<hbm>> -> memref<128xi32, #tpu.memory_space<hbm>>
    tpu.wait_dma2 semaphore(%arg12 : memref<!tpu.dma_semaphore, #tpu.memory_space<semaphore_mem>>) src(%dma_wait3A_282 : memref<128xi32, #tpu.memory_space<hbm>>) dst(%dma_wait3A_281 : memref<128xi32, #tpu.memory_space<vmem>>)
    %dma_start3A_283 = arith.constant 2 : i32
    %dma_start3A_284 = arith.constant 0 : i32
    %dma_start3A_285 = tpu.memref_slice %arg5[%dma_start3A_283, %dma_start3A_284] : memref<4x128xi32, #tpu.memory_space<vmem>> -> memref<1x128xi32, #tpu.memory_space<vmem>>
    %dma_start3A_286 = tpu.memref_squeeze %dma_start3A_285 : memref<1x128xi32, #tpu.memory_space<vmem>> -> memref<128xi32, #tpu.memory_space<vmem>>
    %dma_start3A_287 = arith.constant 0 : i32
    %dma_start3A_288 = arith.constant 0 : i32
    %dma_start3A_289 = tpu.memref_slice %arg2[%dma_start3A_287, %dma_start3A_288] : memref<100000x128xf32, #tpu.memory_space<hbm>> -> memref<100000x128xf32, #tpu.memory_space<hbm>>
    tpu.enqueue_indirect_dma source(%dma_start3A_289 : memref<100000x128xf32, #tpu.memory_space<hbm>>) target(%arg8 : memref<128x128xf32, #tpu.memory_space<vmem>>) offsets(%dma_start3A_286 : memref<128xi32, #tpu.memory_space<vmem>>) semaphore(%arg16 : memref<!tpu.dma_semaphore, #tpu.memory_space<semaphore_mem>>)
    %dma_wait3A_290 = arith.constant 0 : i32
    %dma_wait3A_291 = arith.constant 0 : i32
    %dma_wait3A_292 = tpu.memref_slice %arg5[%dma_wait3A_290, %dma_wait3A_291] : memref<4x128xi32, #tpu.memory_space<vmem>> -> memref<1x128xi32, #tpu.memory_space<vmem>>
    %dma_wait3A_293 = tpu.memref_squeeze %dma_wait3A_292 : memref<1x128xi32, #tpu.memory_space<vmem>> -> memref<128xi32, #tpu.memory_space<vmem>>
    %dma_wait3A_294 = arith.constant 0 : i32
    %dma_wait3A_295 = arith.constant 0 : i32
    %dma_wait3A_296 = tpu.memref_slice %arg2[%dma_wait3A_294, %dma_wait3A_295] : memref<100000x128xf32, #tpu.memory_space<hbm>> -> memref<100000x128xf32, #tpu.memory_space<hbm>>
    tpu.wait_indirect_dma semaphore(%arg14 : memref<!tpu.dma_semaphore, #tpu.memory_space<semaphore_mem>>) src(%dma_wait3A_296 : memref<100000x128xf32, #tpu.memory_space<hbm>>) dst(%arg6 : memref<128x128xf32, #tpu.memory_space<vmem>>)
    %add3A_297 = arith.constant 15872 : i32
    %add3A_298 = arith.addi %mul3A_2, %add3A_297 : i32
    %dma_start3A_299 = arith.constant 0 : i32
    %dma_start3A_300 = tpu.memref_slice %arg4[%add3A_298, %dma_start3A_299] : memref<524288x128xf32, #tpu.memory_space<hbm>> -> memref<128x128xf32, #tpu.memory_space<hbm>>
    %dma_start3A_301 = arith.constant 0 : i32
    %dma_start3A_302 = tpu.memref_slice %arg4[%add3A_298, %dma_start3A_301] : memref<524288x128xf32, #tpu.memory_space<hbm>> -> memref<128x128xf32, #tpu.memory_space<hbm>>
    tpu.enqueue_dma source(%arg6 : memref<128x128xf32, #tpu.memory_space<vmem>>) target(%dma_start3A_302 : memref<128x128xf32, #tpu.memory_space<hbm>>) target_semaphore(%arg18 : memref<!tpu.dma_semaphore, #tpu.memory_space<semaphore_mem>>)
    %add3A_303 = arith.constant 15744 : i32
    %add3A_304 = arith.addi %mul3A_2, %add3A_303 : i32
    %dma_wait3A_305 = arith.constant 0 : i32
    %dma_wait3A_306 = tpu.memref_slice %arg4[%add3A_304, %dma_wait3A_305] : memref<524288x128xf32, #tpu.memory_space<hbm>> -> memref<128x128xf32, #tpu.memory_space<hbm>>
    %dma_wait3A_307 = arith.constant 0 : i32
    %dma_wait3A_308 = tpu.memref_slice %arg4[%add3A_304, %dma_wait3A_307] : memref<524288x128xf32, #tpu.memory_space<hbm>> -> memref<128x128xf32, #tpu.memory_space<hbm>>
    tpu.wait_dma2 semaphore(%arg21 : memref<!tpu.dma_semaphore, #tpu.memory_space<semaphore_mem>>) src(%arg9 : memref<128x128xf32, #tpu.memory_space<vmem>>) dst(%dma_wait3A_308 : memref<128x128xf32, #tpu.memory_space<hbm>>)
    %add3A_309 = arith.constant 16256 : i32
    %add3A_310 = arith.addi %mul3A_2, %add3A_309 : i32
    %dma_wait3A_311 = arith.constant 3 : i32
    %dma_wait3A_312 = arith.constant 0 : i32
    %dma_wait3A_313 = tpu.memref_slice %arg5[%dma_wait3A_311, %dma_wait3A_312] : memref<4x128xi32, #tpu.memory_space<vmem>> -> memref<1x128xi32, #tpu.memory_space<vmem>>
    %dma_wait3A_314 = tpu.memref_squeeze %dma_wait3A_313 : memref<1x128xi32, #tpu.memory_space<vmem>> -> memref<128xi32, #tpu.memory_space<vmem>>
    %dma_wait3A_315 = tpu.memref_slice %arg3[%add3A_310] : memref<524288xi32, #tpu.memory_space<hbm>> -> memref<128xi32, #tpu.memory_space<hbm>>
    %dma_wait3A_316 = arith.constant 0 : i32
    %dma_wait3A_317 = tpu.memref_slice %arg5[%dma_wait3A_311, %dma_wait3A_316] : memref<4x128xi32, #tpu.memory_space<vmem>> -> memref<1x128xi32, #tpu.memory_space<vmem>>
    %dma_wait3A_318 = tpu.memref_squeeze %dma_wait3A_317 : memref<1x128xi32, #tpu.memory_space<vmem>> -> memref<128xi32, #tpu.memory_space<vmem>>
    %dma_wait3A_319 = tpu.memref_slice %arg3[%add3A_310] : memref<524288xi32, #tpu.memory_space<hbm>> -> memref<128xi32, #tpu.memory_space<hbm>>
    tpu.wait_dma2 semaphore(%arg13 : memref<!tpu.dma_semaphore, #tpu.memory_space<semaphore_mem>>) src(%dma_wait3A_319 : memref<128xi32, #tpu.memory_space<hbm>>) dst(%dma_wait3A_318 : memref<128xi32, #tpu.memory_space<vmem>>)
    %dma_start3A_320 = arith.constant 3 : i32
    %dma_start3A_321 = arith.constant 0 : i32
    %dma_start3A_322 = tpu.memref_slice %arg5[%dma_start3A_320, %dma_start3A_321] : memref<4x128xi32, #tpu.memory_space<vmem>> -> memref<1x128xi32, #tpu.memory_space<vmem>>
    %dma_start3A_323 = tpu.memref_squeeze %dma_start3A_322 : memref<1x128xi32, #tpu.memory_space<vmem>> -> memref<128xi32, #tpu.memory_space<vmem>>
    %dma_start3A_324 = arith.constant 0 : i32
    %dma_start3A_325 = arith.constant 0 : i32
    %dma_start3A_326 = tpu.memref_slice %arg2[%dma_start3A_324, %dma_start3A_325] : memref<100000x128xf32, #tpu.memory_space<hbm>> -> memref<100000x128xf32, #tpu.memory_space<hbm>>
    tpu.enqueue_indirect_dma source(%dma_start3A_326 : memref<100000x128xf32, #tpu.memory_space<hbm>>) target(%arg9 : memref<128x128xf32, #tpu.memory_space<vmem>>) offsets(%dma_start3A_323 : memref<128xi32, #tpu.memory_space<vmem>>) semaphore(%arg17 : memref<!tpu.dma_semaphore, #tpu.memory_space<semaphore_mem>>)
    %dma_wait3A_327 = arith.constant 1 : i32
    %dma_wait3A_328 = arith.constant 0 : i32
    %dma_wait3A_329 = tpu.memref_slice %arg5[%dma_wait3A_327, %dma_wait3A_328] : memref<4x128xi32, #tpu.memory_space<vmem>> -> memref<1x128xi32, #tpu.memory_space<vmem>>
    %dma_wait3A_330 = tpu.memref_squeeze %dma_wait3A_329 : memref<1x128xi32, #tpu.memory_space<vmem>> -> memref<128xi32, #tpu.memory_space<vmem>>
    %dma_wait3A_331 = arith.constant 0 : i32
    %dma_wait3A_332 = arith.constant 0 : i32
    %dma_wait3A_333 = tpu.memref_slice %arg2[%dma_wait3A_331, %dma_wait3A_332] : memref<100000x128xf32, #tpu.memory_space<hbm>> -> memref<100000x128xf32, #tpu.memory_space<hbm>>
    tpu.wait_indirect_dma semaphore(%arg15 : memref<!tpu.dma_semaphore, #tpu.memory_space<semaphore_mem>>) src(%dma_wait3A_333 : memref<100000x128xf32, #tpu.memory_space<hbm>>) dst(%arg7 : memref<128x128xf32, #tpu.memory_space<vmem>>)
    %add3A_334 = arith.constant 16000 : i32
    %add3A_335 = arith.addi %mul3A_2, %add3A_334 : i32
    %dma_start3A_336 = arith.constant 0 : i32
    %dma_start3A_337 = tpu.memref_slice %arg4[%add3A_335, %dma_start3A_336] : memref<524288x128xf32, #tpu.memory_space<hbm>> -> memref<128x128xf32, #tpu.memory_space<hbm>>
    %dma_start3A_338 = arith.constant 0 : i32
    %dma_start3A_339 = tpu.memref_slice %arg4[%add3A_335, %dma_start3A_338] : memref<524288x128xf32, #tpu.memory_space<hbm>> -> memref<128x128xf32, #tpu.memory_space<hbm>>
    tpu.enqueue_dma source(%arg7 : memref<128x128xf32, #tpu.memory_space<vmem>>) target(%dma_start3A_339 : memref<128x128xf32, #tpu.memory_space<hbm>>) target_semaphore(%arg19 : memref<!tpu.dma_semaphore, #tpu.memory_space<semaphore_mem>>)
    %dma_wait3A_340 = arith.constant 2 : i32
    %dma_wait3A_341 = arith.constant 0 : i32
    %dma_wait3A_342 = tpu.memref_slice %arg5[%dma_wait3A_340, %dma_wait3A_341] : memref<4x128xi32, #tpu.memory_space<vmem>> -> memref<1x128xi32, #tpu.memory_space<vmem>>
    %dma_wait3A_343 = tpu.memref_squeeze %dma_wait3A_342 : memref<1x128xi32, #tpu.memory_space<vmem>> -> memref<128xi32, #tpu.memory_space<vmem>>
    %dma_wait3A_344 = arith.constant 0 : i32
    %dma_wait3A_345 = arith.constant 0 : i32
    %dma_wait3A_346 = tpu.memref_slice %arg2[%dma_wait3A_344, %dma_wait3A_345] : memref<100000x128xf32, #tpu.memory_space<hbm>> -> memref<100000x128xf32, #tpu.memory_space<hbm>>
    tpu.wait_indirect_dma semaphore(%arg16 : memref<!tpu.dma_semaphore, #tpu.memory_space<semaphore_mem>>) src(%dma_wait3A_346 : memref<100000x128xf32, #tpu.memory_space<hbm>>) dst(%arg8 : memref<128x128xf32, #tpu.memory_space<vmem>>)
    %add3A_347 = arith.constant 16128 : i32
    %add3A_348 = arith.addi %mul3A_2, %add3A_347 : i32
    %dma_start3A_349 = arith.constant 0 : i32
    %dma_start3A_350 = tpu.memref_slice %arg4[%add3A_348, %dma_start3A_349] : memref<524288x128xf32, #tpu.memory_space<hbm>> -> memref<128x128xf32, #tpu.memory_space<hbm>>
    %dma_start3A_351 = arith.constant 0 : i32
    %dma_start3A_352 = tpu.memref_slice %arg4[%add3A_348, %dma_start3A_351] : memref<524288x128xf32, #tpu.memory_space<hbm>> -> memref<128x128xf32, #tpu.memory_space<hbm>>
    tpu.enqueue_dma source(%arg8 : memref<128x128xf32, #tpu.memory_space<vmem>>) target(%dma_start3A_352 : memref<128x128xf32, #tpu.memory_space<hbm>>) target_semaphore(%arg20 : memref<!tpu.dma_semaphore, #tpu.memory_space<semaphore_mem>>)
    %dma_wait3A_353 = arith.constant 3 : i32
    %dma_wait3A_354 = arith.constant 0 : i32
    %dma_wait3A_355 = tpu.memref_slice %arg5[%dma_wait3A_353, %dma_wait3A_354] : memref<4x128xi32, #tpu.memory_space<vmem>> -> memref<1x128xi32, #tpu.memory_space<vmem>>
    %dma_wait3A_356 = tpu.memref_squeeze %dma_wait3A_355 : memref<1x128xi32, #tpu.memory_space<vmem>> -> memref<128xi32, #tpu.memory_space<vmem>>
    %dma_wait3A_357 = arith.constant 0 : i32
    %dma_wait3A_358 = arith.constant 0 : i32
    %dma_wait3A_359 = tpu.memref_slice %arg2[%dma_wait3A_357, %dma_wait3A_358] : memref<100000x128xf32, #tpu.memory_space<hbm>> -> memref<100000x128xf32, #tpu.memory_space<hbm>>
    tpu.wait_indirect_dma semaphore(%arg17 : memref<!tpu.dma_semaphore, #tpu.memory_space<semaphore_mem>>) src(%dma_wait3A_359 : memref<100000x128xf32, #tpu.memory_space<hbm>>) dst(%arg9 : memref<128x128xf32, #tpu.memory_space<vmem>>)
    %add3A_360 = arith.constant 16256 : i32
    %add3A_361 = arith.addi %mul3A_2, %add3A_360 : i32
    %dma_start3A_362 = arith.constant 0 : i32
    %dma_start3A_363 = tpu.memref_slice %arg4[%add3A_361, %dma_start3A_362] : memref<524288x128xf32, #tpu.memory_space<hbm>> -> memref<128x128xf32, #tpu.memory_space<hbm>>
    %dma_start3A_364 = arith.constant 0 : i32
    %dma_start3A_365 = tpu.memref_slice %arg4[%add3A_361, %dma_start3A_364] : memref<524288x128xf32, #tpu.memory_space<hbm>> -> memref<128x128xf32, #tpu.memory_space<hbm>>
    tpu.enqueue_dma source(%arg9 : memref<128x128xf32, #tpu.memory_space<vmem>>) target(%dma_start3A_365 : memref<128x128xf32, #tpu.memory_space<hbm>>) target_semaphore(%arg21 : memref<!tpu.dma_semaphore, #tpu.memory_space<semaphore_mem>>)
    %add3A_366 = arith.constant 15872 : i32
    %add3A_367 = arith.addi %mul3A_2, %add3A_366 : i32
    %dma_wait3A_368 = arith.constant 0 : i32
    %dma_wait3A_369 = tpu.memref_slice %arg4[%add3A_367, %dma_wait3A_368] : memref<524288x128xf32, #tpu.memory_space<hbm>> -> memref<128x128xf32, #tpu.memory_space<hbm>>
    %dma_wait3A_370 = arith.constant 0 : i32
    %dma_wait3A_371 = tpu.memref_slice %arg4[%add3A_367, %dma_wait3A_370] : memref<524288x128xf32, #tpu.memory_space<hbm>> -> memref<128x128xf32, #tpu.memory_space<hbm>>
    tpu.wait_dma2 semaphore(%arg18 : memref<!tpu.dma_semaphore, #tpu.memory_space<semaphore_mem>>) src(%arg6 : memref<128x128xf32, #tpu.memory_space<vmem>>) dst(%dma_wait3A_371 : memref<128x128xf32, #tpu.memory_space<hbm>>)
    %add3A_372 = arith.constant 16000 : i32
    %add3A_373 = arith.addi %mul3A_2, %add3A_372 : i32
    %dma_wait3A_374 = arith.constant 0 : i32
    %dma_wait3A_375 = tpu.memref_slice %arg4[%add3A_373, %dma_wait3A_374] : memref<524288x128xf32, #tpu.memory_space<hbm>> -> memref<128x128xf32, #tpu.memory_space<hbm>>
    %dma_wait3A_376 = arith.constant 0 : i32
    %dma_wait3A_377 = tpu.memref_slice %arg4[%add3A_373, %dma_wait3A_376] : memref<524288x128xf32, #tpu.memory_space<hbm>> -> memref<128x128xf32, #tpu.memory_space<hbm>>
    tpu.wait_dma2 semaphore(%arg19 : memref<!tpu.dma_semaphore, #tpu.memory_space<semaphore_mem>>) src(%arg7 : memref<128x128xf32, #tpu.memory_space<vmem>>) dst(%dma_wait3A_377 : memref<128x128xf32, #tpu.memory_space<hbm>>)
    %add3A_378 = arith.constant 16128 : i32
    %add3A_379 = arith.addi %mul3A_2, %add3A_378 : i32
    %dma_wait3A_380 = arith.constant 0 : i32
    %dma_wait3A_381 = tpu.memref_slice %arg4[%add3A_379, %dma_wait3A_380] : memref<524288x128xf32, #tpu.memory_space<hbm>> -> memref<128x128xf32, #tpu.memory_space<hbm>>
    %dma_wait3A_382 = arith.constant 0 : i32
    %dma_wait3A_383 = tpu.memref_slice %arg4[%add3A_379, %dma_wait3A_382] : memref<524288x128xf32, #tpu.memory_space<hbm>> -> memref<128x128xf32, #tpu.memory_space<hbm>>
    tpu.wait_dma2 semaphore(%arg20 : memref<!tpu.dma_semaphore, #tpu.memory_space<semaphore_mem>>) src(%arg8 : memref<128x128xf32, #tpu.memory_space<vmem>>) dst(%dma_wait3A_383 : memref<128x128xf32, #tpu.memory_space<hbm>>)
    %add3A_384 = arith.constant 16256 : i32
    %add3A_385 = arith.addi %mul3A_2, %add3A_384 : i32
    %dma_wait3A_386 = arith.constant 0 : i32
    %dma_wait3A_387 = tpu.memref_slice %arg4[%add3A_385, %dma_wait3A_386] : memref<524288x128xf32, #tpu.memory_space<hbm>> -> memref<128x128xf32, #tpu.memory_space<hbm>>
    %dma_wait3A_388 = arith.constant 0 : i32
    %dma_wait3A_389 = tpu.memref_slice %arg4[%add3A_385, %dma_wait3A_388] : memref<524288x128xf32, #tpu.memory_space<hbm>> -> memref<128x128xf32, #tpu.memory_space<hbm>>
    tpu.wait_dma2 semaphore(%arg21 : memref<!tpu.dma_semaphore, #tpu.memory_space<semaphore_mem>>) src(%arg9 : memref<128x128xf32, #tpu.memory_space<vmem>>) dst(%dma_wait3A_389 : memref<128x128xf32, #tpu.memory_space<hbm>>)
    return
  }
}

#map = affine_map<(d0, d1) -> (0, 0)>
#map1 = affine_map<(d0, d1) -> (0)>
module attributes {stable_mosaic.version = 14 : i64} {
  func.func @k(%arg0: i32, %arg1: i32, %arg2: memref<100000x128xf32, #tpu.memory_space<hbm>>, %arg3: memref<131072xi32, #tpu.memory_space<hbm>>, %arg4: memref<2048x128xf32, #tpu.memory_space<hbm>>, %arg5: memref<2x128xi32, #tpu.memory_space<vmem>>, %arg6: memref<128x128xf32, #tpu.memory_space<vmem>>, %arg7: memref<128x128xf32, #tpu.memory_space<vmem>>, %arg8: memref<64x128xf32, #tpu.memory_space<vmem>>, %arg9: memref<!tpu.dma_semaphore, #tpu.memory_space<semaphore_mem>>, %arg10: memref<!tpu.dma_semaphore, #tpu.memory_space<semaphore_mem>>, %arg11: memref<!tpu.dma_semaphore, #tpu.memory_space<semaphore_mem>>, %arg12: memref<!tpu.dma_semaphore, #tpu.memory_space<semaphore_mem>>) attributes {dimension_semantics = [#tpu.dimension_semantics<core_parallel>, #tpu.dimension_semantics<subcore_parallel>], iteration_bounds = array<i64: 2, 16>, scalar_prefetch = 0 : i64, scratch_operands = 8 : i64, tpu.core_type = #tpu.core_type<sc_vector_subcore>, window_params = [{transform_indices = #map}, {transform_indices = #map1}, {transform_indices = #map}]} {
    %mul3A = arith.constant 2 : i32
    %mul3A_0 = arith.muli %arg1, %mul3A : i32
    %add3A = arith.addi %mul3A_0, %arg0 : i32
    %mul3A_1 = arith.constant 4096 : i32
    %mul3A_2 = arith.muli %add3A, %mul3A_1 : i32
    %add3A_3 = arith.constant 0 : i32
    %add3A_4 = arith.addi %mul3A_2, %add3A_3 : i32
    %dma_start3A = arith.constant 0 : i32
    %dma_start3A_5 = arith.constant 0 : i32
    %dma_start3A_6 = tpu.memref_slice %arg5[%dma_start3A, %dma_start3A_5] : memref<2x128xi32, #tpu.memory_space<vmem>> -> memref<1x128xi32, #tpu.memory_space<vmem>>
    %dma_start3A_7 = tpu.memref_squeeze %dma_start3A_6 : memref<1x128xi32, #tpu.memory_space<vmem>> -> memref<128xi32, #tpu.memory_space<vmem>>
    %dma_start3A_8 = tpu.memref_slice %arg3[%add3A_4] : memref<131072xi32, #tpu.memory_space<hbm>> -> memref<128xi32, #tpu.memory_space<hbm>>
    %dma_start3A_9 = arith.constant 0 : i32
    %dma_start3A_10 = tpu.memref_slice %arg5[%dma_start3A, %dma_start3A_9] : memref<2x128xi32, #tpu.memory_space<vmem>> -> memref<1x128xi32, #tpu.memory_space<vmem>>
    %dma_start3A_11 = tpu.memref_squeeze %dma_start3A_10 : memref<1x128xi32, #tpu.memory_space<vmem>> -> memref<128xi32, #tpu.memory_space<vmem>>
    %dma_start3A_12 = tpu.memref_slice %arg3[%add3A_4] : memref<131072xi32, #tpu.memory_space<hbm>> -> memref<128xi32, #tpu.memory_space<hbm>>
    tpu.enqueue_dma source(%dma_start3A_12 : memref<128xi32, #tpu.memory_space<hbm>>) target(%dma_start3A_11 : memref<128xi32, #tpu.memory_space<vmem>>) target_semaphore(%arg9 : memref<!tpu.dma_semaphore, #tpu.memory_space<semaphore_mem>>)
    %add3A_13 = arith.constant 128 : i32
    %add3A_14 = arith.addi %mul3A_2, %add3A_13 : i32
    %dma_start3A_15 = arith.constant 1 : i32
    %dma_start3A_16 = arith.constant 0 : i32
    %dma_start3A_17 = tpu.memref_slice %arg5[%dma_start3A_15, %dma_start3A_16] : memref<2x128xi32, #tpu.memory_space<vmem>> -> memref<1x128xi32, #tpu.memory_space<vmem>>
    %dma_start3A_18 = tpu.memref_squeeze %dma_start3A_17 : memref<1x128xi32, #tpu.memory_space<vmem>> -> memref<128xi32, #tpu.memory_space<vmem>>
    %dma_start3A_19 = tpu.memref_slice %arg3[%add3A_14] : memref<131072xi32, #tpu.memory_space<hbm>> -> memref<128xi32, #tpu.memory_space<hbm>>
    %dma_start3A_20 = arith.constant 0 : i32
    %dma_start3A_21 = tpu.memref_slice %arg5[%dma_start3A_15, %dma_start3A_20] : memref<2x128xi32, #tpu.memory_space<vmem>> -> memref<1x128xi32, #tpu.memory_space<vmem>>
    %dma_start3A_22 = tpu.memref_squeeze %dma_start3A_21 : memref<1x128xi32, #tpu.memory_space<vmem>> -> memref<128xi32, #tpu.memory_space<vmem>>
    %dma_start3A_23 = tpu.memref_slice %arg3[%add3A_14] : memref<131072xi32, #tpu.memory_space<hbm>> -> memref<128xi32, #tpu.memory_space<hbm>>
    tpu.enqueue_dma source(%dma_start3A_23 : memref<128xi32, #tpu.memory_space<hbm>>) target(%dma_start3A_22 : memref<128xi32, #tpu.memory_space<vmem>>) target_semaphore(%arg10 : memref<!tpu.dma_semaphore, #tpu.memory_space<semaphore_mem>>)
    %add3A_24 = arith.constant 0 : i32
    %add3A_25 = arith.addi %mul3A_2, %add3A_24 : i32
    %dma_wait3A = arith.constant 0 : i32
    %dma_wait3A_26 = arith.constant 0 : i32
    %dma_wait3A_27 = tpu.memref_slice %arg5[%dma_wait3A, %dma_wait3A_26] : memref<2x128xi32, #tpu.memory_space<vmem>> -> memref<1x128xi32, #tpu.memory_space<vmem>>
    %dma_wait3A_28 = tpu.memref_squeeze %dma_wait3A_27 : memref<1x128xi32, #tpu.memory_space<vmem>> -> memref<128xi32, #tpu.memory_space<vmem>>
    %dma_wait3A_29 = tpu.memref_slice %arg3[%add3A_25] : memref<131072xi32, #tpu.memory_space<hbm>> -> memref<128xi32, #tpu.memory_space<hbm>>
    %dma_wait3A_30 = arith.constant 0 : i32
    %dma_wait3A_31 = tpu.memref_slice %arg5[%dma_wait3A, %dma_wait3A_30] : memref<2x128xi32, #tpu.memory_space<vmem>> -> memref<1x128xi32, #tpu.memory_space<vmem>>
    %dma_wait3A_32 = tpu.memref_squeeze %dma_wait3A_31 : memref<1x128xi32, #tpu.memory_space<vmem>> -> memref<128xi32, #tpu.memory_space<vmem>>
    %dma_wait3A_33 = tpu.memref_slice %arg3[%add3A_25] : memref<131072xi32, #tpu.memory_space<hbm>> -> memref<128xi32, #tpu.memory_space<hbm>>
    tpu.wait_dma2 semaphore(%arg9 : memref<!tpu.dma_semaphore, #tpu.memory_space<semaphore_mem>>) src(%dma_wait3A_33 : memref<128xi32, #tpu.memory_space<hbm>>) dst(%dma_wait3A_32 : memref<128xi32, #tpu.memory_space<vmem>>)
    %dma_start3A_34 = arith.constant 0 : i32
    %dma_start3A_35 = arith.constant 0 : i32
    %dma_start3A_36 = tpu.memref_slice %arg5[%dma_start3A_34, %dma_start3A_35] : memref<2x128xi32, #tpu.memory_space<vmem>> -> memref<1x128xi32, #tpu.memory_space<vmem>>
    %dma_start3A_37 = tpu.memref_squeeze %dma_start3A_36 : memref<1x128xi32, #tpu.memory_space<vmem>> -> memref<128xi32, #tpu.memory_space<vmem>>
    %dma_start3A_38 = arith.constant 0 : i32
    %dma_start3A_39 = arith.constant 0 : i32
    %dma_start3A_40 = tpu.memref_slice %arg2[%dma_start3A_38, %dma_start3A_39] : memref<100000x128xf32, #tpu.memory_space<hbm>> -> memref<100000x128xf32, #tpu.memory_space<hbm>>
    tpu.enqueue_indirect_dma source(%dma_start3A_40 : memref<100000x128xf32, #tpu.memory_space<hbm>>) target(%arg6 : memref<128x128xf32, #tpu.memory_space<vmem>>) offsets(%dma_start3A_37 : memref<128xi32, #tpu.memory_space<vmem>>) semaphore(%arg11 : memref<!tpu.dma_semaphore, #tpu.memory_space<semaphore_mem>>)
    %scan3A = arith.constant 0 : i32
    %scan3A_41 = arith.constant 0 : i32
    %scan3A_42 = arith.constant 16 : i32
    %scan3A_43 = arith.addi %scan3A_41, %scan3A_42 : i32
    %scan3A_44 = arith.constant 1 : i32
    scf.for %scan3A_50 = %scan3A_41 to %scan3A_43 step %scan3A_44  : i32 {
      %mul3A_51 = arith.constant 2 : i32
      %mul3A_52 = arith.muli %mul3A_51, %scan3A_50 : i32
      %add3A_53 = arith.constant 1 : i32
      %add3A_54 = arith.addi %mul3A_52, %add3A_53 : i32
      %mul3A_55 = arith.constant 128 : i32
      %mul3A_56 = arith.muli %add3A_54, %mul3A_55 : i32
      %add3A_57 = arith.addi %mul3A_2, %mul3A_56 : i32
      %dma_wait3A_58 = arith.constant 1 : i32
      %dma_wait3A_59 = arith.constant 0 : i32
      %dma_wait3A_60 = tpu.memref_slice %arg5[%dma_wait3A_58, %dma_wait3A_59] : memref<2x128xi32, #tpu.memory_space<vmem>> -> memref<1x128xi32, #tpu.memory_space<vmem>>
      %dma_wait3A_61 = tpu.memref_squeeze %dma_wait3A_60 : memref<1x128xi32, #tpu.memory_space<vmem>> -> memref<128xi32, #tpu.memory_space<vmem>>
      %dma_wait3A_62 = tpu.memref_slice %arg3[%add3A_57] : memref<131072xi32, #tpu.memory_space<hbm>> -> memref<128xi32, #tpu.memory_space<hbm>>
      %dma_wait3A_63 = arith.constant 0 : i32
      %dma_wait3A_64 = tpu.memref_slice %arg5[%dma_wait3A_58, %dma_wait3A_63] : memref<2x128xi32, #tpu.memory_space<vmem>> -> memref<1x128xi32, #tpu.memory_space<vmem>>
      %dma_wait3A_65 = tpu.memref_squeeze %dma_wait3A_64 : memref<1x128xi32, #tpu.memory_space<vmem>> -> memref<128xi32, #tpu.memory_space<vmem>>
      %dma_wait3A_66 = tpu.memref_slice %arg3[%add3A_57] : memref<131072xi32, #tpu.memory_space<hbm>> -> memref<128xi32, #tpu.memory_space<hbm>>
      tpu.wait_dma2 semaphore(%arg10 : memref<!tpu.dma_semaphore, #tpu.memory_space<semaphore_mem>>) src(%dma_wait3A_66 : memref<128xi32, #tpu.memory_space<hbm>>) dst(%dma_wait3A_65 : memref<128xi32, #tpu.memory_space<vmem>>)
      %dma_start3A_67 = arith.constant 1 : i32
      %dma_start3A_68 = arith.constant 0 : i32
      %dma_start3A_69 = tpu.memref_slice %arg5[%dma_start3A_67, %dma_start3A_68] : memref<2x128xi32, #tpu.memory_space<vmem>> -> memref<1x128xi32, #tpu.memory_space<vmem>>
      %dma_start3A_70 = tpu.memref_squeeze %dma_start3A_69 : memref<1x128xi32, #tpu.memory_space<vmem>> -> memref<128xi32, #tpu.memory_space<vmem>>
      %dma_start3A_71 = arith.constant 0 : i32
      %dma_start3A_72 = arith.constant 0 : i32
      %dma_start3A_73 = tpu.memref_slice %arg2[%dma_start3A_71, %dma_start3A_72] : memref<100000x128xf32, #tpu.memory_space<hbm>> -> memref<100000x128xf32, #tpu.memory_space<hbm>>
      tpu.enqueue_indirect_dma source(%dma_start3A_73 : memref<100000x128xf32, #tpu.memory_space<hbm>>) target(%arg7 : memref<128x128xf32, #tpu.memory_space<vmem>>) offsets(%dma_start3A_70 : memref<128xi32, #tpu.memory_space<vmem>>) semaphore(%arg12 : memref<!tpu.dma_semaphore, #tpu.memory_space<semaphore_mem>>)
      %dma_wait3A_74 = arith.constant 0 : i32
      %dma_wait3A_75 = arith.constant 0 : i32
      %dma_wait3A_76 = tpu.memref_slice %arg5[%dma_wait3A_74, %dma_wait3A_75] : memref<2x128xi32, #tpu.memory_space<vmem>> -> memref<1x128xi32, #tpu.memory_space<vmem>>
      %dma_wait3A_77 = tpu.memref_squeeze %dma_wait3A_76 : memref<1x128xi32, #tpu.memory_space<vmem>> -> memref<128xi32, #tpu.memory_space<vmem>>
      %dma_wait3A_78 = arith.constant 0 : i32
      %dma_wait3A_79 = arith.constant 0 : i32
      %dma_wait3A_80 = tpu.memref_slice %arg2[%dma_wait3A_78, %dma_wait3A_79] : memref<100000x128xf32, #tpu.memory_space<hbm>> -> memref<100000x128xf32, #tpu.memory_space<hbm>>
      tpu.wait_indirect_dma semaphore(%arg11 : memref<!tpu.dma_semaphore, #tpu.memory_space<semaphore_mem>>) src(%dma_wait3A_80 : memref<100000x128xf32, #tpu.memory_space<hbm>>) dst(%arg6 : memref<128x128xf32, #tpu.memory_space<vmem>>)
      %lt3A = arith.constant 15 : i32
      %lt3A_81 = arith.cmpi slt, %scan3A_50, %lt3A : i32
      %convert_element_type3A = arith.extui %lt3A_81 : i1 to i32
      %cond3A = arith.constant 0 : i32
      %cond3A_82 = arith.cmpi ne, %convert_element_type3A, %cond3A : i32
      scf.if %cond3A_82 {
        %add3A_510 = arith.constant 2 : i32
        %add3A_511 = arith.addi %mul3A_52, %add3A_510 : i32
        %mul3A_512 = arith.constant 128 : i32
        %mul3A_513 = arith.muli %add3A_511, %mul3A_512 : i32
        %add3A_514 = arith.addi %mul3A_2, %mul3A_513 : i32
        %dma_start3A_515 = arith.constant 0 : i32
        %dma_start3A_516 = arith.constant 0 : i32
        %dma_start3A_517 = tpu.memref_slice %arg5[%dma_start3A_515, %dma_start3A_516] : memref<2x128xi32, #tpu.memory_space<vmem>> -> memref<1x128xi32, #tpu.memory_space<vmem>>
        %dma_start3A_518 = tpu.memref_squeeze %dma_start3A_517 : memref<1x128xi32, #tpu.memory_space<vmem>> -> memref<128xi32, #tpu.memory_space<vmem>>
        %dma_start3A_519 = tpu.memref_slice %arg3[%add3A_514] : memref<131072xi32, #tpu.memory_space<hbm>> -> memref<128xi32, #tpu.memory_space<hbm>>
        %dma_start3A_520 = arith.constant 0 : i32
        %dma_start3A_521 = tpu.memref_slice %arg5[%dma_start3A_515, %dma_start3A_520] : memref<2x128xi32, #tpu.memory_space<vmem>> -> memref<1x128xi32, #tpu.memory_space<vmem>>
        %dma_start3A_522 = tpu.memref_squeeze %dma_start3A_521 : memref<1x128xi32, #tpu.memory_space<vmem>> -> memref<128xi32, #tpu.memory_space<vmem>>
        %dma_start3A_523 = tpu.memref_slice %arg3[%add3A_514] : memref<131072xi32, #tpu.memory_space<hbm>> -> memref<128xi32, #tpu.memory_space<hbm>>
        tpu.enqueue_dma source(%dma_start3A_523 : memref<128xi32, #tpu.memory_space<hbm>>) target(%dma_start3A_522 : memref<128xi32, #tpu.memory_space<vmem>>) target_semaphore(%arg9 : memref<!tpu.dma_semaphore, #tpu.memory_space<semaphore_mem>>)
      } else {
      }
      %mul3A_83 = arith.constant 2 : i32
      %mul3A_84 = arith.muli %mul3A_83, %mul3A_52 : i32
      %broadcast_in_dim3A = arith.constant 0.000000e+00 : f32
      %broadcast_in_dim3A_85 = vector.broadcast %broadcast_in_dim3A : f32 to vector<16xf32>
      %broadcast_in_dim3A_86 = arith.constant 0.000000e+00 : f32
      %broadcast_in_dim3A_87 = vector.broadcast %broadcast_in_dim3A_86 : f32 to vector<16xf32>
      %broadcast_in_dim3A_88 = arith.constant 0.000000e+00 : f32
      %broadcast_in_dim3A_89 = vector.broadcast %broadcast_in_dim3A_88 : f32 to vector<16xf32>
      %broadcast_in_dim3A_90 = arith.constant 0.000000e+00 : f32
      %broadcast_in_dim3A_91 = vector.broadcast %broadcast_in_dim3A_90 : f32 to vector<16xf32>
      %broadcast_in_dim3A_92 = arith.constant 0.000000e+00 : f32
      %broadcast_in_dim3A_93 = vector.broadcast %broadcast_in_dim3A_92 : f32 to vector<16xf32>
      %broadcast_in_dim3A_94 = arith.constant 0.000000e+00 : f32
      %broadcast_in_dim3A_95 = vector.broadcast %broadcast_in_dim3A_94 : f32 to vector<16xf32>
      %broadcast_in_dim3A_96 = arith.constant 0.000000e+00 : f32
      %broadcast_in_dim3A_97 = vector.broadcast %broadcast_in_dim3A_96 : f32 to vector<16xf32>
      %broadcast_in_dim3A_98 = arith.constant 0.000000e+00 : f32
      %broadcast_in_dim3A_99 = vector.broadcast %broadcast_in_dim3A_98 : f32 to vector<16xf32>
      %scan3A_100 = arith.constant 0 : i32
      %scan3A_101 = arith.constant 64 : i32
      %scan3A_102 = arith.addi %scan3A_100, %scan3A_101 : i32
      %scan3A_103 = arith.constant 1 : i32
      %scan3A_104:8 = scf.for %scan3A_510 = %scan3A_100 to %scan3A_102 step %scan3A_103 iter_args(%scan3A_511 = %broadcast_in_dim3A_85, %scan3A_512 = %broadcast_in_dim3A_87, %scan3A_513 = %broadcast_in_dim3A_89, %scan3A_514 = %broadcast_in_dim3A_91, %scan3A_515 = %broadcast_in_dim3A_93, %scan3A_516 = %broadcast_in_dim3A_95, %scan3A_517 = %broadcast_in_dim3A_97, %scan3A_518 = %broadcast_in_dim3A_99) -> (vector<16xf32>, vector<16xf32>, vector<16xf32>, vector<16xf32>, vector<16xf32>, vector<16xf32>, vector<16xf32>, vector<16xf32>)  : i32 {
        %add3A_519 = arith.constant 0 : i32
        %add3A_520 = arith.addi %add3A_519, %scan3A_510 : i32
        %get3A = arith.index_cast %add3A_520 : i32 to index
        %get3A_521 = arith.constant 0 : index
        %get3A_522 = tpu.vector_load %arg6[%get3A, %get3A_521] {strides = array<i32>} : memref<128x128xf32, #tpu.memory_space<vmem>>, vector<1x16xf32>,
        %get3A_523 = vector.shape_cast %get3A_522 : vector<1x16xf32> to vector<16xf32>
        %add3A_524 = arith.addf %scan3A_511, %get3A_523 : vector<16xf32>
        %add3A_525 = arith.constant 0 : i32
        %add3A_526 = arith.addi %add3A_525, %scan3A_510 : i32
        %get3A_527 = arith.index_cast %add3A_526 : i32 to index
        %get3A_528 = arith.constant 16 : index
        %get3A_529 = tpu.vector_load %arg6[%get3A_527, %get3A_528] {strides = array<i32>} : memref<128x128xf32, #tpu.memory_space<vmem>>, vector<1x16xf32>,
        %get3A_530 = vector.shape_cast %get3A_529 : vector<1x16xf32> to vector<16xf32>
        %add3A_531 = arith.addf %scan3A_512, %get3A_530 : vector<16xf32>
        %add3A_532 = arith.constant 0 : i32
        %add3A_533 = arith.addi %add3A_532, %scan3A_510 : i32
        %get3A_534 = arith.index_cast %add3A_533 : i32 to index
        %get3A_535 = arith.constant 32 : index
        %get3A_536 = tpu.vector_load %arg6[%get3A_534, %get3A_535] {strides = array<i32>} : memref<128x128xf32, #tpu.memory_space<vmem>>, vector<1x16xf32>,
        %get3A_537 = vector.shape_cast %get3A_536 : vector<1x16xf32> to vector<16xf32>
        %add3A_538 = arith.addf %scan3A_513, %get3A_537 : vector<16xf32>
        %add3A_539 = arith.constant 0 : i32
        %add3A_540 = arith.addi %add3A_539, %scan3A_510 : i32
        %get3A_541 = arith.index_cast %add3A_540 : i32 to index
        %get3A_542 = arith.constant 48 : index
        %get3A_543 = tpu.vector_load %arg6[%get3A_541, %get3A_542] {strides = array<i32>} : memref<128x128xf32, #tpu.memory_space<vmem>>, vector<1x16xf32>,
        %get3A_544 = vector.shape_cast %get3A_543 : vector<1x16xf32> to vector<16xf32>
        %add3A_545 = arith.addf %scan3A_514, %get3A_544 : vector<16xf32>
        %add3A_546 = arith.constant 0 : i32
        %add3A_547 = arith.addi %add3A_546, %scan3A_510 : i32
        %get3A_548 = arith.index_cast %add3A_547 : i32 to index
        %get3A_549 = arith.constant 64 : index
        %get3A_550 = tpu.vector_load %arg6[%get3A_548, %get3A_549] {strides = array<i32>} : memref<128x128xf32, #tpu.memory_space<vmem>>, vector<1x16xf32>,
        %get3A_551 = vector.shape_cast %get3A_550 : vector<1x16xf32> to vector<16xf32>
        %add3A_552 = arith.addf %scan3A_515, %get3A_551 : vector<16xf32>
        %add3A_553 = arith.constant 0 : i32
        %add3A_554 = arith.addi %add3A_553, %scan3A_510 : i32
        %get3A_555 = arith.index_cast %add3A_554 : i32 to index
        %get3A_556 = arith.constant 80 : index
        %get3A_557 = tpu.vector_load %arg6[%get3A_555, %get3A_556] {strides = array<i32>} : memref<128x128xf32, #tpu.memory_space<vmem>>, vector<1x16xf32>,
        %get3A_558 = vector.shape_cast %get3A_557 : vector<1x16xf32> to vector<16xf32>
        %add3A_559 = arith.addf %scan3A_516, %get3A_558 : vector<16xf32>
        %add3A_560 = arith.constant 0 : i32
        %add3A_561 = arith.addi %add3A_560, %scan3A_510 : i32
        %get3A_562 = arith.index_cast %add3A_561 : i32 to index
        %get3A_563 = arith.constant 96 : index
        %get3A_564 = tpu.vector_load %arg6[%get3A_562, %get3A_563] {strides = array<i32>} : memref<128x128xf32, #tpu.memory_space<vmem>>, vector<1x16xf32>,
        %get3A_565 = vector.shape_cast %get3A_564 : vector<1x16xf32> to vector<16xf32>
        %add3A_566 = arith.addf %scan3A_517, %get3A_565 : vector<16xf32>
        %add3A_567 = arith.constant 0 : i32
        %add3A_568 = arith.addi %add3A_567, %scan3A_510 : i32
        %get3A_569 = arith.index_cast %add3A_568 : i32 to index
        %get3A_570 = arith.constant 112 : index
        %get3A_571 = tpu.vector_load %arg6[%get3A_569, %get3A_570] {strides = array<i32>} : memref<128x128xf32, #tpu.memory_space<vmem>>, vector<1x16xf32>,
        %get3A_572 = vector.shape_cast %get3A_571 : vector<1x16xf32> to vector<16xf32>
        %add3A_573 = arith.addf %scan3A_518, %get3A_572 : vector<16xf32>
        scf.yield %add3A_524, %add3A_531, %add3A_538, %add3A_545, %add3A_552, %add3A_559, %add3A_566, %add3A_573 : vector<16xf32>, vector<16xf32>, vector<16xf32>, vector<16xf32>, vector<16xf32>, vector<16xf32>, vector<16xf32>, vector<16xf32>
      }
      %scan3A_105 = arith.constant 64 : i32
      %mul3A_106 = arith.constant 1.562500e-02 : f32
      %mul3A_107 = vector.broadcast %mul3A_106 : f32 to vector<16xf32>
      %mul3A_108 = arith.mulf %scan3A_104#0, %mul3A_107 : vector<16xf32>
      %add3A_109 = arith.constant 0 : i32
      %add3A_110 = arith.addi %mul3A_84, %add3A_109 : i32
      %swap3A = arith.index_cast %add3A_110 : i32 to index
      %swap3A_111 = arith.constant 0 : index
      %swap3A_112 = tpu.vector_load %arg8[%swap3A, %swap3A_111] {strides = array<i32>} : memref<64x128xf32, #tpu.memory_space<vmem>>, vector<1x16xf32>,
      %swap3A_113 = vector.shape_cast %swap3A_112 : vector<1x16xf32> to vector<16xf32>
      %swap3A_114 = vector.shape_cast %mul3A_108 : vector<16xf32> to vector<1x16xf32>
      tpu.vector_store %arg8[%swap3A, %swap3A_111], %swap3A_114 {strides = array<i32>} : memref<64x128xf32, #tpu.memory_space<vmem>>, vector<1x16xf32>,
      %mul3A_115 = arith.constant 1.562500e-02 : f32
      %mul3A_116 = vector.broadcast %mul3A_115 : f32 to vector<16xf32>
      %mul3A_117 = arith.mulf %scan3A_104#1, %mul3A_116 : vector<16xf32>
      %add3A_118 = arith.constant 0 : i32
      %add3A_119 = arith.addi %mul3A_84, %add3A_118 : i32
      %swap3A_120 = arith.index_cast %add3A_119 : i32 to index
      %swap3A_121 = arith.constant 16 : index
      %swap3A_122 = tpu.vector_load %arg8[%swap3A_120, %swap3A_121] {strides = array<i32>} : memref<64x128xf32, #tpu.memory_space<vmem>>, vector<1x16xf32>,
      %swap3A_123 = vector.shape_cast %swap3A_122 : vector<1x16xf32> to vector<16xf32>
      %swap3A_124 = vector.shape_cast %mul3A_117 : vector<16xf32> to vector<1x16xf32>
      tpu.vector_store %arg8[%swap3A_120, %swap3A_121], %swap3A_124 {strides = array<i32>} : memref<64x128xf32, #tpu.memory_space<vmem>>, vector<1x16xf32>,
      %mul3A_125 = arith.constant 1.562500e-02 : f32
      %mul3A_126 = vector.broadcast %mul3A_125 : f32 to vector<16xf32>
      %mul3A_127 = arith.mulf %scan3A_104#2, %mul3A_126 : vector<16xf32>
      %add3A_128 = arith.constant 0 : i32
      %add3A_129 = arith.addi %mul3A_84, %add3A_128 : i32
      %swap3A_130 = arith.index_cast %add3A_129 : i32 to index
      %swap3A_131 = arith.constant 32 : index
      %swap3A_132 = tpu.vector_load %arg8[%swap3A_130, %swap3A_131] {strides = array<i32>} : memref<64x128xf32, #tpu.memory_space<vmem>>, vector<1x16xf32>,
      %swap3A_133 = vector.shape_cast %swap3A_132 : vector<1x16xf32> to vector<16xf32>
      %swap3A_134 = vector.shape_cast %mul3A_127 : vector<16xf32> to vector<1x16xf32>
      tpu.vector_store %arg8[%swap3A_130, %swap3A_131], %swap3A_134 {strides = array<i32>} : memref<64x128xf32, #tpu.memory_space<vmem>>, vector<1x16xf32>,
      %mul3A_135 = arith.constant 1.562500e-02 : f32
      %mul3A_136 = vector.broadcast %mul3A_135 : f32 to vector<16xf32>
      %mul3A_137 = arith.mulf %scan3A_104#3, %mul3A_136 : vector<16xf32>
      %add3A_138 = arith.constant 0 : i32
      %add3A_139 = arith.addi %mul3A_84, %add3A_138 : i32
      %swap3A_140 = arith.index_cast %add3A_139 : i32 to index
      %swap3A_141 = arith.constant 48 : index
      %swap3A_142 = tpu.vector_load %arg8[%swap3A_140, %swap3A_141] {strides = array<i32>} : memref<64x128xf32, #tpu.memory_space<vmem>>, vector<1x16xf32>,
      %swap3A_143 = vector.shape_cast %swap3A_142 : vector<1x16xf32> to vector<16xf32>
      %swap3A_144 = vector.shape_cast %mul3A_137 : vector<16xf32> to vector<1x16xf32>
      tpu.vector_store %arg8[%swap3A_140, %swap3A_141], %swap3A_144 {strides = array<i32>} : memref<64x128xf32, #tpu.memory_space<vmem>>, vector<1x16xf32>,
      %mul3A_145 = arith.constant 1.562500e-02 : f32
      %mul3A_146 = vector.broadcast %mul3A_145 : f32 to vector<16xf32>
      %mul3A_147 = arith.mulf %scan3A_104#4, %mul3A_146 : vector<16xf32>
      %add3A_148 = arith.constant 0 : i32
      %add3A_149 = arith.addi %mul3A_84, %add3A_148 : i32
      %swap3A_150 = arith.index_cast %add3A_149 : i32 to index
      %swap3A_151 = arith.constant 64 : index
      %swap3A_152 = tpu.vector_load %arg8[%swap3A_150, %swap3A_151] {strides = array<i32>} : memref<64x128xf32, #tpu.memory_space<vmem>>, vector<1x16xf32>,
      %swap3A_153 = vector.shape_cast %swap3A_152 : vector<1x16xf32> to vector<16xf32>
      %swap3A_154 = vector.shape_cast %mul3A_147 : vector<16xf32> to vector<1x16xf32>
      tpu.vector_store %arg8[%swap3A_150, %swap3A_151], %swap3A_154 {strides = array<i32>} : memref<64x128xf32, #tpu.memory_space<vmem>>, vector<1x16xf32>,
      %mul3A_155 = arith.constant 1.562500e-02 : f32
      %mul3A_156 = vector.broadcast %mul3A_155 : f32 to vector<16xf32>
      %mul3A_157 = arith.mulf %scan3A_104#5, %mul3A_156 : vector<16xf32>
      %add3A_158 = arith.constant 0 : i32
      %add3A_159 = arith.addi %mul3A_84, %add3A_158 : i32
      %swap3A_160 = arith.index_cast %add3A_159 : i32 to index
      %swap3A_161 = arith.constant 80 : index
      %swap3A_162 = tpu.vector_load %arg8[%swap3A_160, %swap3A_161] {strides = array<i32>} : memref<64x128xf32, #tpu.memory_space<vmem>>, vector<1x16xf32>,
      %swap3A_163 = vector.shape_cast %swap3A_162 : vector<1x16xf32> to vector<16xf32>
      %swap3A_164 = vector.shape_cast %mul3A_157 : vector<16xf32> to vector<1x16xf32>
      tpu.vector_store %arg8[%swap3A_160, %swap3A_161], %swap3A_164 {strides = array<i32>} : memref<64x128xf32, #tpu.memory_space<vmem>>, vector<1x16xf32>,
      %mul3A_165 = arith.constant 1.562500e-02 : f32
      %mul3A_166 = vector.broadcast %mul3A_165 : f32 to vector<16xf32>
      %mul3A_167 = arith.mulf %scan3A_104#6, %mul3A_166 : vector<16xf32>
      %add3A_168 = arith.constant 0 : i32
      %add3A_169 = arith.addi %mul3A_84, %add3A_168 : i32
      %swap3A_170 = arith.index_cast %add3A_169 : i32 to index
      %swap3A_171 = arith.constant 96 : index
      %swap3A_172 = tpu.vector_load %arg8[%swap3A_170, %swap3A_171] {strides = array<i32>} : memref<64x128xf32, #tpu.memory_space<vmem>>, vector<1x16xf32>,
      %swap3A_173 = vector.shape_cast %swap3A_172 : vector<1x16xf32> to vector<16xf32>
      %swap3A_174 = vector.shape_cast %mul3A_167 : vector<16xf32> to vector<1x16xf32>
      tpu.vector_store %arg8[%swap3A_170, %swap3A_171], %swap3A_174 {strides = array<i32>} : memref<64x128xf32, #tpu.memory_space<vmem>>, vector<1x16xf32>,
      %mul3A_175 = arith.constant 1.562500e-02 : f32
      %mul3A_176 = vector.broadcast %mul3A_175 : f32 to vector<16xf32>
      %mul3A_177 = arith.mulf %scan3A_104#7, %mul3A_176 : vector<16xf32>
      %add3A_178 = arith.constant 0 : i32
      %add3A_179 = arith.addi %mul3A_84, %add3A_178 : i32
      %swap3A_180 = arith.index_cast %add3A_179 : i32 to index
      %swap3A_181 = arith.constant 112 : index
      %swap3A_182 = tpu.vector_load %arg8[%swap3A_180, %swap3A_181] {strides = array<i32>} : memref<64x128xf32, #tpu.memory_space<vmem>>, vector<1x16xf32>,
      %swap3A_183 = vector.shape_cast %swap3A_182 : vector<1x16xf32> to vector<16xf32>
      %swap3A_184 = vector.shape_cast %mul3A_177 : vector<16xf32> to vector<1x16xf32>
      tpu.vector_store %arg8[%swap3A_180, %swap3A_181], %swap3A_184 {strides = array<i32>} : memref<64x128xf32, #tpu.memory_space<vmem>>, vector<1x16xf32>,
      %broadcast_in_dim3A_185 = arith.constant 0.000000e+00 : f32
      %broadcast_in_dim3A_186 = vector.broadcast %broadcast_in_dim3A_185 : f32 to vector<16xf32>
      %broadcast_in_dim3A_187 = arith.constant 0.000000e+00 : f32
      %broadcast_in_dim3A_188 = vector.broadcast %broadcast_in_dim3A_187 : f32 to vector<16xf32>
      %broadcast_in_dim3A_189 = arith.constant 0.000000e+00 : f32
      %broadcast_in_dim3A_190 = vector.broadcast %broadcast_in_dim3A_189 : f32 to vector<16xf32>
      %broadcast_in_dim3A_191 = arith.constant 0.000000e+00 : f32
      %broadcast_in_dim3A_192 = vector.broadcast %broadcast_in_dim3A_191 : f32 to vector<16xf32>
      %broadcast_in_dim3A_193 = arith.constant 0.000000e+00 : f32
      %broadcast_in_dim3A_194 = vector.broadcast %broadcast_in_dim3A_193 : f32 to vector<16xf32>
      %broadcast_in_dim3A_195 = arith.constant 0.000000e+00 : f32
      %broadcast_in_dim3A_196 = vector.broadcast %broadcast_in_dim3A_195 : f32 to vector<16xf32>
      %broadcast_in_dim3A_197 = arith.constant 0.000000e+00 : f32
      %broadcast_in_dim3A_198 = vector.broadcast %broadcast_in_dim3A_197 : f32 to vector<16xf32>
      %broadcast_in_dim3A_199 = arith.constant 0.000000e+00 : f32
      %broadcast_in_dim3A_200 = vector.broadcast %broadcast_in_dim3A_199 : f32 to vector<16xf32>
      %scan3A_201 = arith.constant 0 : i32
      %scan3A_202 = arith.constant 64 : i32
      %scan3A_203 = arith.addi %scan3A_201, %scan3A_202 : i32
      %scan3A_204 = arith.constant 1 : i32
      %scan3A_205:8 = scf.for %scan3A_510 = %scan3A_201 to %scan3A_203 step %scan3A_204 iter_args(%scan3A_511 = %broadcast_in_dim3A_186, %scan3A_512 = %broadcast_in_dim3A_188, %scan3A_513 = %broadcast_in_dim3A_190, %scan3A_514 = %broadcast_in_dim3A_192, %scan3A_515 = %broadcast_in_dim3A_194, %scan3A_516 = %broadcast_in_dim3A_196, %scan3A_517 = %broadcast_in_dim3A_198, %scan3A_518 = %broadcast_in_dim3A_200) -> (vector<16xf32>, vector<16xf32>, vector<16xf32>, vector<16xf32>, vector<16xf32>, vector<16xf32>, vector<16xf32>, vector<16xf32>)  : i32 {
        %add3A_519 = arith.constant 64 : i32
        %add3A_520 = arith.addi %add3A_519, %scan3A_510 : i32
        %get3A = arith.index_cast %add3A_520 : i32 to index
        %get3A_521 = arith.constant 0 : index
        %get3A_522 = tpu.vector_load %arg6[%get3A, %get3A_521] {strides = array<i32>} : memref<128x128xf32, #tpu.memory_space<vmem>>, vector<1x16xf32>,
        %get3A_523 = vector.shape_cast %get3A_522 : vector<1x16xf32> to vector<16xf32>
        %add3A_524 = arith.addf %scan3A_511, %get3A_523 : vector<16xf32>
        %add3A_525 = arith.constant 64 : i32
        %add3A_526 = arith.addi %add3A_525, %scan3A_510 : i32
        %get3A_527 = arith.index_cast %add3A_526 : i32 to index
        %get3A_528 = arith.constant 16 : index
        %get3A_529 = tpu.vector_load %arg6[%get3A_527, %get3A_528] {strides = array<i32>} : memref<128x128xf32, #tpu.memory_space<vmem>>, vector<1x16xf32>,
        %get3A_530 = vector.shape_cast %get3A_529 : vector<1x16xf32> to vector<16xf32>
        %add3A_531 = arith.addf %scan3A_512, %get3A_530 : vector<16xf32>
        %add3A_532 = arith.constant 64 : i32
        %add3A_533 = arith.addi %add3A_532, %scan3A_510 : i32
        %get3A_534 = arith.index_cast %add3A_533 : i32 to index
        %get3A_535 = arith.constant 32 : index
        %get3A_536 = tpu.vector_load %arg6[%get3A_534, %get3A_535] {strides = array<i32>} : memref<128x128xf32, #tpu.memory_space<vmem>>, vector<1x16xf32>,
        %get3A_537 = vector.shape_cast %get3A_536 : vector<1x16xf32> to vector<16xf32>
        %add3A_538 = arith.addf %scan3A_513, %get3A_537 : vector<16xf32>
        %add3A_539 = arith.constant 64 : i32
        %add3A_540 = arith.addi %add3A_539, %scan3A_510 : i32
        %get3A_541 = arith.index_cast %add3A_540 : i32 to index
        %get3A_542 = arith.constant 48 : index
        %get3A_543 = tpu.vector_load %arg6[%get3A_541, %get3A_542] {strides = array<i32>} : memref<128x128xf32, #tpu.memory_space<vmem>>, vector<1x16xf32>,
        %get3A_544 = vector.shape_cast %get3A_543 : vector<1x16xf32> to vector<16xf32>
        %add3A_545 = arith.addf %scan3A_514, %get3A_544 : vector<16xf32>
        %add3A_546 = arith.constant 64 : i32
        %add3A_547 = arith.addi %add3A_546, %scan3A_510 : i32
        %get3A_548 = arith.index_cast %add3A_547 : i32 to index
        %get3A_549 = arith.constant 64 : index
        %get3A_550 = tpu.vector_load %arg6[%get3A_548, %get3A_549] {strides = array<i32>} : memref<128x128xf32, #tpu.memory_space<vmem>>, vector<1x16xf32>,
        %get3A_551 = vector.shape_cast %get3A_550 : vector<1x16xf32> to vector<16xf32>
        %add3A_552 = arith.addf %scan3A_515, %get3A_551 : vector<16xf32>
        %add3A_553 = arith.constant 64 : i32
        %add3A_554 = arith.addi %add3A_553, %scan3A_510 : i32
        %get3A_555 = arith.index_cast %add3A_554 : i32 to index
        %get3A_556 = arith.constant 80 : index
        %get3A_557 = tpu.vector_load %arg6[%get3A_555, %get3A_556] {strides = array<i32>} : memref<128x128xf32, #tpu.memory_space<vmem>>, vector<1x16xf32>,
        %get3A_558 = vector.shape_cast %get3A_557 : vector<1x16xf32> to vector<16xf32>
        %add3A_559 = arith.addf %scan3A_516, %get3A_558 : vector<16xf32>
        %add3A_560 = arith.constant 64 : i32
        %add3A_561 = arith.addi %add3A_560, %scan3A_510 : i32
        %get3A_562 = arith.index_cast %add3A_561 : i32 to index
        %get3A_563 = arith.constant 96 : index
        %get3A_564 = tpu.vector_load %arg6[%get3A_562, %get3A_563] {strides = array<i32>} : memref<128x128xf32, #tpu.memory_space<vmem>>, vector<1x16xf32>,
        %get3A_565 = vector.shape_cast %get3A_564 : vector<1x16xf32> to vector<16xf32>
        %add3A_566 = arith.addf %scan3A_517, %get3A_565 : vector<16xf32>
        %add3A_567 = arith.constant 64 : i32
        %add3A_568 = arith.addi %add3A_567, %scan3A_510 : i32
        %get3A_569 = arith.index_cast %add3A_568 : i32 to index
        %get3A_570 = arith.constant 112 : index
        %get3A_571 = tpu.vector_load %arg6[%get3A_569, %get3A_570] {strides = array<i32>} : memref<128x128xf32, #tpu.memory_space<vmem>>, vector<1x16xf32>,
        %get3A_572 = vector.shape_cast %get3A_571 : vector<1x16xf32> to vector<16xf32>
        %add3A_573 = arith.addf %scan3A_518, %get3A_572 : vector<16xf32>
        scf.yield %add3A_524, %add3A_531, %add3A_538, %add3A_545, %add3A_552, %add3A_559, %add3A_566, %add3A_573 : vector<16xf32>, vector<16xf32>, vector<16xf32>, vector<16xf32>, vector<16xf32>, vector<16xf32>, vector<16xf32>, vector<16xf32>
      }
      %scan3A_206 = arith.constant 64 : i32
      %mul3A_207 = arith.constant 1.562500e-02 : f32
      %mul3A_208 = vector.broadcast %mul3A_207 : f32 to vector<16xf32>
      %mul3A_209 = arith.mulf %scan3A_205#0, %mul3A_208 : vector<16xf32>
      %add3A_210 = arith.constant 1 : i32
      %add3A_211 = arith.addi %mul3A_84, %add3A_210 : i32
      %swap3A_212 = arith.index_cast %add3A_211 : i32 to index
      %swap3A_213 = arith.constant 0 : index
      %swap3A_214 = tpu.vector_load %arg8[%swap3A_212, %swap3A_213] {strides = array<i32>} : memref<64x128xf32, #tpu.memory_space<vmem>>, vector<1x16xf32>,
      %swap3A_215 = vector.shape_cast %swap3A_214 : vector<1x16xf32> to vector<16xf32>
      %swap3A_216 = vector.shape_cast %mul3A_209 : vector<16xf32> to vector<1x16xf32>
      tpu.vector_store %arg8[%swap3A_212, %swap3A_213], %swap3A_216 {strides = array<i32>} : memref<64x128xf32, #tpu.memory_space<vmem>>, vector<1x16xf32>,
      %mul3A_217 = arith.constant 1.562500e-02 : f32
      %mul3A_218 = vector.broadcast %mul3A_217 : f32 to vector<16xf32>
      %mul3A_219 = arith.mulf %scan3A_205#1, %mul3A_218 : vector<16xf32>
      %add3A_220 = arith.constant 1 : i32
      %add3A_221 = arith.addi %mul3A_84, %add3A_220 : i32
      %swap3A_222 = arith.index_cast %add3A_221 : i32 to index
      %swap3A_223 = arith.constant 16 : index
      %swap3A_224 = tpu.vector_load %arg8[%swap3A_222, %swap3A_223] {strides = array<i32>} : memref<64x128xf32, #tpu.memory_space<vmem>>, vector<1x16xf32>,
      %swap3A_225 = vector.shape_cast %swap3A_224 : vector<1x16xf32> to vector<16xf32>
      %swap3A_226 = vector.shape_cast %mul3A_219 : vector<16xf32> to vector<1x16xf32>
      tpu.vector_store %arg8[%swap3A_222, %swap3A_223], %swap3A_226 {strides = array<i32>} : memref<64x128xf32, #tpu.memory_space<vmem>>, vector<1x16xf32>,
      %mul3A_227 = arith.constant 1.562500e-02 : f32
      %mul3A_228 = vector.broadcast %mul3A_227 : f32 to vector<16xf32>
      %mul3A_229 = arith.mulf %scan3A_205#2, %mul3A_228 : vector<16xf32>
      %add3A_230 = arith.constant 1 : i32
      %add3A_231 = arith.addi %mul3A_84, %add3A_230 : i32
      %swap3A_232 = arith.index_cast %add3A_231 : i32 to index
      %swap3A_233 = arith.constant 32 : index
      %swap3A_234 = tpu.vector_load %arg8[%swap3A_232, %swap3A_233] {strides = array<i32>} : memref<64x128xf32, #tpu.memory_space<vmem>>, vector<1x16xf32>,
      %swap3A_235 = vector.shape_cast %swap3A_234 : vector<1x16xf32> to vector<16xf32>
      %swap3A_236 = vector.shape_cast %mul3A_229 : vector<16xf32> to vector<1x16xf32>
      tpu.vector_store %arg8[%swap3A_232, %swap3A_233], %swap3A_236 {strides = array<i32>} : memref<64x128xf32, #tpu.memory_space<vmem>>, vector<1x16xf32>,
      %mul3A_237 = arith.constant 1.562500e-02 : f32
      %mul3A_238 = vector.broadcast %mul3A_237 : f32 to vector<16xf32>
      %mul3A_239 = arith.mulf %scan3A_205#3, %mul3A_238 : vector<16xf32>
      %add3A_240 = arith.constant 1 : i32
      %add3A_241 = arith.addi %mul3A_84, %add3A_240 : i32
      %swap3A_242 = arith.index_cast %add3A_241 : i32 to index
      %swap3A_243 = arith.constant 48 : index
      %swap3A_244 = tpu.vector_load %arg8[%swap3A_242, %swap3A_243] {strides = array<i32>} : memref<64x128xf32, #tpu.memory_space<vmem>>, vector<1x16xf32>,
      %swap3A_245 = vector.shape_cast %swap3A_244 : vector<1x16xf32> to vector<16xf32>
      %swap3A_246 = vector.shape_cast %mul3A_239 : vector<16xf32> to vector<1x16xf32>
      tpu.vector_store %arg8[%swap3A_242, %swap3A_243], %swap3A_246 {strides = array<i32>} : memref<64x128xf32, #tpu.memory_space<vmem>>, vector<1x16xf32>,
      %mul3A_247 = arith.constant 1.562500e-02 : f32
      %mul3A_248 = vector.broadcast %mul3A_247 : f32 to vector<16xf32>
      %mul3A_249 = arith.mulf %scan3A_205#4, %mul3A_248 : vector<16xf32>
      %add3A_250 = arith.constant 1 : i32
      %add3A_251 = arith.addi %mul3A_84, %add3A_250 : i32
      %swap3A_252 = arith.index_cast %add3A_251 : i32 to index
      %swap3A_253 = arith.constant 64 : index
      %swap3A_254 = tpu.vector_load %arg8[%swap3A_252, %swap3A_253] {strides = array<i32>} : memref<64x128xf32, #tpu.memory_space<vmem>>, vector<1x16xf32>,
      %swap3A_255 = vector.shape_cast %swap3A_254 : vector<1x16xf32> to vector<16xf32>
      %swap3A_256 = vector.shape_cast %mul3A_249 : vector<16xf32> to vector<1x16xf32>
      tpu.vector_store %arg8[%swap3A_252, %swap3A_253], %swap3A_256 {strides = array<i32>} : memref<64x128xf32, #tpu.memory_space<vmem>>, vector<1x16xf32>,
      %mul3A_257 = arith.constant 1.562500e-02 : f32
      %mul3A_258 = vector.broadcast %mul3A_257 : f32 to vector<16xf32>
      %mul3A_259 = arith.mulf %scan3A_205#5, %mul3A_258 : vector<16xf32>
      %add3A_260 = arith.constant 1 : i32
      %add3A_261 = arith.addi %mul3A_84, %add3A_260 : i32
      %swap3A_262 = arith.index_cast %add3A_261 : i32 to index
      %swap3A_263 = arith.constant 80 : index
      %swap3A_264 = tpu.vector_load %arg8[%swap3A_262, %swap3A_263] {strides = array<i32>} : memref<64x128xf32, #tpu.memory_space<vmem>>, vector<1x16xf32>,
      %swap3A_265 = vector.shape_cast %swap3A_264 : vector<1x16xf32> to vector<16xf32>
      %swap3A_266 = vector.shape_cast %mul3A_259 : vector<16xf32> to vector<1x16xf32>
      tpu.vector_store %arg8[%swap3A_262, %swap3A_263], %swap3A_266 {strides = array<i32>} : memref<64x128xf32, #tpu.memory_space<vmem>>, vector<1x16xf32>,
      %mul3A_267 = arith.constant 1.562500e-02 : f32
      %mul3A_268 = vector.broadcast %mul3A_267 : f32 to vector<16xf32>
      %mul3A_269 = arith.mulf %scan3A_205#6, %mul3A_268 : vector<16xf32>
      %add3A_270 = arith.constant 1 : i32
      %add3A_271 = arith.addi %mul3A_84, %add3A_270 : i32
      %swap3A_272 = arith.index_cast %add3A_271 : i32 to index
      %swap3A_273 = arith.constant 96 : index
      %swap3A_274 = tpu.vector_load %arg8[%swap3A_272, %swap3A_273] {strides = array<i32>} : memref<64x128xf32, #tpu.memory_space<vmem>>, vector<1x16xf32>,
      %swap3A_275 = vector.shape_cast %swap3A_274 : vector<1x16xf32> to vector<16xf32>
      %swap3A_276 = vector.shape_cast %mul3A_269 : vector<16xf32> to vector<1x16xf32>
      tpu.vector_store %arg8[%swap3A_272, %swap3A_273], %swap3A_276 {strides = array<i32>} : memref<64x128xf32, #tpu.memory_space<vmem>>, vector<1x16xf32>,
      %mul3A_277 = arith.constant 1.562500e-02 : f32
      %mul3A_278 = vector.broadcast %mul3A_277 : f32 to vector<16xf32>
      %mul3A_279 = arith.mulf %scan3A_205#7, %mul3A_278 : vector<16xf32>
      %add3A_280 = arith.constant 1 : i32
      %add3A_281 = arith.addi %mul3A_84, %add3A_280 : i32
      %swap3A_282 = arith.index_cast %add3A_281 : i32 to index
      %swap3A_283 = arith.constant 112 : index
      %swap3A_284 = tpu.vector_load %arg8[%swap3A_282, %swap3A_283] {strides = array<i32>} : memref<64x128xf32, #tpu.memory_space<vmem>>, vector<1x16xf32>,
      %swap3A_285 = vector.shape_cast %swap3A_284 : vector<1x16xf32> to vector<16xf32>
      %swap3A_286 = vector.shape_cast %mul3A_279 : vector<16xf32> to vector<1x16xf32>
      tpu.vector_store %arg8[%swap3A_282, %swap3A_283], %swap3A_286 {strides = array<i32>} : memref<64x128xf32, #tpu.memory_space<vmem>>, vector<1x16xf32>,
      %lt3A_287 = arith.constant 15 : i32
      %lt3A_288 = arith.cmpi slt, %scan3A_50, %lt3A_287 : i32
      %convert_element_type3A_289 = arith.extui %lt3A_288 : i1 to i32
      %cond3A_290 = arith.constant 0 : i32
      %cond3A_291 = arith.cmpi ne, %convert_element_type3A_289, %cond3A_290 : i32
      scf.if %cond3A_291 {
        %add3A_510 = arith.constant 2 : i32
        %add3A_511 = arith.addi %mul3A_52, %add3A_510 : i32
        %mul3A_512 = arith.constant 128 : i32
        %mul3A_513 = arith.muli %add3A_511, %mul3A_512 : i32
        %add3A_514 = arith.addi %mul3A_2, %mul3A_513 : i32
        %dma_wait3A_515 = arith.constant 0 : i32
        %dma_wait3A_516 = arith.constant 0 : i32
        %dma_wait3A_517 = tpu.memref_slice %arg5[%dma_wait3A_515, %dma_wait3A_516] : memref<2x128xi32, #tpu.memory_space<vmem>> -> memref<1x128xi32, #tpu.memory_space<vmem>>
        %dma_wait3A_518 = tpu.memref_squeeze %dma_wait3A_517 : memref<1x128xi32, #tpu.memory_space<vmem>> -> memref<128xi32, #tpu.memory_space<vmem>>
        %dma_wait3A_519 = tpu.memref_slice %arg3[%add3A_514] : memref<131072xi32, #tpu.memory_space<hbm>> -> memref<128xi32, #tpu.memory_space<hbm>>
        %dma_wait3A_520 = arith.constant 0 : i32
        %dma_wait3A_521 = tpu.memref_slice %arg5[%dma_wait3A_515, %dma_wait3A_520] : memref<2x128xi32, #tpu.memory_space<vmem>> -> memref<1x128xi32, #tpu.memory_space<vmem>>
        %dma_wait3A_522 = tpu.memref_squeeze %dma_wait3A_521 : memref<1x128xi32, #tpu.memory_space<vmem>> -> memref<128xi32, #tpu.memory_space<vmem>>
        %dma_wait3A_523 = tpu.memref_slice %arg3[%add3A_514] : memref<131072xi32, #tpu.memory_space<hbm>> -> memref<128xi32, #tpu.memory_space<hbm>>
        tpu.wait_dma2 semaphore(%arg9 : memref<!tpu.dma_semaphore, #tpu.memory_space<semaphore_mem>>) src(%dma_wait3A_523 : memref<128xi32, #tpu.memory_space<hbm>>) dst(%dma_wait3A_522 : memref<128xi32, #tpu.memory_space<vmem>>)
        %dma_start3A_524 = arith.constant 0 : i32
        %dma_start3A_525 = arith.constant 0 : i32
        %dma_start3A_526 = tpu.memref_slice %arg5[%dma_start3A_524, %dma_start3A_525] : memref<2x128xi32, #tpu.memory_space<vmem>> -> memref<1x128xi32, #tpu.memory_space<vmem>>
        %dma_start3A_527 = tpu.memref_squeeze %dma_start3A_526 : memref<1x128xi32, #tpu.memory_space<vmem>> -> memref<128xi32, #tpu.memory_space<vmem>>
        %dma_start3A_528 = arith.constant 0 : i32
        %dma_start3A_529 = arith.constant 0 : i32
        %dma_start3A_530 = tpu.memref_slice %arg2[%dma_start3A_528, %dma_start3A_529] : memref<100000x128xf32, #tpu.memory_space<hbm>> -> memref<100000x128xf32, #tpu.memory_space<hbm>>
        tpu.enqueue_indirect_dma source(%dma_start3A_530 : memref<100000x128xf32, #tpu.memory_space<hbm>>) target(%arg6 : memref<128x128xf32, #tpu.memory_space<vmem>>) offsets(%dma_start3A_527 : memref<128xi32, #tpu.memory_space<vmem>>) semaphore(%arg11 : memref<!tpu.dma_semaphore, #tpu.memory_space<semaphore_mem>>)
      } else {
      }
      %dma_wait3A_292 = arith.constant 1 : i32
      %dma_wait3A_293 = arith.constant 0 : i32
      %dma_wait3A_294 = tpu.memref_slice %arg5[%dma_wait3A_292, %dma_wait3A_293] : memref<2x128xi32, #tpu.memory_space<vmem>> -> memref<1x128xi32, #tpu.memory_space<vmem>>
      %dma_wait3A_295 = tpu.memref_squeeze %dma_wait3A_294 : memref<1x128xi32, #tpu.memory_space<vmem>> -> memref<128xi32, #tpu.memory_space<vmem>>
      %dma_wait3A_296 = arith.constant 0 : i32
      %dma_wait3A_297 = arith.constant 0 : i32
      %dma_wait3A_298 = tpu.memref_slice %arg2[%dma_wait3A_296, %dma_wait3A_297] : memref<100000x128xf32, #tpu.memory_space<hbm>> -> memref<100000x128xf32, #tpu.memory_space<hbm>>
      tpu.wait_indirect_dma semaphore(%arg12 : memref<!tpu.dma_semaphore, #tpu.memory_space<semaphore_mem>>) src(%dma_wait3A_298 : memref<100000x128xf32, #tpu.memory_space<hbm>>) dst(%arg7 : memref<128x128xf32, #tpu.memory_space<vmem>>)
      %lt3A_299 = arith.constant 15 : i32
      %lt3A_300 = arith.cmpi slt, %scan3A_50, %lt3A_299 : i32
      %convert_element_type3A_301 = arith.extui %lt3A_300 : i1 to i32
      %cond3A_302 = arith.constant 0 : i32
      %cond3A_303 = arith.cmpi ne, %convert_element_type3A_301, %cond3A_302 : i32
      scf.if %cond3A_303 {
        %add3A_510 = arith.constant 2 : i32
        %add3A_511 = arith.addi %add3A_54, %add3A_510 : i32
        %mul3A_512 = arith.constant 128 : i32
        %mul3A_513 = arith.muli %add3A_511, %mul3A_512 : i32
        %add3A_514 = arith.addi %mul3A_2, %mul3A_513 : i32
        %dma_start3A_515 = arith.constant 1 : i32
        %dma_start3A_516 = arith.constant 0 : i32
        %dma_start3A_517 = tpu.memref_slice %arg5[%dma_start3A_515, %dma_start3A_516] : memref<2x128xi32, #tpu.memory_space<vmem>> -> memref<1x128xi32, #tpu.memory_space<vmem>>
        %dma_start3A_518 = tpu.memref_squeeze %dma_start3A_517 : memref<1x128xi32, #tpu.memory_space<vmem>> -> memref<128xi32, #tpu.memory_space<vmem>>
        %dma_start3A_519 = tpu.memref_slice %arg3[%add3A_514] : memref<131072xi32, #tpu.memory_space<hbm>> -> memref<128xi32, #tpu.memory_space<hbm>>
        %dma_start3A_520 = arith.constant 0 : i32
        %dma_start3A_521 = tpu.memref_slice %arg5[%dma_start3A_515, %dma_start3A_520] : memref<2x128xi32, #tpu.memory_space<vmem>> -> memref<1x128xi32, #tpu.memory_space<vmem>>
        %dma_start3A_522 = tpu.memref_squeeze %dma_start3A_521 : memref<1x128xi32, #tpu.memory_space<vmem>> -> memref<128xi32, #tpu.memory_space<vmem>>
        %dma_start3A_523 = tpu.memref_slice %arg3[%add3A_514] : memref<131072xi32, #tpu.memory_space<hbm>> -> memref<128xi32, #tpu.memory_space<hbm>>
        tpu.enqueue_dma source(%dma_start3A_523 : memref<128xi32, #tpu.memory_space<hbm>>) target(%dma_start3A_522 : memref<128xi32, #tpu.memory_space<vmem>>) target_semaphore(%arg10 : memref<!tpu.dma_semaphore, #tpu.memory_space<semaphore_mem>>)
      } else {
      }
      %mul3A_304 = arith.constant 2 : i32
      %mul3A_305 = arith.muli %mul3A_304, %add3A_54 : i32
      %broadcast_in_dim3A_306 = arith.constant 0.000000e+00 : f32
      %broadcast_in_dim3A_307 = vector.broadcast %broadcast_in_dim3A_306 : f32 to vector<16xf32>
      %broadcast_in_dim3A_308 = arith.constant 0.000000e+00 : f32
      %broadcast_in_dim3A_309 = vector.broadcast %broadcast_in_dim3A_308 : f32 to vector<16xf32>
      %broadcast_in_dim3A_310 = arith.constant 0.000000e+00 : f32
      %broadcast_in_dim3A_311 = vector.broadcast %broadcast_in_dim3A_310 : f32 to vector<16xf32>
      %broadcast_in_dim3A_312 = arith.constant 0.000000e+00 : f32
      %broadcast_in_dim3A_313 = vector.broadcast %broadcast_in_dim3A_312 : f32 to vector<16xf32>
      %broadcast_in_dim3A_314 = arith.constant 0.000000e+00 : f32
      %broadcast_in_dim3A_315 = vector.broadcast %broadcast_in_dim3A_314 : f32 to vector<16xf32>
      %broadcast_in_dim3A_316 = arith.constant 0.000000e+00 : f32
      %broadcast_in_dim3A_317 = vector.broadcast %broadcast_in_dim3A_316 : f32 to vector<16xf32>
      %broadcast_in_dim3A_318 = arith.constant 0.000000e+00 : f32
      %broadcast_in_dim3A_319 = vector.broadcast %broadcast_in_dim3A_318 : f32 to vector<16xf32>
      %broadcast_in_dim3A_320 = arith.constant 0.000000e+00 : f32
      %broadcast_in_dim3A_321 = vector.broadcast %broadcast_in_dim3A_320 : f32 to vector<16xf32>
      %scan3A_322 = arith.constant 0 : i32
      %scan3A_323 = arith.constant 64 : i32
      %scan3A_324 = arith.addi %scan3A_322, %scan3A_323 : i32
      %scan3A_325 = arith.constant 1 : i32
      %scan3A_326:8 = scf.for %scan3A_510 = %scan3A_322 to %scan3A_324 step %scan3A_325 iter_args(%scan3A_511 = %broadcast_in_dim3A_307, %scan3A_512 = %broadcast_in_dim3A_309, %scan3A_513 = %broadcast_in_dim3A_311, %scan3A_514 = %broadcast_in_dim3A_313, %scan3A_515 = %broadcast_in_dim3A_315, %scan3A_516 = %broadcast_in_dim3A_317, %scan3A_517 = %broadcast_in_dim3A_319, %scan3A_518 = %broadcast_in_dim3A_321) -> (vector<16xf32>, vector<16xf32>, vector<16xf32>, vector<16xf32>, vector<16xf32>, vector<16xf32>, vector<16xf32>, vector<16xf32>)  : i32 {
        %add3A_519 = arith.constant 0 : i32
        %add3A_520 = arith.addi %add3A_519, %scan3A_510 : i32
        %get3A = arith.index_cast %add3A_520 : i32 to index
        %get3A_521 = arith.constant 0 : index
        %get3A_522 = tpu.vector_load %arg7[%get3A, %get3A_521] {strides = array<i32>} : memref<128x128xf32, #tpu.memory_space<vmem>>, vector<1x16xf32>,
        %get3A_523 = vector.shape_cast %get3A_522 : vector<1x16xf32> to vector<16xf32>
        %add3A_524 = arith.addf %scan3A_511, %get3A_523 : vector<16xf32>
        %add3A_525 = arith.constant 0 : i32
        %add3A_526 = arith.addi %add3A_525, %scan3A_510 : i32
        %get3A_527 = arith.index_cast %add3A_526 : i32 to index
        %get3A_528 = arith.constant 16 : index
        %get3A_529 = tpu.vector_load %arg7[%get3A_527, %get3A_528] {strides = array<i32>} : memref<128x128xf32, #tpu.memory_space<vmem>>, vector<1x16xf32>,
        %get3A_530 = vector.shape_cast %get3A_529 : vector<1x16xf32> to vector<16xf32>
        %add3A_531 = arith.addf %scan3A_512, %get3A_530 : vector<16xf32>
        %add3A_532 = arith.constant 0 : i32
        %add3A_533 = arith.addi %add3A_532, %scan3A_510 : i32
        %get3A_534 = arith.index_cast %add3A_533 : i32 to index
        %get3A_535 = arith.constant 32 : index
        %get3A_536 = tpu.vector_load %arg7[%get3A_534, %get3A_535] {strides = array<i32>} : memref<128x128xf32, #tpu.memory_space<vmem>>, vector<1x16xf32>,
        %get3A_537 = vector.shape_cast %get3A_536 : vector<1x16xf32> to vector<16xf32>
        %add3A_538 = arith.addf %scan3A_513, %get3A_537 : vector<16xf32>
        %add3A_539 = arith.constant 0 : i32
        %add3A_540 = arith.addi %add3A_539, %scan3A_510 : i32
        %get3A_541 = arith.index_cast %add3A_540 : i32 to index
        %get3A_542 = arith.constant 48 : index
        %get3A_543 = tpu.vector_load %arg7[%get3A_541, %get3A_542] {strides = array<i32>} : memref<128x128xf32, #tpu.memory_space<vmem>>, vector<1x16xf32>,
        %get3A_544 = vector.shape_cast %get3A_543 : vector<1x16xf32> to vector<16xf32>
        %add3A_545 = arith.addf %scan3A_514, %get3A_544 : vector<16xf32>
        %add3A_546 = arith.constant 0 : i32
        %add3A_547 = arith.addi %add3A_546, %scan3A_510 : i32
        %get3A_548 = arith.index_cast %add3A_547 : i32 to index
        %get3A_549 = arith.constant 64 : index
        %get3A_550 = tpu.vector_load %arg7[%get3A_548, %get3A_549] {strides = array<i32>} : memref<128x128xf32, #tpu.memory_space<vmem>>, vector<1x16xf32>,
        %get3A_551 = vector.shape_cast %get3A_550 : vector<1x16xf32> to vector<16xf32>
        %add3A_552 = arith.addf %scan3A_515, %get3A_551 : vector<16xf32>
        %add3A_553 = arith.constant 0 : i32
        %add3A_554 = arith.addi %add3A_553, %scan3A_510 : i32
        %get3A_555 = arith.index_cast %add3A_554 : i32 to index
        %get3A_556 = arith.constant 80 : index
        %get3A_557 = tpu.vector_load %arg7[%get3A_555, %get3A_556] {strides = array<i32>} : memref<128x128xf32, #tpu.memory_space<vmem>>, vector<1x16xf32>,
        %get3A_558 = vector.shape_cast %get3A_557 : vector<1x16xf32> to vector<16xf32>
        %add3A_559 = arith.addf %scan3A_516, %get3A_558 : vector<16xf32>
        %add3A_560 = arith.constant 0 : i32
        %add3A_561 = arith.addi %add3A_560, %scan3A_510 : i32
        %get3A_562 = arith.index_cast %add3A_561 : i32 to index
        %get3A_563 = arith.constant 96 : index
        %get3A_564 = tpu.vector_load %arg7[%get3A_562, %get3A_563] {strides = array<i32>} : memref<128x128xf32, #tpu.memory_space<vmem>>, vector<1x16xf32>,
        %get3A_565 = vector.shape_cast %get3A_564 : vector<1x16xf32> to vector<16xf32>
        %add3A_566 = arith.addf %scan3A_517, %get3A_565 : vector<16xf32>
        %add3A_567 = arith.constant 0 : i32
        %add3A_568 = arith.addi %add3A_567, %scan3A_510 : i32
        %get3A_569 = arith.index_cast %add3A_568 : i32 to index
        %get3A_570 = arith.constant 112 : index
        %get3A_571 = tpu.vector_load %arg7[%get3A_569, %get3A_570] {strides = array<i32>} : memref<128x128xf32, #tpu.memory_space<vmem>>, vector<1x16xf32>,
        %get3A_572 = vector.shape_cast %get3A_571 : vector<1x16xf32> to vector<16xf32>
        %add3A_573 = arith.addf %scan3A_518, %get3A_572 : vector<16xf32>
        scf.yield %add3A_524, %add3A_531, %add3A_538, %add3A_545, %add3A_552, %add3A_559, %add3A_566, %add3A_573 : vector<16xf32>, vector<16xf32>, vector<16xf32>, vector<16xf32>, vector<16xf32>, vector<16xf32>, vector<16xf32>, vector<16xf32>
      }
      %scan3A_327 = arith.constant 64 : i32
      %mul3A_328 = arith.constant 1.562500e-02 : f32
      %mul3A_329 = vector.broadcast %mul3A_328 : f32 to vector<16xf32>
      %mul3A_330 = arith.mulf %scan3A_326#0, %mul3A_329 : vector<16xf32>
      %add3A_331 = arith.constant 0 : i32
      %add3A_332 = arith.addi %mul3A_305, %add3A_331 : i32
      %swap3A_333 = arith.index_cast %add3A_332 : i32 to index
      %swap3A_334 = arith.constant 0 : index
      %swap3A_335 = tpu.vector_load %arg8[%swap3A_333, %swap3A_334] {strides = array<i32>} : memref<64x128xf32, #tpu.memory_space<vmem>>, vector<1x16xf32>,
      %swap3A_336 = vector.shape_cast %swap3A_335 : vector<1x16xf32> to vector<16xf32>
      %swap3A_337 = vector.shape_cast %mul3A_330 : vector<16xf32> to vector<1x16xf32>
      tpu.vector_store %arg8[%swap3A_333, %swap3A_334], %swap3A_337 {strides = array<i32>} : memref<64x128xf32, #tpu.memory_space<vmem>>, vector<1x16xf32>,
      %mul3A_338 = arith.constant 1.562500e-02 : f32
      %mul3A_339 = vector.broadcast %mul3A_338 : f32 to vector<16xf32>
      %mul3A_340 = arith.mulf %scan3A_326#1, %mul3A_339 : vector<16xf32>
      %add3A_341 = arith.constant 0 : i32
      %add3A_342 = arith.addi %mul3A_305, %add3A_341 : i32
      %swap3A_343 = arith.index_cast %add3A_342 : i32 to index
      %swap3A_344 = arith.constant 16 : index
      %swap3A_345 = tpu.vector_load %arg8[%swap3A_343, %swap3A_344] {strides = array<i32>} : memref<64x128xf32, #tpu.memory_space<vmem>>, vector<1x16xf32>,
      %swap3A_346 = vector.shape_cast %swap3A_345 : vector<1x16xf32> to vector<16xf32>
      %swap3A_347 = vector.shape_cast %mul3A_340 : vector<16xf32> to vector<1x16xf32>
      tpu.vector_store %arg8[%swap3A_343, %swap3A_344], %swap3A_347 {strides = array<i32>} : memref<64x128xf32, #tpu.memory_space<vmem>>, vector<1x16xf32>,
      %mul3A_348 = arith.constant 1.562500e-02 : f32
      %mul3A_349 = vector.broadcast %mul3A_348 : f32 to vector<16xf32>
      %mul3A_350 = arith.mulf %scan3A_326#2, %mul3A_349 : vector<16xf32>
      %add3A_351 = arith.constant 0 : i32
      %add3A_352 = arith.addi %mul3A_305, %add3A_351 : i32
      %swap3A_353 = arith.index_cast %add3A_352 : i32 to index
      %swap3A_354 = arith.constant 32 : index
      %swap3A_355 = tpu.vector_load %arg8[%swap3A_353, %swap3A_354] {strides = array<i32>} : memref<64x128xf32, #tpu.memory_space<vmem>>, vector<1x16xf32>,
      %swap3A_356 = vector.shape_cast %swap3A_355 : vector<1x16xf32> to vector<16xf32>
      %swap3A_357 = vector.shape_cast %mul3A_350 : vector<16xf32> to vector<1x16xf32>
      tpu.vector_store %arg8[%swap3A_353, %swap3A_354], %swap3A_357 {strides = array<i32>} : memref<64x128xf32, #tpu.memory_space<vmem>>, vector<1x16xf32>,
      %mul3A_358 = arith.constant 1.562500e-02 : f32
      %mul3A_359 = vector.broadcast %mul3A_358 : f32 to vector<16xf32>
      %mul3A_360 = arith.mulf %scan3A_326#3, %mul3A_359 : vector<16xf32>
      %add3A_361 = arith.constant 0 : i32
      %add3A_362 = arith.addi %mul3A_305, %add3A_361 : i32
      %swap3A_363 = arith.index_cast %add3A_362 : i32 to index
      %swap3A_364 = arith.constant 48 : index
      %swap3A_365 = tpu.vector_load %arg8[%swap3A_363, %swap3A_364] {strides = array<i32>} : memref<64x128xf32, #tpu.memory_space<vmem>>, vector<1x16xf32>,
      %swap3A_366 = vector.shape_cast %swap3A_365 : vector<1x16xf32> to vector<16xf32>
      %swap3A_367 = vector.shape_cast %mul3A_360 : vector<16xf32> to vector<1x16xf32>
      tpu.vector_store %arg8[%swap3A_363, %swap3A_364], %swap3A_367 {strides = array<i32>} : memref<64x128xf32, #tpu.memory_space<vmem>>, vector<1x16xf32>,
      %mul3A_368 = arith.constant 1.562500e-02 : f32
      %mul3A_369 = vector.broadcast %mul3A_368 : f32 to vector<16xf32>
      %mul3A_370 = arith.mulf %scan3A_326#4, %mul3A_369 : vector<16xf32>
      %add3A_371 = arith.constant 0 : i32
      %add3A_372 = arith.addi %mul3A_305, %add3A_371 : i32
      %swap3A_373 = arith.index_cast %add3A_372 : i32 to index
      %swap3A_374 = arith.constant 64 : index
      %swap3A_375 = tpu.vector_load %arg8[%swap3A_373, %swap3A_374] {strides = array<i32>} : memref<64x128xf32, #tpu.memory_space<vmem>>, vector<1x16xf32>,
      %swap3A_376 = vector.shape_cast %swap3A_375 : vector<1x16xf32> to vector<16xf32>
      %swap3A_377 = vector.shape_cast %mul3A_370 : vector<16xf32> to vector<1x16xf32>
      tpu.vector_store %arg8[%swap3A_373, %swap3A_374], %swap3A_377 {strides = array<i32>} : memref<64x128xf32, #tpu.memory_space<vmem>>, vector<1x16xf32>,
      %mul3A_378 = arith.constant 1.562500e-02 : f32
      %mul3A_379 = vector.broadcast %mul3A_378 : f32 to vector<16xf32>
      %mul3A_380 = arith.mulf %scan3A_326#5, %mul3A_379 : vector<16xf32>
      %add3A_381 = arith.constant 0 : i32
      %add3A_382 = arith.addi %mul3A_305, %add3A_381 : i32
      %swap3A_383 = arith.index_cast %add3A_382 : i32 to index
      %swap3A_384 = arith.constant 80 : index
      %swap3A_385 = tpu.vector_load %arg8[%swap3A_383, %swap3A_384] {strides = array<i32>} : memref<64x128xf32, #tpu.memory_space<vmem>>, vector<1x16xf32>,
      %swap3A_386 = vector.shape_cast %swap3A_385 : vector<1x16xf32> to vector<16xf32>
      %swap3A_387 = vector.shape_cast %mul3A_380 : vector<16xf32> to vector<1x16xf32>
      tpu.vector_store %arg8[%swap3A_383, %swap3A_384], %swap3A_387 {strides = array<i32>} : memref<64x128xf32, #tpu.memory_space<vmem>>, vector<1x16xf32>,
      %mul3A_388 = arith.constant 1.562500e-02 : f32
      %mul3A_389 = vector.broadcast %mul3A_388 : f32 to vector<16xf32>
      %mul3A_390 = arith.mulf %scan3A_326#6, %mul3A_389 : vector<16xf32>
      %add3A_391 = arith.constant 0 : i32
      %add3A_392 = arith.addi %mul3A_305, %add3A_391 : i32
      %swap3A_393 = arith.index_cast %add3A_392 : i32 to index
      %swap3A_394 = arith.constant 96 : index
      %swap3A_395 = tpu.vector_load %arg8[%swap3A_393, %swap3A_394] {strides = array<i32>} : memref<64x128xf32, #tpu.memory_space<vmem>>, vector<1x16xf32>,
      %swap3A_396 = vector.shape_cast %swap3A_395 : vector<1x16xf32> to vector<16xf32>
      %swap3A_397 = vector.shape_cast %mul3A_390 : vector<16xf32> to vector<1x16xf32>
      tpu.vector_store %arg8[%swap3A_393, %swap3A_394], %swap3A_397 {strides = array<i32>} : memref<64x128xf32, #tpu.memory_space<vmem>>, vector<1x16xf32>,
      %mul3A_398 = arith.constant 1.562500e-02 : f32
      %mul3A_399 = vector.broadcast %mul3A_398 : f32 to vector<16xf32>
      %mul3A_400 = arith.mulf %scan3A_326#7, %mul3A_399 : vector<16xf32>
      %add3A_401 = arith.constant 0 : i32
      %add3A_402 = arith.addi %mul3A_305, %add3A_401 : i32
      %swap3A_403 = arith.index_cast %add3A_402 : i32 to index
      %swap3A_404 = arith.constant 112 : index
      %swap3A_405 = tpu.vector_load %arg8[%swap3A_403, %swap3A_404] {strides = array<i32>} : memref<64x128xf32, #tpu.memory_space<vmem>>, vector<1x16xf32>,
      %swap3A_406 = vector.shape_cast %swap3A_405 : vector<1x16xf32> to vector<16xf32>
      %swap3A_407 = vector.shape_cast %mul3A_400 : vector<16xf32> to vector<1x16xf32>
      tpu.vector_store %arg8[%swap3A_403, %swap3A_404], %swap3A_407 {strides = array<i32>} : memref<64x128xf32, #tpu.memory_space<vmem>>, vector<1x16xf32>,
      %broadcast_in_dim3A_408 = arith.constant 0.000000e+00 : f32
      %broadcast_in_dim3A_409 = vector.broadcast %broadcast_in_dim3A_408 : f32 to vector<16xf32>
      %broadcast_in_dim3A_410 = arith.constant 0.000000e+00 : f32
      %broadcast_in_dim3A_411 = vector.broadcast %broadcast_in_dim3A_410 : f32 to vector<16xf32>
      %broadcast_in_dim3A_412 = arith.constant 0.000000e+00 : f32
      %broadcast_in_dim3A_413 = vector.broadcast %broadcast_in_dim3A_412 : f32 to vector<16xf32>
      %broadcast_in_dim3A_414 = arith.constant 0.000000e+00 : f32
      %broadcast_in_dim3A_415 = vector.broadcast %broadcast_in_dim3A_414 : f32 to vector<16xf32>
      %broadcast_in_dim3A_416 = arith.constant 0.000000e+00 : f32
      %broadcast_in_dim3A_417 = vector.broadcast %broadcast_in_dim3A_416 : f32 to vector<16xf32>
      %broadcast_in_dim3A_418 = arith.constant 0.000000e+00 : f32
      %broadcast_in_dim3A_419 = vector.broadcast %broadcast_in_dim3A_418 : f32 to vector<16xf32>
      %broadcast_in_dim3A_420 = arith.constant 0.000000e+00 : f32
      %broadcast_in_dim3A_421 = vector.broadcast %broadcast_in_dim3A_420 : f32 to vector<16xf32>
      %broadcast_in_dim3A_422 = arith.constant 0.000000e+00 : f32
      %broadcast_in_dim3A_423 = vector.broadcast %broadcast_in_dim3A_422 : f32 to vector<16xf32>
      %scan3A_424 = arith.constant 0 : i32
      %scan3A_425 = arith.constant 64 : i32
      %scan3A_426 = arith.addi %scan3A_424, %scan3A_425 : i32
      %scan3A_427 = arith.constant 1 : i32
      %scan3A_428:8 = scf.for %scan3A_510 = %scan3A_424 to %scan3A_426 step %scan3A_427 iter_args(%scan3A_511 = %broadcast_in_dim3A_409, %scan3A_512 = %broadcast_in_dim3A_411, %scan3A_513 = %broadcast_in_dim3A_413, %scan3A_514 = %broadcast_in_dim3A_415, %scan3A_515 = %broadcast_in_dim3A_417, %scan3A_516 = %broadcast_in_dim3A_419, %scan3A_517 = %broadcast_in_dim3A_421, %scan3A_518 = %broadcast_in_dim3A_423) -> (vector<16xf32>, vector<16xf32>, vector<16xf32>, vector<16xf32>, vector<16xf32>, vector<16xf32>, vector<16xf32>, vector<16xf32>)  : i32 {
        %add3A_519 = arith.constant 64 : i32
        %add3A_520 = arith.addi %add3A_519, %scan3A_510 : i32
        %get3A = arith.index_cast %add3A_520 : i32 to index
        %get3A_521 = arith.constant 0 : index
        %get3A_522 = tpu.vector_load %arg7[%get3A, %get3A_521] {strides = array<i32>} : memref<128x128xf32, #tpu.memory_space<vmem>>, vector<1x16xf32>,
        %get3A_523 = vector.shape_cast %get3A_522 : vector<1x16xf32> to vector<16xf32>
        %add3A_524 = arith.addf %scan3A_511, %get3A_523 : vector<16xf32>
        %add3A_525 = arith.constant 64 : i32
        %add3A_526 = arith.addi %add3A_525, %scan3A_510 : i32
        %get3A_527 = arith.index_cast %add3A_526 : i32 to index
        %get3A_528 = arith.constant 16 : index
        %get3A_529 = tpu.vector_load %arg7[%get3A_527, %get3A_528] {strides = array<i32>} : memref<128x128xf32, #tpu.memory_space<vmem>>, vector<1x16xf32>,
        %get3A_530 = vector.shape_cast %get3A_529 : vector<1x16xf32> to vector<16xf32>
        %add3A_531 = arith.addf %scan3A_512, %get3A_530 : vector<16xf32>
        %add3A_532 = arith.constant 64 : i32
        %add3A_533 = arith.addi %add3A_532, %scan3A_510 : i32
        %get3A_534 = arith.index_cast %add3A_533 : i32 to index
        %get3A_535 = arith.constant 32 : index
        %get3A_536 = tpu.vector_load %arg7[%get3A_534, %get3A_535] {strides = array<i32>} : memref<128x128xf32, #tpu.memory_space<vmem>>, vector<1x16xf32>,
        %get3A_537 = vector.shape_cast %get3A_536 : vector<1x16xf32> to vector<16xf32>
        %add3A_538 = arith.addf %scan3A_513, %get3A_537 : vector<16xf32>
        %add3A_539 = arith.constant 64 : i32
        %add3A_540 = arith.addi %add3A_539, %scan3A_510 : i32
        %get3A_541 = arith.index_cast %add3A_540 : i32 to index
        %get3A_542 = arith.constant 48 : index
        %get3A_543 = tpu.vector_load %arg7[%get3A_541, %get3A_542] {strides = array<i32>} : memref<128x128xf32, #tpu.memory_space<vmem>>, vector<1x16xf32>,
        %get3A_544 = vector.shape_cast %get3A_543 : vector<1x16xf32> to vector<16xf32>
        %add3A_545 = arith.addf %scan3A_514, %get3A_544 : vector<16xf32>
        %add3A_546 = arith.constant 64 : i32
        %add3A_547 = arith.addi %add3A_546, %scan3A_510 : i32
        %get3A_548 = arith.index_cast %add3A_547 : i32 to index
        %get3A_549 = arith.constant 64 : index
        %get3A_550 = tpu.vector_load %arg7[%get3A_548, %get3A_549] {strides = array<i32>} : memref<128x128xf32, #tpu.memory_space<vmem>>, vector<1x16xf32>,
        %get3A_551 = vector.shape_cast %get3A_550 : vector<1x16xf32> to vector<16xf32>
        %add3A_552 = arith.addf %scan3A_515, %get3A_551 : vector<16xf32>
        %add3A_553 = arith.constant 64 : i32
        %add3A_554 = arith.addi %add3A_553, %scan3A_510 : i32
        %get3A_555 = arith.index_cast %add3A_554 : i32 to index
        %get3A_556 = arith.constant 80 : index
        %get3A_557 = tpu.vector_load %arg7[%get3A_555, %get3A_556] {strides = array<i32>} : memref<128x128xf32, #tpu.memory_space<vmem>>, vector<1x16xf32>,
        %get3A_558 = vector.shape_cast %get3A_557 : vector<1x16xf32> to vector<16xf32>
        %add3A_559 = arith.addf %scan3A_516, %get3A_558 : vector<16xf32>
        %add3A_560 = arith.constant 64 : i32
        %add3A_561 = arith.addi %add3A_560, %scan3A_510 : i32
        %get3A_562 = arith.index_cast %add3A_561 : i32 to index
        %get3A_563 = arith.constant 96 : index
        %get3A_564 = tpu.vector_load %arg7[%get3A_562, %get3A_563] {strides = array<i32>} : memref<128x128xf32, #tpu.memory_space<vmem>>, vector<1x16xf32>,
        %get3A_565 = vector.shape_cast %get3A_564 : vector<1x16xf32> to vector<16xf32>
        %add3A_566 = arith.addf %scan3A_517, %get3A_565 : vector<16xf32>
        %add3A_567 = arith.constant 64 : i32
        %add3A_568 = arith.addi %add3A_567, %scan3A_510 : i32
        %get3A_569 = arith.index_cast %add3A_568 : i32 to index
        %get3A_570 = arith.constant 112 : index
        %get3A_571 = tpu.vector_load %arg7[%get3A_569, %get3A_570] {strides = array<i32>} : memref<128x128xf32, #tpu.memory_space<vmem>>, vector<1x16xf32>,
        %get3A_572 = vector.shape_cast %get3A_571 : vector<1x16xf32> to vector<16xf32>
        %add3A_573 = arith.addf %scan3A_518, %get3A_572 : vector<16xf32>
        scf.yield %add3A_524, %add3A_531, %add3A_538, %add3A_545, %add3A_552, %add3A_559, %add3A_566, %add3A_573 : vector<16xf32>, vector<16xf32>, vector<16xf32>, vector<16xf32>, vector<16xf32>, vector<16xf32>, vector<16xf32>, vector<16xf32>
      }
      %scan3A_429 = arith.constant 64 : i32
      %mul3A_430 = arith.constant 1.562500e-02 : f32
      %mul3A_431 = vector.broadcast %mul3A_430 : f32 to vector<16xf32>
      %mul3A_432 = arith.mulf %scan3A_428#0, %mul3A_431 : vector<16xf32>
      %add3A_433 = arith.constant 1 : i32
      %add3A_434 = arith.addi %mul3A_305, %add3A_433 : i32
      %swap3A_435 = arith.index_cast %add3A_434 : i32 to index
      %swap3A_436 = arith.constant 0 : index
      %swap3A_437 = tpu.vector_load %arg8[%swap3A_435, %swap3A_436] {strides = array<i32>} : memref<64x128xf32, #tpu.memory_space<vmem>>, vector<1x16xf32>,
      %swap3A_438 = vector.shape_cast %swap3A_437 : vector<1x16xf32> to vector<16xf32>
      %swap3A_439 = vector.shape_cast %mul3A_432 : vector<16xf32> to vector<1x16xf32>
      tpu.vector_store %arg8[%swap3A_435, %swap3A_436], %swap3A_439 {strides = array<i32>} : memref<64x128xf32, #tpu.memory_space<vmem>>, vector<1x16xf32>,
      %mul3A_440 = arith.constant 1.562500e-02 : f32
      %mul3A_441 = vector.broadcast %mul3A_440 : f32 to vector<16xf32>
      %mul3A_442 = arith.mulf %scan3A_428#1, %mul3A_441 : vector<16xf32>
      %add3A_443 = arith.constant 1 : i32
      %add3A_444 = arith.addi %mul3A_305, %add3A_443 : i32
      %swap3A_445 = arith.index_cast %add3A_444 : i32 to index
      %swap3A_446 = arith.constant 16 : index
      %swap3A_447 = tpu.vector_load %arg8[%swap3A_445, %swap3A_446] {strides = array<i32>} : memref<64x128xf32, #tpu.memory_space<vmem>>, vector<1x16xf32>,
      %swap3A_448 = vector.shape_cast %swap3A_447 : vector<1x16xf32> to vector<16xf32>
      %swap3A_449 = vector.shape_cast %mul3A_442 : vector<16xf32> to vector<1x16xf32>
      tpu.vector_store %arg8[%swap3A_445, %swap3A_446], %swap3A_449 {strides = array<i32>} : memref<64x128xf32, #tpu.memory_space<vmem>>, vector<1x16xf32>,
      %mul3A_450 = arith.constant 1.562500e-02 : f32
      %mul3A_451 = vector.broadcast %mul3A_450 : f32 to vector<16xf32>
      %mul3A_452 = arith.mulf %scan3A_428#2, %mul3A_451 : vector<16xf32>
      %add3A_453 = arith.constant 1 : i32
      %add3A_454 = arith.addi %mul3A_305, %add3A_453 : i32
      %swap3A_455 = arith.index_cast %add3A_454 : i32 to index
      %swap3A_456 = arith.constant 32 : index
      %swap3A_457 = tpu.vector_load %arg8[%swap3A_455, %swap3A_456] {strides = array<i32>} : memref<64x128xf32, #tpu.memory_space<vmem>>, vector<1x16xf32>,
      %swap3A_458 = vector.shape_cast %swap3A_457 : vector<1x16xf32> to vector<16xf32>
      %swap3A_459 = vector.shape_cast %mul3A_452 : vector<16xf32> to vector<1x16xf32>
      tpu.vector_store %arg8[%swap3A_455, %swap3A_456], %swap3A_459 {strides = array<i32>} : memref<64x128xf32, #tpu.memory_space<vmem>>, vector<1x16xf32>,
      %mul3A_460 = arith.constant 1.562500e-02 : f32
      %mul3A_461 = vector.broadcast %mul3A_460 : f32 to vector<16xf32>
      %mul3A_462 = arith.mulf %scan3A_428#3, %mul3A_461 : vector<16xf32>
      %add3A_463 = arith.constant 1 : i32
      %add3A_464 = arith.addi %mul3A_305, %add3A_463 : i32
      %swap3A_465 = arith.index_cast %add3A_464 : i32 to index
      %swap3A_466 = arith.constant 48 : index
      %swap3A_467 = tpu.vector_load %arg8[%swap3A_465, %swap3A_466] {strides = array<i32>} : memref<64x128xf32, #tpu.memory_space<vmem>>, vector<1x16xf32>,
      %swap3A_468 = vector.shape_cast %swap3A_467 : vector<1x16xf32> to vector<16xf32>
      %swap3A_469 = vector.shape_cast %mul3A_462 : vector<16xf32> to vector<1x16xf32>
      tpu.vector_store %arg8[%swap3A_465, %swap3A_466], %swap3A_469 {strides = array<i32>} : memref<64x128xf32, #tpu.memory_space<vmem>>, vector<1x16xf32>,
      %mul3A_470 = arith.constant 1.562500e-02 : f32
      %mul3A_471 = vector.broadcast %mul3A_470 : f32 to vector<16xf32>
      %mul3A_472 = arith.mulf %scan3A_428#4, %mul3A_471 : vector<16xf32>
      %add3A_473 = arith.constant 1 : i32
      %add3A_474 = arith.addi %mul3A_305, %add3A_473 : i32
      %swap3A_475 = arith.index_cast %add3A_474 : i32 to index
      %swap3A_476 = arith.constant 64 : index
      %swap3A_477 = tpu.vector_load %arg8[%swap3A_475, %swap3A_476] {strides = array<i32>} : memref<64x128xf32, #tpu.memory_space<vmem>>, vector<1x16xf32>,
      %swap3A_478 = vector.shape_cast %swap3A_477 : vector<1x16xf32> to vector<16xf32>
      %swap3A_479 = vector.shape_cast %mul3A_472 : vector<16xf32> to vector<1x16xf32>
      tpu.vector_store %arg8[%swap3A_475, %swap3A_476], %swap3A_479 {strides = array<i32>} : memref<64x128xf32, #tpu.memory_space<vmem>>, vector<1x16xf32>,
      %mul3A_480 = arith.constant 1.562500e-02 : f32
      %mul3A_481 = vector.broadcast %mul3A_480 : f32 to vector<16xf32>
      %mul3A_482 = arith.mulf %scan3A_428#5, %mul3A_481 : vector<16xf32>
      %add3A_483 = arith.constant 1 : i32
      %add3A_484 = arith.addi %mul3A_305, %add3A_483 : i32
      %swap3A_485 = arith.index_cast %add3A_484 : i32 to index
      %swap3A_486 = arith.constant 80 : index
      %swap3A_487 = tpu.vector_load %arg8[%swap3A_485, %swap3A_486] {strides = array<i32>} : memref<64x128xf32, #tpu.memory_space<vmem>>, vector<1x16xf32>,
      %swap3A_488 = vector.shape_cast %swap3A_487 : vector<1x16xf32> to vector<16xf32>
      %swap3A_489 = vector.shape_cast %mul3A_482 : vector<16xf32> to vector<1x16xf32>
      tpu.vector_store %arg8[%swap3A_485, %swap3A_486], %swap3A_489 {strides = array<i32>} : memref<64x128xf32, #tpu.memory_space<vmem>>, vector<1x16xf32>,
      %mul3A_490 = arith.constant 1.562500e-02 : f32
      %mul3A_491 = vector.broadcast %mul3A_490 : f32 to vector<16xf32>
      %mul3A_492 = arith.mulf %scan3A_428#6, %mul3A_491 : vector<16xf32>
      %add3A_493 = arith.constant 1 : i32
      %add3A_494 = arith.addi %mul3A_305, %add3A_493 : i32
      %swap3A_495 = arith.index_cast %add3A_494 : i32 to index
      %swap3A_496 = arith.constant 96 : index
      %swap3A_497 = tpu.vector_load %arg8[%swap3A_495, %swap3A_496] {strides = array<i32>} : memref<64x128xf32, #tpu.memory_space<vmem>>, vector<1x16xf32>,
      %swap3A_498 = vector.shape_cast %swap3A_497 : vector<1x16xf32> to vector<16xf32>
      %swap3A_499 = vector.shape_cast %mul3A_492 : vector<16xf32> to vector<1x16xf32>
      tpu.vector_store %arg8[%swap3A_495, %swap3A_496], %swap3A_499 {strides = array<i32>} : memref<64x128xf32, #tpu.memory_space<vmem>>, vector<1x16xf32>,
      %mul3A_500 = arith.constant 1.562500e-02 : f32
      %mul3A_501 = vector.broadcast %mul3A_500 : f32 to vector<16xf32>
      %mul3A_502 = arith.mulf %scan3A_428#7, %mul3A_501 : vector<16xf32>
      %add3A_503 = arith.constant 1 : i32
      %add3A_504 = arith.addi %mul3A_305, %add3A_503 : i32
      %swap3A_505 = arith.index_cast %add3A_504 : i32 to index
      %swap3A_506 = arith.constant 112 : index
      %swap3A_507 = tpu.vector_load %arg8[%swap3A_505, %swap3A_506] {strides = array<i32>} : memref<64x128xf32, #tpu.memory_space<vmem>>, vector<1x16xf32>,
      %swap3A_508 = vector.shape_cast %swap3A_507 : vector<1x16xf32> to vector<16xf32>
      %swap3A_509 = vector.shape_cast %mul3A_502 : vector<16xf32> to vector<1x16xf32>
      tpu.vector_store %arg8[%swap3A_505, %swap3A_506], %swap3A_509 {strides = array<i32>} : memref<64x128xf32, #tpu.memory_space<vmem>>, vector<1x16xf32>,
    }
    %scan3A_45 = arith.constant 16 : i32
    %mul3A_46 = arith.constant 2 : i32
    %mul3A_47 = arith.muli %add3A, %mul3A_46 : i32
    %mul3A_48 = arith.constant 32 : i32
    %mul3A_49 = arith.muli %mul3A_47, %mul3A_48 : i32
    "tpu.region"() ({
      %run_scoped3A = tpu.sem_alloc : memref<!tpu.dma_semaphore, #tpu.memory_space<semaphore_mem>>
      %dma_start3A_50 = arith.constant 0 : i32
      %dma_start3A_51 = tpu.memref_slice %arg4[%mul3A_49, %dma_start3A_50] : memref<2048x128xf32, #tpu.memory_space<hbm>> -> memref<64x128xf32, #tpu.memory_space<hbm>>
      %dma_start3A_52 = arith.constant 0 : i32
      %dma_start3A_53 = tpu.memref_slice %arg4[%mul3A_49, %dma_start3A_52] : memref<2048x128xf32, #tpu.memory_space<hbm>> -> memref<64x128xf32, #tpu.memory_space<hbm>>
      tpu.enqueue_dma source(%arg8 : memref<64x128xf32, #tpu.memory_space<vmem>>) target(%dma_start3A_53 : memref<64x128xf32, #tpu.memory_space<hbm>>) target_semaphore(%run_scoped3A : memref<!tpu.dma_semaphore, #tpu.memory_space<semaphore_mem>>)
      %dma_wait3A_54 = arith.constant 0 : i32
      %dma_wait3A_55 = tpu.memref_slice %arg4[%mul3A_49, %dma_wait3A_54] : memref<2048x128xf32, #tpu.memory_space<hbm>> -> memref<64x128xf32, #tpu.memory_space<hbm>>
      %dma_wait3A_56 = arith.constant 0 : i32
      %dma_wait3A_57 = tpu.memref_slice %arg4[%mul3A_49, %dma_wait3A_56] : memref<2048x128xf32, #tpu.memory_space<hbm>> -> memref<64x128xf32, #tpu.memory_space<hbm>>
      tpu.wait_dma2 semaphore(%run_scoped3A : memref<!tpu.dma_semaphore, #tpu.memory_space<semaphore_mem>>) src(%arg8 : memref<64x128xf32, #tpu.memory_space<vmem>>) dst(%dma_wait3A_57 : memref<64x128xf32, #tpu.memory_space<hbm>>)
      tpu.yield
    }) : () -> ()
    return
  }
}

module attributes {stable_mosaic.version = 14 : i64} {
  func.func @_attn_block(%arg0: i32, %arg1: memref<1x4096x128xf32, #tpu.memory_space<vmem>>, %arg2: memref<1x4096x128xf32, #tpu.memory_space<vmem>>, %arg3: memref<1x1x4096xi32, #tpu.memory_space<vmem>>, %arg4: memref<32x128xf32, #tpu.memory_space<vmem>>, %arg5: memref<256x128xf32, #tpu.memory_space<vmem>>, %arg6: memref<1x128xf32, #tpu.memory_space<vmem>>, %arg7: memref<128x128xf32, #tpu.memory_space<vmem>>, %arg8: memref<1x128xf32, #tpu.memory_space<vmem>>, %arg9: memref<128x128xf32, #tpu.memory_space<vmem>>, %arg10: memref<1x128xf32, #tpu.memory_space<vmem>>, %arg11: memref<1x64x128xf32, #tpu.memory_space<vmem>>) attributes {dimension_semantics = [#tpu.dimension_semantics<arbitrary>], iteration_bounds = array<i64: 64>, scalar_prefetch = 0 : i64, scratch_operands = 0 : i64, tpu.core_type = #tpu.core_type<tc>, window_params = [{transform_indices = @transform_0, window_bounds = array<i64: 1, 4096, 128>}, {transform_indices = @transform_1, window_bounds = array<i64: 1, 4096, 128>}, {transform_indices = @transform_2, window_bounds = array<i64: 1, 1, 4096>}, {pipeline_mode = #tpu.pipeline_mode<synchronous>, transform_indices = @transform_3, window_bounds = array<i64: 32, 128>}, {pipeline_mode = #tpu.pipeline_mode<synchronous>, transform_indices = @transform_4, window_bounds = array<i64: 256, 128>}, {pipeline_mode = #tpu.pipeline_mode<synchronous>, transform_indices = @transform_5, window_bounds = array<i64: 1, 128>}, {pipeline_mode = #tpu.pipeline_mode<synchronous>, transform_indices = @transform_6, window_bounds = array<i64: 128, 128>}, {pipeline_mode = #tpu.pipeline_mode<synchronous>, transform_indices = @transform_7, window_bounds = array<i64: 1, 128>}, {pipeline_mode = #tpu.pipeline_mode<synchronous>, transform_indices = @transform_8, window_bounds = array<i64: 128, 128>}, {pipeline_mode = #tpu.pipeline_mode<synchronous>, transform_indices = @transform_9, window_bounds = array<i64: 1, 128>}, {transform_indices = @transform_10, window_bounds = array<i64: 1, 64, 128>}]} {
    %get3A = arith.constant 0 : index
    %get3A_0 = arith.constant 0 : index
    %get3A_1 = arith.constant 0 : index
    %get3A_2 = vector.load %arg1[%get3A, %get3A_0, %get3A_1] : memref<1x4096x128xf32, #tpu.memory_space<vmem>>, vector<1x4096x128xf32>
    %get3A_3 = vector.shape_cast %get3A_2 : vector<1x4096x128xf32> to vector<4096x128xf32>
    %get3A_4 = arith.constant 0 : index
    %get3A_5 = arith.constant 0 : index
    %get3A_6 = arith.constant 0 : index
    %get3A_7 = vector.load %arg2[%get3A_4, %get3A_5, %get3A_6] : memref<1x4096x128xf32, #tpu.memory_space<vmem>>, vector<1x4096x128xf32>
    %get3A_8 = vector.shape_cast %get3A_7 : vector<1x4096x128xf32> to vector<4096x128xf32>
    %get3A_9 = arith.constant 0 : index
    %get3A_10 = arith.constant 0 : index
    %get3A_11 = arith.constant 0 : index
    %get3A_12 = vector.load %arg3[%get3A_9, %get3A_10, %get3A_11] : memref<1x1x4096xi32, #tpu.memory_space<vmem>>, vector<1x1x4096xi32>
    %get3A_13 = vector.shape_cast %get3A_12 : vector<1x1x4096xi32> to vector<1x4096xi32>
    %get3A_14 = arith.constant 0 : index
    %get3A_15 = arith.constant 0 : index
    %get3A_16 = vector.load %arg5[%get3A_14, %get3A_15] : memref<256x128xf32, #tpu.memory_space<vmem>>, vector<128x128xf32>
    %get3A_17 = arith.constant 128 : index
    %get3A_18 = arith.constant 0 : index
    %get3A_19 = vector.load %arg5[%get3A_17, %get3A_18] : memref<256x128xf32, #tpu.memory_space<vmem>>, vector<128x128xf32>
    %get3A_20 = arith.constant 0 : index
    %get3A_21 = arith.constant 0 : index
    %get3A_22 = vector.load %arg4[%get3A_20, %get3A_21] : memref<32x128xf32, #tpu.memory_space<vmem>>, vector<32x128xf32>
    %dot_general3A = arith.constant dense<0.000000e+00> : vector<32x128xf32>
    %dot_general3A_23 = tpu.matmul %get3A_22, %get3A_19, %dot_general3A {dimension_numbers = #tpu.dot_dimension_numbers<[1], [0], [0], [1], [0, 0, 1, 1], [], []>, transpose_lhs_hint = false} : vector<32x128xf32>, vector<128x128xf32>, vector<32x128xf32> -> vector<32x128xf32>
    %iota3A = tpu.iota {dimensions = array<i32: 0>} : vector<32x4096xi32>
    %eq3A = vector.broadcast %get3A_13 : vector<1x4096xi32> to vector<32x4096xi32>
    %eq3A_24 = arith.cmpi eq, %eq3A, %iota3A : vector<32x4096xi32>
    %jit3A = arith.constant 1.000000e+00 : f32
    %jit3A_25 = arith.constant 0.000000e+00 : f32
    %broadcast_in_dim3A = vector.broadcast %jit3A : f32 to vector<32x4096xf32>
    %broadcast_in_dim3A_26 = vector.broadcast %jit3A_25 : f32 to vector<32x4096xf32>
    %select_n3A = arith.select %eq3A_24, %broadcast_in_dim3A, %broadcast_in_dim3A_26 : vector<32x4096xi1>, vector<32x4096xf32>
    %dot_general3A_27 = arith.constant dense<0.000000e+00> : vector<4096x128xf32>
    %dot_general3A_28 = tpu.matmul %select_n3A, %dot_general3A_23, %dot_general3A_27 {dimension_numbers = #tpu.dot_dimension_numbers<[0], [0], [1], [1], [0, 1, 1, 1], [], []>, transpose_lhs_hint = false} : vector<32x4096xf32>, vector<32x128xf32>, vector<4096x128xf32> -> vector<4096x128xf32>
    %dot_general3A_29 = arith.constant dense<0.000000e+00> : vector<4096x128xf32>
    %dot_general3A_30 = tpu.matmul %get3A_3, %get3A_16, %dot_general3A_29 {dimension_numbers = #tpu.dot_dimension_numbers<[1], [0], [0], [1], [0, 0, 1, 1], [], []>, transpose_lhs_hint = false} : vector<4096x128xf32>, vector<128x128xf32>, vector<4096x128xf32> -> vector<4096x128xf32>
    %add3A = arith.addf %dot_general3A_30, %dot_general3A_28 : vector<4096x128xf32>
    %get3A_31 = arith.constant 0 : index
    %get3A_32 = arith.constant 0 : index
    %get3A_33 = vector.load %arg6[%get3A_31, %get3A_32] : memref<1x128xf32, #tpu.memory_space<vmem>>, vector<1x128xf32>
    %add3A_34 = vector.broadcast %get3A_33 : vector<1x128xf32> to vector<4096x128xf32>
    %add3A_35 = arith.addf %add3A, %add3A_34 : vector<4096x128xf32>
    %max3A = arith.constant 0.000000e+00 : f32
    %max3A_36 = vector.broadcast %max3A : f32 to vector<4096x128xf32>
    %max3A_37 = arith.maximumf %add3A_35, %max3A_36 : vector<4096x128xf32>
    %get3A_38 = arith.constant 0 : index
    %get3A_39 = arith.constant 0 : index
    %get3A_40 = vector.load %arg7[%get3A_38, %get3A_39] : memref<128x128xf32, #tpu.memory_space<vmem>>, vector<128x128xf32>
    %dot_general3A_41 = arith.constant dense<0.000000e+00> : vector<4096x128xf32>
    %dot_general3A_42 = tpu.matmul %max3A_37, %get3A_40, %dot_general3A_41 {dimension_numbers = #tpu.dot_dimension_numbers<[1], [0], [0], [1], [0, 0, 1, 1], [], []>, transpose_lhs_hint = false} : vector<4096x128xf32>, vector<128x128xf32>, vector<4096x128xf32> -> vector<4096x128xf32>
    %get3A_43 = arith.constant 0 : index
    %get3A_44 = arith.constant 0 : index
    %get3A_45 = vector.load %arg8[%get3A_43, %get3A_44] : memref<1x128xf32, #tpu.memory_space<vmem>>, vector<1x128xf32>
    %add3A_46 = vector.broadcast %get3A_45 : vector<1x128xf32> to vector<4096x128xf32>
    %add3A_47 = arith.addf %dot_general3A_42, %add3A_46 : vector<4096x128xf32>
    %max3A_48 = arith.constant 0.000000e+00 : f32
    %max3A_49 = vector.broadcast %max3A_48 : f32 to vector<4096x128xf32>
    %max3A_50 = arith.maximumf %add3A_47, %max3A_49 : vector<4096x128xf32>
    %get3A_51 = arith.constant 0 : index
    %get3A_52 = arith.constant 0 : index
    %get3A_53 = vector.load %arg9[%get3A_51, %get3A_52] : memref<128x128xf32, #tpu.memory_space<vmem>>, vector<128x128xf32>
    %dot_general3A_54 = arith.constant dense<0.000000e+00> : vector<4096x128xf32>
    %dot_general3A_55 = tpu.matmul %max3A_50, %get3A_53, %dot_general3A_54 {dimension_numbers = #tpu.dot_dimension_numbers<[1], [0], [0], [1], [0, 0, 1, 1], [], []>, transpose_lhs_hint = false} : vector<4096x128xf32>, vector<128x128xf32>, vector<4096x128xf32> -> vector<4096x128xf32>
    %get3A_56 = arith.constant 0 : index
    %get3A_57 = arith.constant 0 : index
    %get3A_58 = vector.load %arg10[%get3A_56, %get3A_57] : memref<1x128xf32, #tpu.memory_space<vmem>>, vector<1x128xf32>
    %add3A_59 = vector.broadcast %get3A_58 : vector<1x128xf32> to vector<4096x128xf32>
    %add3A_60 = arith.addf %dot_general3A_55, %add3A_59 : vector<4096x128xf32>
    %logistic3A = arith.negf %add3A_60 : vector<4096x128xf32>
    %logistic3A_61 = math.exp %logistic3A : vector<4096x128xf32>
    %logistic3A_62 = arith.constant 1.000000e+00 : f32
    %logistic3A_63 = vector.broadcast %logistic3A_62 : f32 to vector<4096x128xf32>
    %logistic3A_64 = arith.addf %logistic3A_63, %logistic3A_61 : vector<4096x128xf32>
    %logistic3A_65 = arith.divf %logistic3A_63, %logistic3A_64 : vector<4096x128xf32>
    %slice3A = vector.extract_strided_slice %logistic3A_65 {offsets = [0, 0], sizes = [4096, 1], strides = [1, 1]} : vector<4096x128xf32> to vector<4096x1xf32>
    %exp3A = math.exp %slice3A : vector<4096x1xf32>
    %mul3A = vector.broadcast %exp3A : vector<4096x1xf32> to vector<4096x128xf32>
    %mul3A_66 = arith.mulf %mul3A, %get3A_8 : vector<4096x128xf32>
    %reshape3A = vector.shape_cast %mul3A_66 : vector<4096x128xf32> to vector<64x64x128xf32>
    %reduce_sum3A = arith.constant dense<0.000000e+00> : vector<64x128xf32>
    %reduce_sum3A_67 = vector.multi_reduction <add>, %reshape3A, %reduce_sum3A [1] : vector<64x64x128xf32> to vector<64x128xf32>
    %reshape3A_68 = vector.shape_cast %exp3A : vector<4096x1xf32> to vector<64x64x1xf32>
    %reduce_sum3A_69 = arith.constant dense<0.000000e+00> : vector<64x1xf32>
    %reduce_sum3A_70 = vector.multi_reduction <add>, %reshape3A_68, %reduce_sum3A_69 [1] : vector<64x64x1xf32> to vector<64x1xf32>
    %div3A = vector.broadcast %reduce_sum3A_70 : vector<64x1xf32> to vector<64x128xf32>
    %div3A_71 = arith.divf %reduce_sum3A_67, %div3A : vector<64x128xf32>
    %swap3A = arith.constant 0 : index
    %swap3A_72 = arith.constant 0 : index
    %swap3A_73 = arith.constant 0 : index
    %swap3A_74 = vector.load %arg11[%swap3A, %swap3A_72, %swap3A_73] : memref<1x64x128xf32, #tpu.memory_space<vmem>>, vector<1x64x128xf32>
    %swap3A_75 = vector.shape_cast %swap3A_74 : vector<1x64x128xf32> to vector<64x128xf32>
    %swap3A_76 = vector.shape_cast %div3A_71 : vector<64x128xf32> to vector<1x64x128xf32>
    tpu.vector_store %arg11[%swap3A, %swap3A_72, %swap3A_73], %swap3A_76 {strides = array<i32>} : memref<1x64x128xf32, #tpu.memory_space<vmem>>, vector<1x64x128xf32>,
    return
  }
  func.func @transform_0(%arg0: i32) -> (i32, i32, i32) {
    %c0_i32 = arith.constant 0 : i32
    %c0_i32_0 = arith.constant 0 : i32
    %c0_i32_1 = arith.constant 0 : i32
    return %arg0, %c0_i32, %c0_i32_0 : i32, i32, i32
  }
  func.func @transform_1(%arg0: i32) -> (i32, i32, i32) {
    %c0_i32 = arith.constant 0 : i32
    %c0_i32_0 = arith.constant 0 : i32
    %c0_i32_1 = arith.constant 0 : i32
    return %arg0, %c0_i32, %c0_i32_0 : i32, i32, i32
  }
  func.func @transform_2(%arg0: i32) -> (i32, i32, i32) {
    %c0_i32 = arith.constant 0 : i32
    %c0_i32_0 = arith.constant 0 : i32
    %c0_i32_1 = arith.constant 0 : i32
    return %arg0, %c0_i32, %c0_i32_0 : i32, i32, i32
  }
  func.func @transform_3(%arg0: i32) -> (i32, i32) {
    %c0_i32 = arith.constant 0 : i32
    %c0_i32_0 = arith.constant 0 : i32
    %c0_i32_1 = arith.constant 0 : i32
    return %c0_i32, %c0_i32_0 : i32, i32
  }
  func.func @transform_4(%arg0: i32) -> (i32, i32) {
    %c0_i32 = arith.constant 0 : i32
    %c0_i32_0 = arith.constant 0 : i32
    %c0_i32_1 = arith.constant 0 : i32
    return %c0_i32, %c0_i32_0 : i32, i32
  }
  func.func @transform_5(%arg0: i32) -> (i32, i32) {
    %c0_i32 = arith.constant 0 : i32
    %c0_i32_0 = arith.constant 0 : i32
    %c0_i32_1 = arith.constant 0 : i32
    return %c0_i32, %c0_i32_0 : i32, i32
  }
  func.func @transform_6(%arg0: i32) -> (i32, i32) {
    %c0_i32 = arith.constant 0 : i32
    %c0_i32_0 = arith.constant 0 : i32
    %c0_i32_1 = arith.constant 0 : i32
    return %c0_i32, %c0_i32_0 : i32, i32
  }
  func.func @transform_7(%arg0: i32) -> (i32, i32) {
    %c0_i32 = arith.constant 0 : i32
    %c0_i32_0 = arith.constant 0 : i32
    %c0_i32_1 = arith.constant 0 : i32
    return %c0_i32, %c0_i32_0 : i32, i32
  }
  func.func @transform_8(%arg0: i32) -> (i32, i32) {
    %c0_i32 = arith.constant 0 : i32
    %c0_i32_0 = arith.constant 0 : i32
    %c0_i32_1 = arith.constant 0 : i32
    return %c0_i32, %c0_i32_0 : i32, i32
  }
  func.func @transform_9(%arg0: i32) -> (i32, i32) {
    %c0_i32 = arith.constant 0 : i32
    %c0_i32_0 = arith.constant 0 : i32
    %c0_i32_1 = arith.constant 0 : i32
    return %c0_i32, %c0_i32_0 : i32, i32
  }
  func.func @transform_10(%arg0: i32) -> (i32, i32, i32) {
    %c0_i32 = arith.constant 0 : i32
    %c0_i32_0 = arith.constant 0 : i32
    %c0_i32_1 = arith.constant 0 : i32
    return %arg0, %c0_i32, %c0_i32_0 : i32, i32, i32
  }
}

module attributes {stable_mosaic.version = 14 : i64} {
  func.func @_agg_block(%arg0: memref<1024x128xf32, #tpu.memory_space<vmem>>, %arg1: memref<1024x128xf32, #tpu.memory_space<vmem>>, %arg2: memref<1024x128xf32, #tpu.memory_space<vmem>>, %arg3: memref<1024x128xf32, #tpu.memory_space<vmem>>, %arg4: memref<1024x128xf32, #tpu.memory_space<vmem>>, %arg5: memref<1024x128xf32, #tpu.memory_space<vmem>>, %arg6: memref<384x128xf32, #tpu.memory_space<vmem>>, %arg7: memref<1x128xf32, #tpu.memory_space<vmem>>, %arg8: memref<1024x1xf32, #tpu.memory_space<vmem>>) attributes {dimension_semantics = [], scalar_prefetch = 0 : i64, scratch_operands = 0 : i64, tpu.core_type = #tpu.core_type<tc>} {
    %get3A = arith.constant 0 : index
    %get3A_0 = arith.constant 0 : index
    %get3A_1 = vector.load %arg6[%get3A, %get3A_0] : memref<384x128xf32, #tpu.memory_space<vmem>>, vector<128x128xf32>
    %get3A_2 = arith.constant 128 : index
    %get3A_3 = arith.constant 0 : index
    %get3A_4 = vector.load %arg6[%get3A_2, %get3A_3] : memref<384x128xf32, #tpu.memory_space<vmem>>, vector<128x128xf32>
    %get3A_5 = arith.constant 256 : index
    %get3A_6 = arith.constant 0 : index
    %get3A_7 = vector.load %arg6[%get3A_5, %get3A_6] : memref<384x128xf32, #tpu.memory_space<vmem>>, vector<128x128xf32>
    %get3A_8 = arith.constant 0 : index
    %get3A_9 = arith.constant 0 : index
    %get3A_10 = vector.load %arg7[%get3A_8, %get3A_9] : memref<1x128xf32, #tpu.memory_space<vmem>>, vector<1x128xf32>
    %get3A_11 = arith.constant 0 : index
    %get3A_12 = arith.constant 0 : index
    %get3A_13 = vector.load %arg0[%get3A_11, %get3A_12] : memref<1024x128xf32, #tpu.memory_space<vmem>>, vector<1024x128xf32>
    %dot_general3A = arith.constant dense<0.000000e+00> : vector<1024x128xf32>
    %dot_general3A_14 = tpu.matmul %get3A_13, %get3A_1, %dot_general3A {dimension_numbers = #tpu.dot_dimension_numbers<[1], [0], [0], [1], [0, 0, 1, 1], [], []>, transpose_lhs_hint = false} : vector<1024x128xf32>, vector<128x128xf32>, vector<1024x128xf32> -> vector<1024x128xf32>
    %get3A_15 = arith.constant 0 : index
    %get3A_16 = arith.constant 0 : index
    %get3A_17 = vector.load %arg1[%get3A_15, %get3A_16] : memref<1024x128xf32, #tpu.memory_space<vmem>>, vector<1024x128xf32>
    %dot_general3A_18 = arith.constant dense<0.000000e+00> : vector<1024x128xf32>
    %dot_general3A_19 = tpu.matmul %get3A_17, %get3A_4, %dot_general3A_18 {dimension_numbers = #tpu.dot_dimension_numbers<[1], [0], [0], [1], [0, 0, 1, 1], [], []>, transpose_lhs_hint = false} : vector<1024x128xf32>, vector<128x128xf32>, vector<1024x128xf32> -> vector<1024x128xf32>
    %add3A = arith.addf %dot_general3A_14, %dot_general3A_19 : vector<1024x128xf32>
    %get3A_20 = arith.constant 0 : index
    %get3A_21 = arith.constant 0 : index
    %get3A_22 = vector.load %arg2[%get3A_20, %get3A_21] : memref<1024x128xf32, #tpu.memory_space<vmem>>, vector<1024x128xf32>
    %dot_general3A_23 = arith.constant dense<0.000000e+00> : vector<1024x128xf32>
    %dot_general3A_24 = tpu.matmul %get3A_22, %get3A_7, %dot_general3A_23 {dimension_numbers = #tpu.dot_dimension_numbers<[1], [0], [0], [1], [0, 0, 1, 1], [], []>, transpose_lhs_hint = false} : vector<1024x128xf32>, vector<128x128xf32>, vector<1024x128xf32> -> vector<1024x128xf32>
    %add3A_25 = arith.addf %add3A, %dot_general3A_24 : vector<1024x128xf32>
    %add3A_26 = vector.broadcast %get3A_10 : vector<1x128xf32> to vector<1024x128xf32>
    %add3A_27 = arith.addf %add3A_25, %add3A_26 : vector<1024x128xf32>
    %logistic3A = arith.negf %add3A_27 : vector<1024x128xf32>
    %logistic3A_28 = math.exp %logistic3A : vector<1024x128xf32>
    %logistic3A_29 = arith.constant 1.000000e+00 : f32
    %logistic3A_30 = vector.broadcast %logistic3A_29 : f32 to vector<1024x128xf32>
    %logistic3A_31 = arith.addf %logistic3A_30, %logistic3A_28 : vector<1024x128xf32>
    %logistic3A_32 = arith.divf %logistic3A_30, %logistic3A_31 : vector<1024x128xf32>
    %get3A_33 = arith.constant 0 : index
    %get3A_34 = arith.constant 0 : index
    %get3A_35 = vector.load %arg3[%get3A_33, %get3A_34] : memref<1024x128xf32, #tpu.memory_space<vmem>>, vector<1024x128xf32>
    %dot_general3A_36 = arith.constant dense<0.000000e+00> : vector<1024x128xf32>
    %dot_general3A_37 = tpu.matmul %get3A_35, %get3A_1, %dot_general3A_36 {dimension_numbers = #tpu.dot_dimension_numbers<[1], [0], [0], [1], [0, 0, 1, 1], [], []>, transpose_lhs_hint = false} : vector<1024x128xf32>, vector<128x128xf32>, vector<1024x128xf32> -> vector<1024x128xf32>
    %get3A_38 = arith.constant 0 : index
    %get3A_39 = arith.constant 0 : index
    %get3A_40 = vector.load %arg4[%get3A_38, %get3A_39] : memref<1024x128xf32, #tpu.memory_space<vmem>>, vector<1024x128xf32>
    %dot_general3A_41 = arith.constant dense<0.000000e+00> : vector<1024x128xf32>
    %dot_general3A_42 = tpu.matmul %get3A_40, %get3A_4, %dot_general3A_41 {dimension_numbers = #tpu.dot_dimension_numbers<[1], [0], [0], [1], [0, 0, 1, 1], [], []>, transpose_lhs_hint = false} : vector<1024x128xf32>, vector<128x128xf32>, vector<1024x128xf32> -> vector<1024x128xf32>
    %add3A_43 = arith.addf %dot_general3A_37, %dot_general3A_42 : vector<1024x128xf32>
    %get3A_44 = arith.constant 0 : index
    %get3A_45 = arith.constant 0 : index
    %get3A_46 = vector.load %arg5[%get3A_44, %get3A_45] : memref<1024x128xf32, #tpu.memory_space<vmem>>, vector<1024x128xf32>
    %dot_general3A_47 = arith.constant dense<0.000000e+00> : vector<1024x128xf32>
    %dot_general3A_48 = tpu.matmul %get3A_46, %get3A_7, %dot_general3A_47 {dimension_numbers = #tpu.dot_dimension_numbers<[1], [0], [0], [1], [0, 0, 1, 1], [], []>, transpose_lhs_hint = false} : vector<1024x128xf32>, vector<128x128xf32>, vector<1024x128xf32> -> vector<1024x128xf32>
    %add3A_49 = arith.addf %add3A_43, %dot_general3A_48 : vector<1024x128xf32>
    %add3A_50 = vector.broadcast %get3A_10 : vector<1x128xf32> to vector<1024x128xf32>
    %add3A_51 = arith.addf %add3A_49, %add3A_50 : vector<1024x128xf32>
    %logistic3A_52 = arith.negf %add3A_51 : vector<1024x128xf32>
    %logistic3A_53 = math.exp %logistic3A_52 : vector<1024x128xf32>
    %logistic3A_54 = arith.constant 1.000000e+00 : f32
    %logistic3A_55 = vector.broadcast %logistic3A_54 : f32 to vector<1024x128xf32>
    %logistic3A_56 = arith.addf %logistic3A_55, %logistic3A_53 : vector<1024x128xf32>
    %logistic3A_57 = arith.divf %logistic3A_55, %logistic3A_56 : vector<1024x128xf32>
    %mul3A = arith.mulf %logistic3A_32, %logistic3A_57 : vector<1024x128xf32>
    %reduce_sum3A = arith.constant dense<0.000000e+00> : vector<1024xf32>
    %reduce_sum3A_58 = vector.multi_reduction <add>, %mul3A, %reduce_sum3A [1] : vector<1024x128xf32> to vector<1024xf32>
    %broadcast_in_dim3A = vector.shape_cast %reduce_sum3A_58 : vector<1024xf32> to vector<1024x1xf32>
    %logistic3A_59 = arith.negf %broadcast_in_dim3A : vector<1024x1xf32>
    %logistic3A_60 = math.exp %logistic3A_59 : vector<1024x1xf32>
    %logistic3A_61 = arith.constant 1.000000e+00 : f32
    %logistic3A_62 = vector.broadcast %logistic3A_61 : f32 to vector<1024x1xf32>
    %logistic3A_63 = arith.addf %logistic3A_62, %logistic3A_60 : vector<1024x1xf32>
    %logistic3A_64 = arith.divf %logistic3A_62, %logistic3A_63 : vector<1024x1xf32>
    %swap3A = arith.constant 0 : index
    %swap3A_65 = arith.constant 0 : index
    %swap3A_66 = vector.load %arg8[%swap3A, %swap3A_65] : memref<1024x1xf32, #tpu.memory_space<vmem>>, vector<1024x1xf32>
    tpu.vector_store %arg8[%swap3A, %swap3A_65], %logistic3A_64 {strides = array<i32>} : memref<1024x1xf32, #tpu.memory_space<vmem>>, vector<1024x1xf32>,
    return
  }
}

</mosaic_0001>

<sc_bundles>
// kernel: kernel.6.cloned.1.call-start
scs
__scs_entry_jumppad:
0x0: {  	(pc) =	sbr.rel $0x88, $3  }
0x1: {  	(tag) =	ssettag $0x0;
	lr =	simm.s32 $0x1  }
0x2: {  	[smem:$0x3F8F] =	sst lr;
	_ =	strace $0xD0000000  }
0x3: {  	_ = 	snop  }
0x4: {  	_ = 	snop  }
0x5: {  	_ = 	snop  }
0x6: {  	_ = 	snop  }
0x7: {  	_ = 	snop  }
__scs_overlays_trampoline_lowered:
0x8: {  	[smem:$0x3F9E] =	sst s0  }
0x9: {  	[smem:$0x3F9F] =	sst s1  }
0xa: {  	[smem:$0x3FA0] =	sst s2  }
0xb: {  	[smem:$0x3FA1] =	sst s3  }
0xc: {  	[smem:$0x3FA2] =	sst s4  }
0xd: {  	[smem:$0x3FA3] =	sst s5  }
0xe: {  	[smem:$0x3FA4] =	sst s6  }
0xf: {  	[smem:$0x3FA5] =	sst s7  }
0x10: {  	[smem:$0x3FA6] =	sst s8  }
0x11: {  	[smem:$0x3FA7] =	sst s9;
	s0 =	simm.s32 @!p0 $0x0  }
0x12: {  	s1 =	sld [smem:$0x3F8D];
	s0 =	simm.s32 @p0 $0x1  }
0x13: {  	[smem:$0x3FA8] =	sst s0;
	s0 =	simm.s32 @!p1 $0x0  }
0x14: {  	s2 =	sld [smem:$0x3F8C];
	s0 =	simm.s32 @p1 $0x1  }
0x15: {  	[smem:$0x3FA9] =	sst s0;
	s0 =	simm.s32 @!p2 $0x0  }
0x16: {  	s3 =	sld [smem:$0x3FDB];
	s0 =	simm.s32 @p2 $0x1  }
0x17: {  	s4 =	simm.s32 $0x1BF5;
	[smem:$0x3FAB] =	sst s0  }
0x18: {  	s0 =	sld [smem:$0x3F8E];
	_ =	swait.ge [sflag:s4], $0x0  }
0x19: {  	s7 =	sld [smem:$0x3F8F]  }
0x1a: {  	s8 =	sadd.s32 $0xFFFFE003, lr  }
0x1b: {  	s9 =	sadd.s32 $0xFFFFFEF7, lr;
	s5 =	simm.s32 $0xFFFFFFFF;
	p2 =	slt.u32 s8, $0xFFFFF086  }
0x1c: {  	p1 =	slt.u32 s9, $0xF7A;
	s5 =	simm.s32 @!p2 $0x0  }
0x1d: {  	s5 =	simm.s32 @p1 $0x1;
	p0 =	seq.s32 s7, s2  }
0x1e: {  	s7 =	smul.u32 @!p0 $0xF7A, s2;
	p2 =	seq.s32 @!p0 s5, $0x0  }
0x1f: {  	s9 =	smul.u32 $0xF7A, s1;
	s8 =	simm.s32 @!p0 $0x1BF5;
	p2 =	por !p2, p0  }
0x20: {  	[sflag:s8] =	ssyncset.s32 @!p0 $0xFFFFF086;
	s6 =	sadd.s32 @!p0 s3, s7;
	s7 =	simm.s32 @!p0 $0x108  }
0x21: {  	s3 =	sadd.s32 s3, s9;
	s6 =	sadd.s32 @!p0 $0x88, s6;
	s7 =	simm.s32 @p2 $0x1082  }
0x22: {  	[simem:s7], [sflag:s8] =	dma.local @!p0 [hbm:s6], $0xF7A  }
0x23: {  	s9 =	sor.u32 $0xD0000000, s2;
	s6 =	simm.s32 $0x108;
	_ =	swait.ge @!p0 [sflag:s8], $0x0  }
0x24: {  	s3 =	sadd.s32 $0x88, s3;
	s6 =	simm.s32 @!p1 $0x1082;
	[sflag:s4] =	ssyncset.s32 $0xFFFFF086  }
0x25: {  	[simem:s6], [sflag:s4] =	dma.local [hbm:s3], $0xF7A  }
0x26: {  	[smem:$0x3F8F] =	sst s1;
	(tag) =	ssettag s2;
	_ =	strace s9  }
0x27: {  	s1 =	sld [smem:$0x3F9F]  }
0x28: {  	s2 =	sld [smem:$0x3FA0]  }
0x29: {  	s4 =	sld [smem:$0x3FA2]  }
0x2a: {  	p0 =	seq.s32 s5, $0x0;
	s5 =	sld [smem:$0x3FA3]  }
0x2b: {  	s6 =	sld [smem:$0x3FA4]  }
0x2c: {  	s7 =	sld [smem:$0x3FA5]  }
0x2d: {  	s3 =	simm.s32 $0x108;
	s8 =	sld [smem:$0x3FA6]  }
0x2e: {  	s3 =	simm.s32 @!p0 $0x1082;
	s9 =	sld [smem:$0x3FA7]  }
0x2f: {  	lr =	sadd.s32 s0, s3;
	s0 =	sld [smem:$0x3F9E]  }
0x30: {  	s3 =	sld [smem:$0x3FA1]  }
0x31: {  	[smem:$0x3FAA] =	sst s10  }
0x32: {  	s10 =	sld [smem:$0x3FA8];
	_ =	sdelay $0x3  }
0x33: {  	p0 =	seq.s32 s10, $0x1;
	s10 =	sld [smem:$0x3FAA];
	_ =	sdelay $0x3  }
0x34: {  	[smem:$0x3FAA] =	sst s10  }
0x35: {  	s10 =	sld [smem:$0x3FA9];
	_ =	sdelay $0x3  }
0x36: {  	p1 =	seq.s32 s10, $0x1;
	s10 =	sld [smem:$0x3FAA];
	_ =	sdelay $0x3  }
0x37: {  	[smem:$0x3FAA] =	sst s10  }
0x38: {  	s10 =	sld [smem:$0x3FAB]  }
0x39: {  	_ = 	snop;
	(pc) =	sbr.ind lr, $3  }
0x3a: {  	_ = 	snop  }
0x3b: {  	_ = 	snop  }
0x3c: {  	p2 =	seq.s32 s10, $0x1;
	s10 =	sld [smem:$0x3FAA]  }
0x3d: {  	_ =	shalt  }
0x3e: {  	_ =	shalt  }
0x3f: {  	_ =	shalt  }
0x40: {  	_ =	shalt  }
0x41: {  	_ =	shalt  }
0x42: {  	_ =	shalt  }
0x43: {  	_ =	shalt  }
0x44: {  	_ =	shalt  }
0x45: {  	_ =	shalt  }
0x46: {  	_ =	shalt  }
0x47: {  	_ =	shalt  }
0x48: {  	_ =	shalt  }
0x49: {  	_ =	shalt  }
0x4a: {  	_ =	shalt  }
0x4b: {  	_ =	shalt  }
0x4c: {  	_ =	shalt  }
0x4d: {  	_ =	shalt  }
0x4e: {  	_ =	shalt  }
0x4f: {  	_ =	shalt  }
0x50: {  	_ =	shalt  }
0x51: {  	_ =	shalt  }
0x52: {  	_ =	shalt  }
0x53: {  	_ =	shalt  }
0x54: {  	_ =	shalt  }
0x55: {  	_ =	shalt  }
0x56: {  	_ =	shalt  }
0x57: {  	_ =	shalt  }
0x58: {  	_ =	shalt  }
0x59: {  	_ =	shalt  }
0x5a: {  	_ =	shalt  }
0x5b: {  	_ =	shalt  }
0x5c: {  	_ =	shalt  }
0x5d: {  	_ =	shalt  }
0x5e: {  	_ =	shalt  }
0x5f: {  	_ =	shalt  }
0x60: {  	_ =	shalt  }
0x61: {  	_ =	shalt  }
0x62: {  	_ =	shalt  }
0x63: {  	_ =	shalt  }
0x64: {  	_ =	shalt  }
0x65: {  	_ =	shalt  }
0x66: {  	_ =	shalt  }
0x67: {  	_ =	shalt  }
0x68: {  	_ =	shalt  }
0x69: {  	_ =	shalt  }
0x6a: {  	_ =	shalt  }
0x6b: {  	_ =	shalt  }
0x6c: {  	_ =	shalt  }
0x6d: {  	_ =	shalt  }
0x6e: {  	_ =	shalt  }
0x6f: {  	_ =	shalt  }
0x70: {  	_ =	shalt  }
0x71: {  	_ =	shalt  }
0x72: {  	_ =	shalt  }
0x73: {  	_ =	shalt  }
0x74: {  	_ =	shalt  }
0x75: {  	_ =	shalt  }
0x76: {  	_ =	shalt  }
0x77: {  	_ =	shalt  }
0x78: {  	_ =	shalt  }
0x79: {  	_ =	shalt  }
0x7a: {  	_ =	shalt  }
0x7b: {  	_ =	shalt  }
0x7c: {  	_ =	shalt  }
0x7d: {  	_ =	shalt  }
0x7e: {  	_ =	shalt  }
0x7f: {  	_ =	shalt  }
0x80: {  	_ =	shalt  }
0x81: {  	_ =	shalt  }
0x82: {  	_ =	shalt  }
0x83: {  	_ =	shalt  }
0x84: {  	_ =	shalt  }
0x85: {  	_ =	shalt  }
0x86: {  	_ =	shalt  }
0x87: {  	_ =	shalt  }
.Lfunc_end0:
.L_simem_size_0:
called_computation_lowered:
.L_overlay_start_0:
0x88: {  	s2 =	sld [smem:$0x3FD9]  }
0x89: {  	s3 =	sld [smem:$0x3FFE];
	_ =	sdelay $0x1  }
0x8a: {  	s1 =	srdreg.scid  }
0x8b: {  	s0 =	sand.u32 $0x1, s1  }
0x8c: {  	s17 =	sshll.u32 s0, $0xA;
	s2 =	sadd.s32 s3, s2  }
0x8d: {  	s2 =	sadd.s32 s2, s17  }
0x8e: {  	[smem:$0x3FB6] =	sst s2  }
0x8f: {  	_ = 	snop  }
0x90: {  	s18 =	sld [smem:$0x3FC1];
	(tm) =	ssettm $0x1  }
0x91: {  	s19 =	sld [smem:$0x3FFB];
	_ =	sdelay $0x3  }
0x92: {  	_ =	strace s19  }
0x93: {  	s2 =	sld [smem:$0x3FFC];
	_ =	sdelay $0x3  }
0x94: {  	_ =	strace s2  }
0x95: {  	s2 =	sld [smem:$0x3FFD];
	_ =	sdelay $0x3  }
0x96: {  	_ =	strace s2  }
0x97: {  	_ =	strace $0x8FFFFFFF  }
0x98: {  	s20 =	sld [smem:$0x3FDB];
	_ =	sdelay $0x1  }
0x99: {  	s4 =	simm.s32 $_scs_section_size  }
0x9a: {  	s5 =	simm.s32 $_size__tile_overlayer_lowered;
	s6 =	simm.s32 $_tile_overlayer_lowered  }
0x9b: {  	s7 =	simm.s32 $0x1BFF;
	s21 =	sshll.u32 s6, $0x1;
	s4 =	sadd.s32 s4, s20  }
0x9c: {  	s22 =	simm.s32 $0x0;
	s5 =	sshll.u32 s5, $0x1;
	s6 =	sadd.s32 s21, s4  }
0x9d: {  	[timem:s22], [sflag:s7] =	dma.local [hbm:s6], s5  }
0x9e: {  	_ =	swait.ge [sflag:s7], s5  }
0x9f: {  	s5 =	ssub.s32 $0x0, s5;
	[sflag:s7] =	ssyncset.done $0x0  }
0xa0: {  	[sflag:s7] =	ssyncadd.s32 s5;
	_ =	sdelay $0x1  }
0xa1: {  	s23 =	simm.s32 $0x1B8B  }
0xa2: {  	_ =	swait.ge [sflag:s23], $0x1  }
0xa3: {  	[sflag:s23] =	ssyncset.done $0x0  }
0xa4: {  	[sflag:s23] =	ssyncadd.s32 $0xFFFFFFFF  }
0xa5: {  	s5 =	sld [smem:$0x0]  }
0xa6: {  	s6 =	sand.u32 $0xFFFFFFFE, s1  }
0xa7: {  	p0 =	sne.s32 s1, s6  }
0xa8: {  	s6 =	sshll.u32 @p0 s6, $0xE  }
0xa9: {  	s6 =	sadd.s32 @p0 $0x11B8D, s6;
	s7 =	sshll.u32 @p0 s5, $0x11  }
0xaa: {  	s6 =	sor.u32 @p0 s7, s6  }
0xab: {  	[sflag:s6] =	ssyncadd.remote.s32 @p0 $0x1;
	_ =	sdelay $0x1  }
0xac: {  	s6 =	simm.s32 @p0 $0x1B8D  }
0xad: {  	_ =	swait.eq @p0 [sflag:s6], $0x1  }
0xae: {  	[sflag:s6] =	ssyncadd.s32 @p0 $0xFFFFFFFF  }
0xaf: {  	s7 =	sshll.u32 @!p0 s1, $0xE  }
0xb0: {  	s7 =	sor.u32 @!p0 $0x4000, s7;
	s6 =	simm.s32 @!p0 $0x1B8D  }
0xb1: {  	s5 =	sshll.u32 @!p0 s5, $0x11;
	s7 =	sadd.s32 @!p0 $0x11B8D, s7;
	_ =	swait.eq @!p0 [sflag:s6], $0x1  }
0xb2: {  	s5 =	sor.u32 @!p0 s5, s7;
	[sflag:s6] =	ssyncadd.s32 @!p0 $0xFFFFFFFF  }
0xb3: {  	s25 =	simm.s32 $0x1B8E;
	s24 =	sld [smem:$0x3FFE];
	[sflag:s5] =	ssyncadd.remote.s32 @!p0 $0x1  }
0xb4: {  	s26 =	simm.s32 $execute0_lowered;
	[smem:$0x3FD2] =	sst s25  }
0xb5: {  	s6 =	sshll.u32 s26, $0x1;
	_ =	strace $0x80000049;
	[dreg:$0x1] =	wrdreg $0xFFFFFFFF  }
0xb6: {  	s28 =	simm.s32 $_size_execute0_lowered;
	s4 =	sadd.s32 s4, s6;
	[dreg:$0x0] =	wrdreg $0x0  }
0xb7: {  	s6 =	sshll.u32 s28, $0x1;
	[dreg:$0x2] =	wrdreg s4  }
0xb8: {  	[dreg:$0x3] =	wrdreg s6  }
0xb9: {  	[dreg:$0x4] =	wrdreg $0xC0  }
0xba: {  	_ =	task [dreg:s22], $0x5FFFF  }
0xbb: {  	[dreg:$0x1] =	wrdreg $0xFFFFFFFF  }
0xbc: {  	[dreg:$0x0] =	wrdreg $0x60  }
0xbd: {  	[dreg:$0x2] =	wrdreg s18  }
0xbe: {  	[dreg:$0x3] =	wrdreg s24  }
0xbf: {  	[dreg:$0x4] =	wrdreg $0x9  }
0xc0: {  	_ =	task.clear_ibuf [dreg:s22], $0x5FFFF;
	_ =	strace $0x90000049  }
0xc1: {  	s29 =	simm.s32 $0x9;
	_ =	strace $0x8000004B  }
0xc2: {  	_ =	swait.ge [sflag:s29], $0x1  }
0xc3: {  	[sflag:s29] =	ssyncadd.s32 $0xFFFFFFFF  }
0xc4: {  	_ =	strace $0x9000004B  }
0xc5: {  	_ =	sfence  }
0xc6: {  	s30 =	sld [smem:$0x0];
	_ =	sdelay $0x2  }
0xc7: {  	s31 =	sshll.u32 s1, $0xD;
	s1 =	sshrl.u32 s1, $0x2  }
0xc8: {  	s4 =	sand.u32 $0x4000, s31;
	s1 =	sadd.s32 s1, s30  }
0xc9: {  	s0 =	sor.u32 s4, s0;
	s1 =	sshll.u32 s1, $0x11  }
0xca: {  	s0 =	sor.u32 s1, s0  }
0xcb: {  	s0 =	sadd.s32 $0x8F2B, s0  }
0xcc: {  	[sflag:s0] =	ssyncadd.remote.s32 $0x1  }
0xcd: {  	_ =	sfence.sel $0xFFFF  }
0xce: {  	[dreg:$0x0] =	wrdreg $0xFFFFFFFF;
	(pc) =	sbr.abs _section_cstart, $3  }
0xcf: {  	[dreg:$0x1] =	wrdreg $0xFFFFFFFF  }
0xd0: {  	_ =	task.clear_ibuf [dreg:s22], $0x2FFFF;
	_ =	strace $0x9FFFFFFF  }
0xd1: {  	(tm) =	ssettm $0x7FFFFFFF  }
tec
execute0_lowered:
.L_overlay_start_1:
0x0: {  	(tag) =	ssettag $0x1  }
0x1: {  	s1 =	rddreg [dreg:$0x0]  }
0x2: {  	s5 =	rddreg [dreg:$0x1]  }
0x3: {  	s0 =	rddreg [dreg:$0x2];
	s3 =	simm.s32 $0x0  }
0x4: {  	s4 =	srdreg.scid;
	s2 =	stileid.u32;
	s12 =	simm.s32 $0x1  }
0x5: {  	s13 =	simm.s32 $0x100;
	s14 =	simm.s32 $0x2;
	s15 =	simm.s32 $0x4100  }
0x6: {  	s16 =	simm.s32 $0x3;
	s17 =	simm.s32 $0x8100;
	s18 =	simm.s32 $0x5  }
0x7: {  	s19 =	simm.s32 $0x0;
	s6 =	sand.u32 $0x1, s4;
	s29 =	sshll.u32 s2, $0x1  }
0x8: {  	[smem:$0x7FF] =	sst s3;
	s4 =	sadd.s32 $0x812E00, s5;
	s7 =	sor.u32 s6, s29  }
0x9: {  	_ =	strace $0x8000004A;
	s6 =	ssub.s32 $0x2, s6;
	s8 =	sshll.u32 s7, $0xA  }
0xa: {  	s30 =	sshll.u32 s7, $0x9;
	s31 =	sshrl.u32 s6, $0x1;
	s10 =	sshll.u32 s7, $0xC  }
0xb: {  	s9 =	sadd.s32 s8, s5;
	s5 =	sadd.s32 s4, s30;
	s11 =	ssub.s32 s6, s31  }
0xc: {  	s7 =	sor.u32 $0x100, s10;
	s8 =	sor.u32 $0x180, s10;
	s6 =	sadd.s32 $0x10, s5  }
0xd: {  	s9 =	sadd.s32 $0x816E00, s9;
	s10 =	smax.u32 s11, $0x1;
	s11 =	simm.s32 $0x80  }
.LBB2_1:
0xe: {  	[tilespmem:s3], [sflag:$0x1] =	stream.linear.gather [hbm4b:s5+s3], $0x80, $0x38;
	[tilespmem:$0xA100] =	vst v63  }
0xf: {  	_ = 	snop  }
0x10: {  	[tilespmem:s11], [sflag:$0x2] =	stream.linear.gather [hbm4b:s6+s3], $0x80, $0x38;
	[tilespmem:$0xA100] =	vst v63  }
0x11: {  	_ =	swait.ge [sflag:s12], $0x80  }
0x12: {  	[sflag:s12] =	ssyncset.done $0x0  }
0x13: {  	s20 =	simm.s32 $0x0;
	[sflag:s12] =	ssyncadd.s32 $0xFFFFFF80  }
0x14: {  	[tilespmem:s13], [sflag:$0x3] =	stream.indirect.gather [hbm4b:s1+s11], $0x80, s3, s11, $0xb8;
	[tilespmem:$0xA100] =	vst v63  }
.LBB2_2:
0x15: {  	_ =	swait.ge [sflag:s14], $0x80  }
0x16: {  	p0 =	seq.s32 s20, $0xF;
	[sflag:s14] =	ssyncset.done $0x0  }
0x17: {  	s22 =	sshll.u32 @!p0 s20, $0x8;
	[sflag:s14] =	ssyncadd.s32 $0xFFFFFF80  }
0x18: {  	[tilespmem:s15], [sflag:$0x4] =	stream.indirect.gather [hbm4b:s1+s11], $0x80, s11, s11, $0xb8;
	[tilespmem:$0xA100] =	vst v63  }
0x19: {  	s21 =	sadd.s32 @!p0 s22, s7;
	_ =	swait.ge [sflag:s16], $0x4000  }
0x1a: {  	s24 =	simm.s32 $0x0;
	s21 =	sshrl.u32 @!p0 s21, $0x3;
	[sflag:s16] =	ssyncset.done $0x0  }
0x1b: {  	s23 =	simm.s32 @!p0 $0x0;
	s21 =	sadd.s32 @!p0 s4, s21;
	[sflag:s16] =	ssyncadd.s32 $0xFFFFC000  }
0x1c: {  	[tilespmem:s23], [sflag:$0x1] =	stream.linear.gather @!p0 [hbm4b:s21+s23], $0x80, $0x38;
	[tilespmem:$0xA100] =	vst v63  }
0x1d: {  	v0 =	vld [tilespmem:s24+$0x170]  }
0x1e: {  	v1 =	vld [tilespmem:s24+$0x100]  }
0x1f: {  	v3 =	vld [tilespmem:s24+$0x110]  }
0x20: {  	v12 =	vld [tilespmem:s24+$0x120]  }
0x21: {  	v11 =	vld [tilespmem:s24+$0x130]  }
0x22: {  	v2 =	vimm.f32 $0.0e+00;
	v7 =	vimm.f32 $0.0e+00;
	v8 =	vld [tilespmem:s24+$0x140]  }
0x23: {  	v10 =	vimm.f32 $0.0e+00;
	v5 =	vld [tilespmem:s24+$0x150];
	v0 =	vadd.f32 v0, v2;
	v6 =	vadd.f32 v1, v2  }
0x24: {  	s21 =	simm.s32 $0x80;
	s23 =	simm.s32 $0x400;
	v9 =	vld [tilespmem:s24+$0x160];
	v4 =	vadd.f32 v3, v2;
	v3 =	vimm.f32 $0.0e+00;
	v1 =	vimm.f32 $0.0e+00  }
.LBB2_3:
0x25: {  	p1 =	sne.s32 s23, $0x7E00;
	v13 =	vld [tilespmem:s21+$0x170];
	v2 =	vadd.f32 v12, v2  }
0x26: {  	v14 =	vld [tilespmem:s21+$0x100];
	v7 =	vadd.f32 v11, v7  }
0x27: {  	v15 =	vld [tilespmem:s21+$0x110];
	v10 =	vadd.f32 v8, v10  }
.Ltmp0:
0x28: {  	v12 =	vld [tilespmem:s21+$0x120];
	v3 =	vadd.f32 v5, v3;
	(pc) =	sbr.rel @p1 .LBB2_3-.Ltmp0, $4  }
0x29: {  	v11 =	vld [tilespmem:s21+$0x130];
	v1 =	vadd.f32 v9, v1  }
0x2a: {  	v8 =	vld [tilespmem:s21+$0x140];
	v0 =	vadd.f32 v13, v0  }
0x2b: {  	v6 =	vadd.f32 v14, v6;
	v5 =	vld [tilespmem:s21+$0x150]  }
0x2c: {  	v4 =	vadd.f32 v15, v4;
	v9 =	vld [tilespmem:s21+$0x160];
	s21 =	sshra.s32 s23, $0x2;
	s23 =	sadd.s32 $0x200, s23  }
0x2d: {  	v13 =	vld [tilespmem:s21+$0x100]  }
0x2e: {  	v14 =	vld [tilespmem:s21+$0x110]  }
0x2f: {  	v15 =	vld [tilespmem:s21+$0x120]  }
0x30: {  	v2 =	vadd.f32 v12, v2;
	v12 =	vld [tilespmem:s21+$0x150]  }
0x31: {  	v7 =	vadd.f32 v11, v7;
	v11 =	vld [tilespmem:s21+$0x160]  }
0x32: {  	v16 =	vld [tilespmem:s21+$0x130];
	v8 =	vadd.f32 v8, v10;
	v6 =	vadd.f32 v13, v6  }
0x33: {  	v17 =	vld [tilespmem:s21+$0x140];
	v3 =	vadd.f32 v5, v3;
	v4 =	vadd.f32 v14, v4  }
0x34: {  	s31 =	sshll.u32 s20, $0xB;
	v10 =	vld [tilespmem:s21+$0x170];
	v1 =	vadd.f32 v9, v1;
	v2 =	vadd.f32 v15, v2;
	v6 =	vmul.f32 $1.562500000e-02, v6  }
0x35: {  	s21 =	sshra.s32 s31, $0x2;
	v3 =	vadd.f32 v12, v3;
	v4 =	vmul.f32 $1.562500000e-02, v4  }
0x36: {  	v1 =	vadd.f32 v11, v1;
	v2 =	vmul.f32 $1.562500000e-02, v2;
	[tilespmem:s21+$0x8100] =	vst v6  }
0x37: {  	v5 =	vadd.f32 v16, v7;
	v3 =	vmul.f32 $1.562500000e-02, v3;
	[tilespmem:s21+$0x8110] =	vst v4  }
0x38: {  	v7 =	vadd.f32 v17, v8;
	v1 =	vmul.f32 $1.562500000e-02, v1;
	[tilespmem:s21+$0x8120] =	vst v2  }
0x39: {  	v0 =	vadd.f32 v10, v0;
	v4 =	vmul.f32 $1.562500000e-02, v5;
	[tilespmem:s21+$0x8150] =	vst v3  }
0x3a: {  	v2 =	vmul.f32 $1.562500000e-02, v7;
	[tilespmem:s21+$0x8160] =	vst v1  }
0x3b: {  	v0 =	vmul.f32 $1.562500000e-02, v0;
	[tilespmem:s21+$0x8130] =	vst v4  }
0x3c: {  	[tilespmem:s21+$0x8140] =	vst v2  }
0x3d: {  	s25 =	simm.s32 $0x0;
	[tilespmem:s21+$0x8170] =	vst v0  }
0x3e: {  	v0 =	vld [tilespmem:s25+$0x2170]  }
0x3f: {  	v2 =	vld [tilespmem:s25+$0x2100]  }
0x40: {  	v3 =	vld [tilespmem:s25+$0x2110]  }
0x41: {  	v12 =	vld [tilespmem:s25+$0x2120]  }
0x42: {  	v10 =	vld [tilespmem:s25+$0x2130]  }
0x43: {  	v9 =	vimm.f32 $0.0e+00;
	v1 =	vimm.f32 $0.0e+00;
	v7 =	vld [tilespmem:s25+$0x2140]  }
0x44: {  	v6 =	vimm.f32 $0.0e+00;
	v8 =	vld [tilespmem:s25+$0x2150];
	v0 =	vadd.f32 v0, v1;
	v5 =	vadd.f32 v2, v1  }
0x45: {  	s23 =	simm.s32 $0x80;
	s24 =	simm.s32 $0x400;
	v11 =	vld [tilespmem:s25+$0x2160];
	v4 =	vadd.f32 v3, v1;
	v3 =	vimm.f32 $0.0e+00;
	v2 =	vimm.f32 $0.0e+00  }
.LBB2_5:
0x46: {  	p1 =	sne.s32 s24, $0x7E00;
	v13 =	vld [tilespmem:s23+$0x2170];
	v1 =	vadd.f32 v12, v1  }
0x47: {  	v14 =	vld [tilespmem:s23+$0x2100];
	v6 =	vadd.f32 v10, v6  }
0x48: {  	v15 =	vld [tilespmem:s23+$0x2110];
	v9 =	vadd.f32 v7, v9  }
.Ltmp1:
0x49: {  	v12 =	vld [tilespmem:s23+$0x2120];
	v3 =	vadd.f32 v8, v3;
	(pc) =	sbr.rel @p1 .LBB2_5-.Ltmp1, $4  }
0x4a: {  	v10 =	vld [tilespmem:s23+$0x2130];
	v2 =	vadd.f32 v11, v2  }
0x4b: {  	v7 =	vld [tilespmem:s23+$0x2140];
	v0 =	vadd.f32 v13, v0  }
0x4c: {  	v5 =	vadd.f32 v14, v5;
	v8 =	vld [tilespmem:s23+$0x2150]  }
0x4d: {  	v4 =	vadd.f32 v15, v4;
	v11 =	vld [tilespmem:s23+$0x2160];
	s23 =	sshra.s32 s24, $0x2;
	s24 =	sadd.s32 $0x200, s24  }
0x4e: {  	v13 =	vld [tilespmem:s23+$0x2100]  }
0x4f: {  	v14 =	vld [tilespmem:s23+$0x2110]  }
0x50: {  	v15 =	vld [tilespmem:s23+$0x2120]  }
0x51: {  	v1 =	vadd.f32 v12, v1;
	v12 =	vld [tilespmem:s23+$0x2150]  }
0x52: {  	v16 =	vld [tilespmem:s23+$0x2130]  }
0x53: {  	v17 =	vld [tilespmem:s23+$0x2140];
	v7 =	vadd.f32 v7, v9;
	v5 =	vadd.f32 v13, v5  }
0x54: {  	v9 =	vld [tilespmem:s23+$0x2170];
	v3 =	vadd.f32 v8, v3;
	v4 =	vadd.f32 v14, v4  }
0x55: {  	v6 =	vadd.f32 v10, v6;
	v10 =	vld [tilespmem:s23+$0x2160];
	v1 =	vadd.f32 v15, v1;
	v5 =	vmul.f32 $1.562500000e-02, v5  }
0x56: {  	v3 =	vadd.f32 v12, v3;
	v4 =	vmul.f32 $1.562500000e-02, v4  }
0x57: {  	v6 =	vadd.f32 v16, v6;
	v1 =	vmul.f32 $1.562500000e-02, v1;
	[tilespmem:s21+$0x8180] =	vst v5  }
0x58: {  	v2 =	vadd.f32 v11, v2;
	v7 =	vadd.f32 v17, v7;
	v3 =	vmul.f32 $1.562500000e-02, v3;
	[tilespmem:s21+$0x8190] =	vst v4  }
0x59: {  	v0 =	vadd.f32 v9, v0;
	v4 =	vmul.f32 $1.562500000e-02, v6;
	[tilespmem:s21+$0x81A0] =	vst v1  }
0x5a: {  	v2 =	vadd.f32 v10, v2;
	v1 =	vmul.f32 $1.562500000e-02, v7;
	[tilespmem:s21+$0x81D0] =	vst v3  }
0x5b: {  	v0 =	vmul.f32 $1.562500000e-02, v0;
	[tilespmem:s21+$0x81B0] =	vst v4  }
0x5c: {  	[tilespmem:s21+$0x81C0] =	vst v1;
	v1 =	vmul.f32 $1.562500000e-02, v2  }
0x5d: {  	[tilespmem:s21+$0x81F0] =	vst v0  }
0x5e: {  	s23 =	simm.s32 @p0 $0x4;
	[tilespmem:s21+$0x81E0] =	vst v1  }
0x5f: {  	_ =	swait.ge @p0 [sflag:s23], $0x4000  }
0x60: {  	[sflag:s23] =	ssyncset.done @p0 $0x0  }
0x61: {  	[sflag:s23] =	ssyncadd.s32 @p0 $0xFFFFC000;
	s23 =	simm.s32 @!p0 $0x1  }
0x62: {  	_ =	swait.ge @!p0 [sflag:s23], $0x80  }
0x63: {  	s24 =	simm.s32 @!p0 $0x0;
	[sflag:s23] =	ssyncset.done @!p0 $0x0  }
0x64: {  	s25 =	simm.s32 @!p0 $0x100;
	[sflag:s23] =	ssyncadd.s32 @!p0 $0xFFFFFF80;
	s23 =	simm.s32 @!p0 $0x80  }
0x65: {  	[tilespmem:s25], [sflag:$0x3] =	stream.indirect.gather @!p0 [hbm4b:s1+s23], $0x80, s24, s23, $0xb8;
	[tilespmem:$0xA100] =	vst v63  }
0x66: {  	s25 =	simm.s32 @!p0 $0x4  }
0x67: {  	s22 =	sadd.s32 @!p0 s22, s8;
	_ =	swait.ge @!p0 [sflag:s25], $0x4000  }
0x68: {  	s22 =	sshrl.u32 @!p0 s22, $0x3;
	[sflag:s25] =	ssyncset.done @!p0 $0x0  }
0x69: {  	s31 =	simm.s32 $0x0;
	s22 =	sadd.s32 @!p0 s4, s22;
	[sflag:s25] =	ssyncadd.s32 @!p0 $0xFFFFC000  }
0x6a: {  	[tilespmem:s23], [sflag:$0x2] =	stream.linear.gather @!p0 [hbm4b:s22+s24], $0x80, $0x38;
	[tilespmem:$0xA100] =	vst v63  }
0x6b: {  	v0 =	vld [tilespmem:s31+$0x4170]  }
0x6c: {  	v2 =	vld [tilespmem:s31+$0x4100]  }
0x6d: {  	v3 =	vld [tilespmem:s31+$0x4110]  }
0x6e: {  	v12 =	vld [tilespmem:s31+$0x4120]  }
0x6f: {  	v10 =	vld [tilespmem:s31+$0x4130]  }
0x70: {  	v9 =	vimm.f32 $0.0e+00;
	v1 =	vimm.f32 $0.0e+00;
	v7 =	vld [tilespmem:s31+$0x4140]  }
0x71: {  	v6 =	vimm.f32 $0.0e+00;
	v8 =	vld [tilespmem:s31+$0x4150];
	v0 =	vadd.f32 v0, v1;
	v5 =	vadd.f32 v2, v1  }
0x72: {  	s22 =	simm.s32 $0x80;
	s23 =	simm.s32 $0x400;
	v11 =	vld [tilespmem:s31+$0x4160];
	v4 =	vadd.f32 v3, v1;
	v3 =	vimm.f32 $0.0e+00;
	v2 =	vimm.f32 $0.0e+00  }
.LBB2_7:
0x73: {  	p0 =	sne.s32 s23, $0x7E00;
	v13 =	vld [tilespmem:s22+$0x4170];
	v1 =	vadd.f32 v12, v1  }
0x74: {  	v14 =	vld [tilespmem:s22+$0x4100];
	v6 =	vadd.f32 v10, v6  }
0x75: {  	v15 =	vld [tilespmem:s22+$0x4110];
	v9 =	vadd.f32 v7, v9  }
.Ltmp2:
0x76: {  	v12 =	vld [tilespmem:s22+$0x4120];
	v3 =	vadd.f32 v8, v3;
	(pc) =	sbr.rel @p0 .LBB2_7-.Ltmp2, $4  }
0x77: {  	v10 =	vld [tilespmem:s22+$0x4130];
	v2 =	vadd.f32 v11, v2  }
0x78: {  	v7 =	vld [tilespmem:s22+$0x4140];
	v0 =	vadd.f32 v13, v0  }
0x79: {  	v5 =	vadd.f32 v14, v5;
	v8 =	vld [tilespmem:s22+$0x4150]  }
0x7a: {  	v4 =	vadd.f32 v15, v4;
	v11 =	vld [tilespmem:s22+$0x4160];
	s22 =	sshra.s32 s23, $0x2;
	s23 =	sadd.s32 $0x200, s23  }
0x7b: {  	v13 =	vld [tilespmem:s22+$0x4100]  }
0x7c: {  	v14 =	vld [tilespmem:s22+$0x4110]  }
0x7d: {  	v15 =	vld [tilespmem:s22+$0x4120]  }
0x7e: {  	v1 =	vadd.f32 v12, v1;
	v12 =	vld [tilespmem:s22+$0x4150]  }
0x7f: {  	v16 =	vld [tilespmem:s22+$0x4130]  }
0x80: {  	v17 =	vld [tilespmem:s22+$0x4140];
	v7 =	vadd.f32 v7, v9;
	v5 =	vadd.f32 v13, v5  }
0x81: {  	v9 =	vld [tilespmem:s22+$0x4170];
	v3 =	vadd.f32 v8, v3;
	v4 =	vadd.f32 v14, v4  }
0x82: {  	v6 =	vadd.f32 v10, v6;
	v10 =	vld [tilespmem:s22+$0x4160];
	v1 =	vadd.f32 v15, v1;
	v5 =	vmul.f32 $1.562500000e-02, v5  }
0x83: {  	v3 =	vadd.f32 v12, v3;
	v4 =	vmul.f32 $1.562500000e-02, v4  }
0x84: {  	v6 =	vadd.f32 v16, v6;
	v1 =	vmul.f32 $1.562500000e-02, v1;
	[tilespmem:s21+$0x8200] =	vst v5  }
0x85: {  	v2 =	vadd.f32 v11, v2;
	v7 =	vadd.f32 v17, v7;
	v3 =	vmul.f32 $1.562500000e-02, v3;
	[tilespmem:s21+$0x8210] =	vst v4  }
0x86: {  	v0 =	vadd.f32 v9, v0;
	v4 =	vmul.f32 $1.562500000e-02, v6;
	[tilespmem:s21+$0x8220] =	vst v1  }
0x87: {  	v2 =	vadd.f32 v10, v2;
	v1 =	vmul.f32 $1.562500000e-02, v7;
	[tilespmem:s21+$0x8250] =	vst v3  }
0x88: {  	v0 =	vmul.f32 $1.562500000e-02, v0;
	[tilespmem:s21+$0x8230] =	vst v4  }
0x89: {  	[tilespmem:s21+$0x8240] =	vst v1;
	v1 =	vmul.f32 $1.562500000e-02, v2  }
0x8a: {  	[tilespmem:s21+$0x8270] =	vst v0  }
0x8b: {  	s24 =	simm.s32 $0x0;
	[tilespmem:s21+$0x8260] =	vst v1  }
0x8c: {  	v0 =	vld [tilespmem:s24+$0x6170]  }
0x8d: {  	v2 =	vld [tilespmem:s24+$0x6100]  }
0x8e: {  	v3 =	vld [tilespmem:s24+$0x6110]  }
0x8f: {  	v12 =	vld [tilespmem:s24+$0x6120]  }
0x90: {  	v10 =	vld [tilespmem:s24+$0x6130]  }
0x91: {  	v9 =	vimm.f32 $0.0e+00;
	v1 =	vimm.f32 $0.0e+00;
	v7 =	vld [tilespmem:s24+$0x6140]  }
0x92: {  	v6 =	vimm.f32 $0.0e+00;
	v8 =	vld [tilespmem:s24+$0x6150];
	v0 =	vadd.f32 v0, v1;
	v5 =	vadd.f32 v2, v1  }
0x93: {  	s23 =	simm.s32 $0x400;
	s22 =	simm.s32 $0x80;
	v11 =	vld [tilespmem:s24+$0x6160];
	v4 =	vadd.f32 v3, v1;
	v3 =	vimm.f32 $0.0e+00;
	v2 =	vimm.f32 $0.0e+00  }
.LBB2_9:
0x94: {  	p0 =	sne.s32 s23, $0x7E00;
	v13 =	vld [tilespmem:s22+$0x6170];
	v1 =	vadd.f32 v12, v1  }
0x95: {  	v14 =	vld [tilespmem:s22+$0x6100];
	v6 =	vadd.f32 v10, v6  }
0x96: {  	v15 =	vld [tilespmem:s22+$0x6110];
	v9 =	vadd.f32 v7, v9  }
.Ltmp3:
0x97: {  	v12 =	vld [tilespmem:s22+$0x6120];
	v3 =	vadd.f32 v8, v3;
	(pc) =	sbr.rel @p0 .LBB2_9-.Ltmp3, $4  }
0x98: {  	v10 =	vld [tilespmem:s22+$0x6130];
	v2 =	vadd.f32 v11, v2  }
0x99: {  	v7 =	vld [tilespmem:s22+$0x6140];
	v0 =	vadd.f32 v13, v0  }
0x9a: {  	v5 =	vadd.f32 v14, v5;
	v8 =	vld [tilespmem:s22+$0x6150]  }
0x9b: {  	v4 =	vadd.f32 v15, v4;
	v11 =	vld [tilespmem:s22+$0x6160];
	s22 =	sshra.s32 s23, $0x2;
	s23 =	sadd.s32 $0x200, s23  }
0x9c: {  	v13 =	vld [tilespmem:s22+$0x6100]  }
0x9d: {  	v14 =	vld [tilespmem:s22+$0x6110]  }
0x9e: {  	v15 =	vld [tilespmem:s22+$0x6120]  }
0x9f: {  	v16 =	vld [tilespmem:s22+$0x6130]  }
0xa0: {  	v17 =	vld [tilespmem:s22+$0x6140]  }
0xa1: {  	v1 =	vadd.f32 v12, v1;
	v58 =	vld [tilespmem:s22+$0x6150];
	v5 =	vadd.f32 v13, v5  }
0xa2: {  	v60 =	vld [tilespmem:s22+$0x6170];
	v6 =	vadd.f32 v10, v6;
	v4 =	vadd.f32 v14, v4  }
0xa3: {  	v59 =	vld [tilespmem:s22+$0x6160];
	v7 =	vadd.f32 v7, v9;
	v1 =	vadd.f32 v15, v1;
	v5 =	vmul.f32 $1.562500000e-02, v5  }
0xa4: {  	v3 =	vadd.f32 v8, v3;
	v6 =	vadd.f32 v16, v6;
	v4 =	vmul.f32 $1.562500000e-02, v4  }
0xa5: {  	v7 =	vadd.f32 v17, v7;
	v1 =	vmul.f32 $1.562500000e-02, v1;
	[tilespmem:s21+$0x8280] =	vst v5  }
0xa6: {  	s20 =	sadd.s32 $0x1, s20;
	v2 =	vadd.f32 v11, v2;
	v3 =	vadd.f32 v58, v3;
	v61 =	vmul.f32 $1.562500000e-02, v6;
	[tilespmem:s21+$0x8290] =	vst v4  }
0xa7: {  	p0 =	sne.s32 s20, $0x10;
	v0 =	vadd.f32 v60, v0;
	v62 =	vmul.f32 $1.562500000e-02, v7;
	[tilespmem:s21+$0x82A0] =	vst v1  }
.Ltmp4:
0xa8: {  	v2 =	vadd.f32 v59, v2;
	v3 =	vmul.f32 $1.562500000e-02, v3;
	[tilespmem:s21+$0x82B0] =	vst v61;
	(pc) =	sbr.rel @p0 .LBB2_2-.Ltmp4, $4  }
0xa9: {  	v0 =	vmul.f32 $1.562500000e-02, v0;
	[tilespmem:s21+$0x82C0] =	vst v62  }
0xaa: {  	v63 =	vmul.f32 $1.562500000e-02, v2;
	[tilespmem:s21+$0x82D0] =	vst v3  }
0xab: {  	[tilespmem:s21+$0x82F0] =	vst v0  }
0xac: {  	[tilespmem:s21+$0x82E0] =	vst v63  }
0xad: {  	s19 =	sadd.s32 $0x1, s19  }
0xae: {  	p0 =	sne.s32 s19, s10  }
.Ltmp5:
0xaf: {  	_ = 	snop;
	(pc) =	sbr.rel @p0 .LBB2_1-.Ltmp5, $4  }
0xb0: {  	[hbm4b:s9+s3] =	stream.linear.scatter [tilespmem:s17], [sflag:$0x5], $0x2000, $0x38;
	[tilespmem:$0xA100] =	vst v63  }
0xb1: {  	_ =	swait.ge [sflag:s18], $0x2000  }
0xb2: {  	[sflag:s18] =	ssyncset.done $0x0  }
0xb3: {  	[sflag:s18] =	ssyncadd.s32 $0xFFFFE000  }
0xb4: {  	_ =	sfence.sel $0x180000  }
0xb5: {  	[bflag:$0x0] =	sbarrier.arrive $0xFFFF  }
0xb6: {  	p0 =	sne.s32 s2, $0x0;
	_ =	strace $0x9000004A  }
0xb7: {  	s0 =	sadd.s32 @!p0 $0x100000, s0;
	[bflag:$0x2] =	sbarrier.arrive $0xFFFF  }
0xb8: {  	[sflag:s0] =	ssyncadd.tile.s32 @!p0 $0x1;
	_ =	shalt  }
.Lfunc_end2:
_tile_overlayer_lowered:
.L_overlay_start_2:
0xb9: {  	(tag) =	ssettag $0x2  }
0xba: {  	s0 =	rddreg [dreg:$0x0];
	s2 =	stileid.u32  }
0xbb: {  	s1 =	rddreg [dreg:$0x1];
	p0 =	sne.s32 s2, $0x0  }
0xbc: {  	s3 =	rddreg [dreg:$0x2];
	[bflag:$0x3] =	sbarrier.arrive $0xFFFF;
	s2 =	simm.s32 @!p0 $0x1C05  }
0xbd: {  	[timem:s3], [sflag:s2] =	dma.local @!p0 [hbm:s0], s1  }
0xbe: {  	s0 =	simm.s32 @!p0 $0x5  }
0xbf: {  	_ =	swait.ge @!p0 [sflag:s0], s1  }
0xc0: {  	s1 =	ssub.s32 @!p0 $0x0, s1;
	[sflag:s0] =	ssyncset.done @!p0 $0x0  }
0xc1: {  	[sflag:s0] =	ssyncadd.s32 @!p0 s1  }
0xc2: {  	[bflag:$0x3] =	sbarrier.arrive $0xFFFF  }
0xc3: {  	_ =	shalt  }

// kernel: kernel.9.cloned.1.call-start
scs
__scs_entry_jumppad:
0x0: {  	(pc) =	sbr.rel $0x88, $3  }
0x1: {  	(tag) =	ssettag $0x0;
	lr =	simm.s32 $0x1  }
0x2: {  	[smem:$0x3F8F] =	sst lr;
	_ =	strace $0xD0000000  }
0x3: {  	_ = 	snop  }
0x4: {  	_ = 	snop  }
0x5: {  	_ = 	snop  }
0x6: {  	_ = 	snop  }
0x7: {  	_ = 	snop  }
__scs_overlays_trampoline_lowered:
0x8: {  	[smem:$0x3F9E] =	sst s0  }
0x9: {  	[smem:$0x3F9F] =	sst s1  }
0xa: {  	[smem:$0x3FA0] =	sst s2  }
0xb: {  	[smem:$0x3FA1] =	sst s3  }
0xc: {  	[smem:$0x3FA2] =	sst s4  }
0xd: {  	[smem:$0x3FA3] =	sst s5  }
0xe: {  	[smem:$0x3FA4] =	sst s6  }
0xf: {  	[smem:$0x3FA5] =	sst s7  }
0x10: {  	[smem:$0x3FA6] =	sst s8  }
0x11: {  	[smem:$0x3FA7] =	sst s9;
	s0 =	simm.s32 @!p0 $0x0  }
0x12: {  	s1 =	sld [smem:$0x3F8D];
	s0 =	simm.s32 @p0 $0x1  }
0x13: {  	[smem:$0x3FA8] =	sst s0;
	s0 =	simm.s32 @!p1 $0x0  }
0x14: {  	s2 =	sld [smem:$0x3F8C];
	s0 =	simm.s32 @p1 $0x1  }
0x15: {  	[smem:$0x3FA9] =	sst s0;
	s0 =	simm.s32 @!p2 $0x0  }
0x16: {  	s3 =	sld [smem:$0x3FDB];
	s0 =	simm.s32 @p2 $0x1  }
0x17: {  	s4 =	simm.s32 $0x1BF5;
	[smem:$0x3FAB] =	sst s0  }
0x18: {  	s0 =	sld [smem:$0x3F8E];
	_ =	swait.ge [sflag:s4], $0x0  }
0x19: {  	s7 =	sld [smem:$0x3F8F]  }
0x1a: {  	s8 =	sadd.s32 $0xFFFFE003, lr  }
0x1b: {  	s9 =	sadd.s32 $0xFFFFFEF7, lr;
	s5 =	simm.s32 $0xFFFFFFFF;
	p2 =	slt.u32 s8, $0xFFFFF086  }
0x1c: {  	p1 =	slt.u32 s9, $0xF7A;
	s5 =	simm.s32 @!p2 $0x0  }
0x1d: {  	s5 =	simm.s32 @p1 $0x1;
	p0 =	seq.s32 s7, s2  }
0x1e: {  	s7 =	smul.u32 @!p0 $0xF7A, s2;
	p2 =	seq.s32 @!p0 s5, $0x0  }
0x1f: {  	s9 =	smul.u32 $0xF7A, s1;
	s8 =	simm.s32 @!p0 $0x1BF5;
	p2 =	por !p2, p0  }
0x20: {  	[sflag:s8] =	ssyncset.s32 @!p0 $0xFFFFF086;
	s6 =	sadd.s32 @!p0 s3, s7;
	s7 =	simm.s32 @!p0 $0x108  }
0x21: {  	s3 =	sadd.s32 s3, s9;
	s6 =	sadd.s32 @!p0 $0x88, s6;
	s7 =	simm.s32 @p2 $0x1082  }
0x22: {  	[simem:s7], [sflag:s8] =	dma.local @!p0 [hbm:s6], $0xF7A  }
0x23: {  	s9 =	sor.u32 $0xD0000000, s2;
	s6 =	simm.s32 $0x108;
	_ =	swait.ge @!p0 [sflag:s8], $0x0  }
0x24: {  	s3 =	sadd.s32 $0x88, s3;
	s6 =	simm.s32 @!p1 $0x1082;
	[sflag:s4] =	ssyncset.s32 $0xFFFFF086  }
0x25: {  	[simem:s6], [sflag:s4] =	dma.local [hbm:s3], $0xF7A  }
0x26: {  	[smem:$0x3F8F] =	sst s1;
	(tag) =	ssettag s2;
	_ =	strace s9  }
0x27: {  	s1 =	sld [smem:$0x3F9F]  }
0x28: {  	s2 =	sld [smem:$0x3FA0]  }
0x29: {  	s4 =	sld [smem:$0x3FA2]  }
0x2a: {  	p0 =	seq.s32 s5, $0x0;
	s5 =	sld [smem:$0x3FA3]  }
0x2b: {  	s6 =	sld [smem:$0x3FA4]  }
0x2c: {  	s7 =	sld [smem:$0x3FA5]  }
0x2d: {  	s3 =	simm.s32 $0x108;
	s8 =	sld [smem:$0x3FA6]  }
0x2e: {  	s3 =	simm.s32 @!p0 $0x1082;
	s9 =	sld [smem:$0x3FA7]  }
0x2f: {  	lr =	sadd.s32 s0, s3;
	s0 =	sld [smem:$0x3F9E]  }
0x30: {  	s3 =	sld [smem:$0x3FA1]  }
0x31: {  	[smem:$0x3FAA] =	sst s10  }
0x32: {  	s10 =	sld [smem:$0x3FA8];
	_ =	sdelay $0x3  }
0x33: {  	p0 =	seq.s32 s10, $0x1;
	s10 =	sld [smem:$0x3FAA];
	_ =	sdelay $0x3  }
0x34: {  	[smem:$0x3FAA] =	sst s10  }
0x35: {  	s10 =	sld [smem:$0x3FA9];
	_ =	sdelay $0x3  }
0x36: {  	p1 =	seq.s32 s10, $0x1;
	s10 =	sld [smem:$0x3FAA];
	_ =	sdelay $0x3  }
0x37: {  	[smem:$0x3FAA] =	sst s10  }
0x38: {  	s10 =	sld [smem:$0x3FAB]  }
0x39: {  	_ = 	snop;
	(pc) =	sbr.ind lr, $3  }
0x3a: {  	_ = 	snop  }
0x3b: {  	_ = 	snop  }
0x3c: {  	p2 =	seq.s32 s10, $0x1;
	s10 =	sld [smem:$0x3FAA]  }
0x3d: {  	_ =	shalt  }
0x3e: {  	_ =	shalt  }
0x3f: {  	_ =	shalt  }
0x40: {  	_ =	shalt  }
0x41: {  	_ =	shalt  }
0x42: {  	_ =	shalt  }
0x43: {  	_ =	shalt  }
0x44: {  	_ =	shalt  }
0x45: {  	_ =	shalt  }
0x46: {  	_ =	shalt  }
0x47: {  	_ =	shalt  }
0x48: {  	_ =	shalt  }
0x49: {  	_ =	shalt  }
0x4a: {  	_ =	shalt  }
0x4b: {  	_ =	shalt  }
0x4c: {  	_ =	shalt  }
0x4d: {  	_ =	shalt  }
0x4e: {  	_ =	shalt  }
0x4f: {  	_ =	shalt  }
0x50: {  	_ =	shalt  }
0x51: {  	_ =	shalt  }
0x52: {  	_ =	shalt  }
0x53: {  	_ =	shalt  }
0x54: {  	_ =	shalt  }
0x55: {  	_ =	shalt  }
0x56: {  	_ =	shalt  }
0x57: {  	_ =	shalt  }
0x58: {  	_ =	shalt  }
0x59: {  	_ =	shalt  }
0x5a: {  	_ =	shalt  }
0x5b: {  	_ =	shalt  }
0x5c: {  	_ =	shalt  }
0x5d: {  	_ =	shalt  }
0x5e: {  	_ =	shalt  }
0x5f: {  	_ =	shalt  }
0x60: {  	_ =	shalt  }
0x61: {  	_ =	shalt  }
0x62: {  	_ =	shalt  }
0x63: {  	_ =	shalt  }
0x64: {  	_ =	shalt  }
0x65: {  	_ =	shalt  }
0x66: {  	_ =	shalt  }
0x67: {  	_ =	shalt  }
0x68: {  	_ =	shalt  }
0x69: {  	_ =	shalt  }
0x6a: {  	_ =	shalt  }
0x6b: {  	_ =	shalt  }
0x6c: {  	_ =	shalt  }
0x6d: {  	_ =	shalt  }
0x6e: {  	_ =	shalt  }
0x6f: {  	_ =	shalt  }
0x70: {  	_ =	shalt  }
0x71: {  	_ =	shalt  }
0x72: {  	_ =	shalt  }
0x73: {  	_ =	shalt  }
0x74: {  	_ =	shalt  }
0x75: {  	_ =	shalt  }
0x76: {  	_ =	shalt  }
0x77: {  	_ =	shalt  }
0x78: {  	_ =	shalt  }
0x79: {  	_ =	shalt  }
0x7a: {  	_ =	shalt  }
0x7b: {  	_ =	shalt  }
0x7c: {  	_ =	shalt  }
0x7d: {  	_ =	shalt  }
0x7e: {  	_ =	shalt  }
0x7f: {  	_ =	shalt  }
0x80: {  	_ =	shalt  }
0x81: {  	_ =	shalt  }
0x82: {  	_ =	shalt  }
0x83: {  	_ =	shalt  }
0x84: {  	_ =	shalt  }
0x85: {  	_ =	shalt  }
0x86: {  	_ =	shalt  }
0x87: {  	_ =	shalt  }
.Lfunc_end0:
.L_simem_size_0:
called_computation.1_lowered:
.L_overlay_start_0:
0x88: {  	s2 =	sld [smem:$0x3FD9]  }
0x89: {  	s3 =	sld [smem:$0x3FFE];
	_ =	sdelay $0x1  }
0x8a: {  	s1 =	srdreg.scid  }
0x8b: {  	s0 =	sand.u32 $0x1, s1  }
0x8c: {  	s17 =	sshll.u32 s0, $0xA;
	s2 =	sadd.s32 s3, s2  }
0x8d: {  	s2 =	sadd.s32 s2, s17  }
0x8e: {  	[smem:$0x3FB6] =	sst s2  }
0x8f: {  	_ = 	snop  }
0x90: {  	s2 =	sld [smem:$0x3FC1];
	(tm) =	ssettm $0x1  }
0x91: {  	s18 =	sld [smem:$0x3FFB];
	_ =	sdelay $0x3  }
0x92: {  	_ =	strace s18  }
0x93: {  	s3 =	sld [smem:$0x3FFC];
	_ =	sdelay $0x3  }
0x94: {  	_ =	strace s3  }
0x95: {  	s3 =	sld [smem:$0x3FFD];
	_ =	sdelay $0x3  }
0x96: {  	_ =	strace s3  }
0x97: {  	_ =	strace $0x8FFFFFFF  }
0x98: {  	s19 =	sld [smem:$0x3FDB];
	_ =	sdelay $0x1  }
0x99: {  	s4 =	simm.s32 $_scs_section_size  }
0x9a: {  	s5 =	simm.s32 $_size__tile_overlayer_lowered;
	s6 =	simm.s32 $_tile_overlayer_lowered  }
0x9b: {  	s22 =	simm.s32 $0x1BFF;
	s21 =	sshll.u32 s6, $0x1;
	s3 =	sadd.s32 s4, s19  }
0x9c: {  	s7 =	simm.s32 $0x0;
	s20 =	sshll.u32 s5, $0x1;
	s5 =	sadd.s32 s21, s3  }
0x9d: {  	[timem:s7], [sflag:s22] =	dma.local [hbm:s5], s20  }
0x9e: {  	_ =	swait.ge [sflag:s22], s20  }
0x9f: {  	s4 =	ssub.s32 $0x0, s20;
	[sflag:s22] =	ssyncset.done $0x0  }
0xa0: {  	[sflag:s22] =	ssyncadd.s32 s4;
	_ =	sdelay $0x1  }
0xa1: {  	s23 =	simm.s32 $0x1B8B  }
0xa2: {  	_ =	swait.ge [sflag:s23], $0x1  }
0xa3: {  	[sflag:s23] =	ssyncset.done $0x0  }
0xa4: {  	s25 =	simm.s32 $0x1B8E;
	s24 =	sld [smem:$0x3FFE];
	[sflag:s23] =	ssyncadd.s32 $0xFFFFFFFF  }
0xa5: {  	s26 =	simm.s32 $execute0_lowered;
	[smem:$0x3FD2] =	sst s25  }
0xa6: {  	s5 =	sshll.u32 s26, $0x1;
	_ =	strace $0x80000046;
	[dreg:$0x1] =	wrdreg $0xFFFFFFFF  }
0xa7: {  	s28 =	simm.s32 $_size_execute0_lowered;
	s3 =	sadd.s32 s3, s5;
	[dreg:$0x0] =	wrdreg $0x0  }
0xa8: {  	s5 =	sshll.u32 s28, $0x1;
	[dreg:$0x2] =	wrdreg s3  }
0xa9: {  	[dreg:$0x3] =	wrdreg s5  }
0xaa: {  	[dreg:$0x4] =	wrdreg $0xC0  }
0xab: {  	_ =	task [dreg:s7], $0x5FFFF  }
0xac: {  	[dreg:$0x1] =	wrdreg $0xFFFFFFFF  }
0xad: {  	[dreg:$0x0] =	wrdreg $0x60  }
0xae: {  	[dreg:$0x2] =	wrdreg s2  }
0xaf: {  	[dreg:$0x3] =	wrdreg s24  }
0xb0: {  	[dreg:$0x4] =	wrdreg $0xA  }
0xb1: {  	_ =	task.clear_ibuf [dreg:s7], $0x5FFFF;
	_ =	strace $0x90000046  }
0xb2: {  	s29 =	simm.s32 $0xA;
	_ =	strace $0x80000048  }
0xb3: {  	_ =	swait.ge [sflag:s29], $0x1  }
0xb4: {  	[sflag:s29] =	ssyncadd.s32 $0xFFFFFFFF  }
0xb5: {  	_ =	strace $0x90000048  }
0xb6: {  	_ =	sfence  }
0xb7: {  	s30 =	sld [smem:$0x0];
	_ =	sdelay $0x2  }
0xb8: {  	s31 =	sshll.u32 s1, $0xD;
	s1 =	sshrl.u32 s1, $0x2  }
0xb9: {  	s3 =	sand.u32 $0x4000, s31;
	s1 =	sadd.s32 s1, s30  }
0xba: {  	s0 =	sor.u32 s3, s0;
	s1 =	sshll.u32 s1, $0x11  }
0xbb: {  	s0 =	sor.u32 s1, s0  }
0xbc: {  	s0 =	sadd.s32 $0x8F2B, s0  }
0xbd: {  	[sflag:s0] =	ssyncadd.remote.s32 $0x1  }
0xbe: {  	_ =	sfence.sel $0xFFFF  }
0xbf: {  	[dreg:$0x0] =	wrdreg $0xFFFFFFFF;
	(pc) =	sbr.abs _section_cstart, $3  }
0xc0: {  	[dreg:$0x1] =	wrdreg $0xFFFFFFFF  }
0xc1: {  	_ =	task.clear_ibuf [dreg:s7], $0x2FFFF;
	_ =	strace $0x9FFFFFFF  }
0xc2: {  	(tm) =	ssettm $0x7FFFFFFF  }
0xc3: {  	_ =	shalt  }
tec
execute0_lowered:
.L_overlay_start_1:
0x0: {  	(tag) =	ssettag $0x1  }
0x1: {  	s1 =	rddreg [dreg:$0x0]  }
0x2: {  	s0 =	rddreg [dreg:$0x1];
	s3 =	simm.s32 $0x0;
	s2 =	srdreg.scid  }
0x3: {  	s11 =	stileid.u32;
	s28 =	simm.s32 $0x100;
	s29 =	simm.s32 $0x2  }
0x4: {  	s30 =	simm.s32 $0x4200;
	s31 =	simm.s32 $0x180;
	[smem:$0x7FF] =	sst s3  }
0x5: {  	s2 =	sand.u32 $0x1, s2;
	s4 =	sshll.u32 s11, $0xF;
	s6 =	sadd.s32 $0x2E00, s0  }
0x6: {  	s22 =	sadd.s32 $0x12E00, s0;
	s0 =	sadd.s32 $0x2E30, s0;
	s21 =	sshll.u32 s11, $0x13  }
0x7: {  	s11 =	simm.s32 $0x7;
	_ =	strace $0x80000047;
	s5 =	sshll.u32 s2, $0xE  }
0x8: {  	s7 =	ssub.s32 $0x2, s2;
	s2 =	sshll.u32 s2, $0x12;
	s4 =	sor.u32 s5, s4  }
0x9: {  	s8 =	sshrl.u32 s7, $0x1;
	s5 =	sadd.s32 s21, s22;
	s9 =	sor.u32 $0x80, s4  }
0xa: {  	s7 =	ssub.s32 s7, s8;
	s23 =	sshrl.u32 s4, $0x3;
	s2 =	sadd.s32 s2, s5  }
0xb: {  	s25 =	sshll.u32 s4, $0x4;
	s8 =	sadd.s32 s23, s0;
	[dreg:$0x3] =	wrdreg s2  }
0xc: {  	s16 =	sor.u32 $0x3F80, s4;
	s12 =	sadd.s32 s6, s23;
	[dreg:$0x7] =	wrdreg s8  }
0xd: {  	s10 =	sshrl.u32 s9, $0x3;
	s13 =	sadd.s32 s22, s25;
	[dreg:$0x4] =	wrdreg s12  }
0xe: {  	s9 =	sshll.u32 s9, $0x4;
	s7 =	smax.u32 s7, $0x1;
	[dreg:$0x8] =	wrdreg s13  }
0xf: {  	s18 =	sshrl.u32 s16, $0x3;
	s10 =	sadd.s32 s6, s10;
	[dreg:$0x14] =	wrdreg s7  }
0x10: {  	s20 =	sshll.u32 s16, $0x4;
	s24 =	sadd.s32 $0x20, s12;
	[dreg:$0x5] =	wrdreg s10  }
0x11: {  	s23 =	sor.u32 $0x200, s4;
	s26 =	sadd.s32 $0x40, s12;
	[dreg:$0x6] =	wrdreg s24  }
0x12: {  	s25 =	sor.u32 $0x400, s4;
	s8 =	sadd.s32 s22, s9;
	[dreg:$0x9] =	wrdreg s26  }
0x13: {  	s16 =	simm.s32 $0x0;
	s14 =	sadd.s32 $0x3D000, s13;
	[dreg:$0xa] =	wrdreg s8  }
0x14: {  	s17 =	sadd.s32 $0x3D800, s13;
	s19 =	sadd.s32 $0x3E000, s13;
	[dreg:$0xc] =	wrdreg s14  }
0x15: {  	s2 =	sshrl.u32 s23, $0x3;
	s7 =	simm.s32 $0xC200;
	[dreg:$0xe] =	wrdreg s17  }
0x16: {  	s10 =	sadd.s32 $0x50, s12;
	s12 =	sor.u32 $0x3F00, s4;
	[dreg:$0x10] =	wrdreg s19  }
0x17: {  	s24 =	sor.u32 $0x480, s4;
	s21 =	sadd.s32 s2, s0;
	s26 =	sshrl.u32 s25, $0x3  }
0x18: {  	s25 =	simm.s32 $0x1;
	s2 =	simm.s32 $0x8200;
	s14 =	simm.s32 $0xB  }
0x19: {  	[dreg:$0xb] =	wrdreg s10;
	s15 =	sshrl.u32 s12, $0x3;
	s8 =	sshll.u32 s12, $0x4  }
0x1a: {  	s5 =	sshrl.u32 s24, $0x3;
	s0 =	sadd.s32 s26, s6;
	s24 =	simm.s32 $0x80  }
0x1b: {  	s26 =	simm.s32 $0x200;
	s10 =	simm.s32 $0x9;
	s12 =	simm.s32 $0xA  }
0x1c: {  	s9 =	sadd.s32 s6, s15;
	s8 =	sadd.s32 s22, s8;
	[dreg:$0x15] =	wrdreg s0  }
0x1d: {  	s4 =	sadd.s32 s5, s6;
	s0 =	simm.s32 $0x3;
	[dreg:$0xd] =	wrdreg s9  }
0x1e: {  	s5 =	simm.s32 $0x5;
	s9 =	sadd.s32 s6, s18;
	[dreg:$0x11] =	wrdreg s8  }
0x1f: {  	s15 =	simm.s32 $0xC;
	s8 =	sadd.s32 s22, s20;
	[dreg:$0xf] =	wrdreg s9  }
0x20: {  	s22 =	sadd.s32 $0x3E800, s13;
	s6 =	simm.s32 $0x4;
	[dreg:$0x12] =	wrdreg s8  }
0x21: {  	s13 =	simm.s32 $0x8;
	[dreg:$0x13] =	wrdreg s22;
	s9 =	simm.s32 $0x6  }
.LBB2_1:
0x22: {  	s8 =	rddreg [dreg:$0x4]  }
0x23: {  	[tilespmem:s3], [sflag:$0x1] =	stream.linear.gather [hbm4b:s8+s3], $0x80, $0x38;
	[tilespmem:$0x10200] =	vst v63  }
0x24: {  	s18 =	rddreg [dreg:$0x5]  }
0x25: {  	[tilespmem:s24], [sflag:$0x2] =	stream.linear.gather [hbm4b:s18+s3], $0x80, $0x38;
	[tilespmem:$0x10200] =	vst v63  }
0x26: {  	_ =	swait.ge [sflag:s25], $0x80  }
0x27: {  	[sflag:s25] =	ssyncset.done $0x0  }
0x28: {  	[sflag:s25] =	ssyncadd.s32 $0xFFFFFF80  }
0x29: {  	[tilespmem:s26], [sflag:$0x5] =	stream.indirect.gather [hbm4b:s1+s24], $0x80, s3, s24, $0xb8;
	[tilespmem:$0x10200] =	vst v63  }
0x2a: {  	s19 =	rddreg [dreg:$0x6]  }
0x2b: {  	[tilespmem:s28], [sflag:$0x3] =	stream.linear.gather [hbm4b:s19+s3], $0x80, $0x38;
	[tilespmem:$0x10200] =	vst v63  }
0x2c: {  	_ =	swait.ge [sflag:s29], $0x80  }
0x2d: {  	[sflag:s29] =	ssyncset.done $0x0  }
0x2e: {  	[sflag:s29] =	ssyncadd.s32 $0xFFFFFF80  }
0x2f: {  	[tilespmem:s30], [sflag:$0x6] =	stream.indirect.gather [hbm4b:s1+s24], $0x80, s24, s24, $0xb8;
	[tilespmem:$0x10200] =	vst v63  }
0x30: {  	s20 =	rddreg [dreg:$0x7]  }
0x31: {  	[tilespmem:s31], [sflag:$0x4] =	stream.linear.gather [hbm4b:s20+s3], $0x80, $0x38;
	[tilespmem:$0x10200] =	vst v63  }
0x32: {  	_ =	swait.ge [sflag:s0], $0x80  }
0x33: {  	[sflag:s0] =	ssyncset.done $0x0  }
0x34: {  	[sflag:s0] =	ssyncadd.s32 $0xFFFFFF80  }
0x35: {  	[tilespmem:s2], [sflag:$0x7] =	stream.indirect.gather [hbm4b:s1+s24], $0x80, s28, s24, $0xb8;
	[tilespmem:$0x10200] =	vst v63  }
0x36: {  	_ =	swait.ge [sflag:s5], $0x4000  }
0x37: {  	[sflag:s5] =	ssyncset.done $0x0  }
0x38: {  	s22 =	rddreg [dreg:$0x8];
	[sflag:s5] =	ssyncadd.s32 $0xFFFFC000  }
0x39: {  	[hbm4b:s22+s3] =	stream.linear.scatter [tilespmem:s26], [sflag:$0x9], $0x4000, $0x38;
	[tilespmem:$0x10200] =	vst v63  }
0x3a: {  	s23 =	rddreg [dreg:$0x9]  }
0x3b: {  	[tilespmem:s3], [sflag:$0x1] =	stream.linear.gather [hbm4b:s23+s3], $0x80, $0x38;
	[tilespmem:$0x10200] =	vst v63  }
0x3c: {  	_ =	swait.ge [sflag:s6], $0x80  }
0x3d: {  	[sflag:s6] =	ssyncset.done $0x0  }
0x3e: {  	[sflag:s6] =	ssyncadd.s32 $0xFFFFFF80  }
0x3f: {  	[tilespmem:s7], [sflag:$0x8] =	stream.indirect.gather [hbm4b:s1+s24], $0x80, s31, s24, $0xb8;
	[tilespmem:$0x10200] =	vst v63  }
0x40: {  	_ =	swait.ge [sflag:s9], $0x4000  }
0x41: {  	[sflag:s9] =	ssyncset.done $0x0  }
0x42: {  	s17 =	rddreg [dreg:$0xa];
	[sflag:s9] =	ssyncadd.s32 $0xFFFFC000  }
0x43: {  	[hbm4b:s17+s3] =	stream.linear.scatter [tilespmem:s30], [sflag:$0xA], $0x4000, $0x38;
	[tilespmem:$0x10200] =	vst v63  }
0x44: {  	s18 =	rddreg [dreg:$0xb]  }
0x45: {  	[tilespmem:s24], [sflag:$0x2] =	stream.linear.gather [hbm4b:s18+s3], $0x80, $0x38;
	[tilespmem:$0x10200] =	vst v63  }
0x46: {  	_ =	swait.ge [sflag:s10], $0x4000  }
0x47: {  	[sflag:s10] =	ssyncset.done $0x0  }
0x48: {  	[sflag:s10] =	ssyncadd.s32 $0xFFFFC000  }
0x49: {  	_ =	swait.ge [sflag:s25], $0x80  }
0x4a: {  	[sflag:s25] =	ssyncset.done $0x0  }
0x4b: {  	[sflag:s25] =	ssyncadd.s32 $0xFFFFFF80  }
0x4c: {  	[tilespmem:s26], [sflag:$0x5] =	stream.indirect.gather [hbm4b:s1+s24], $0x80, s3, s24, $0xb8;
	[tilespmem:$0x10200] =	vst v63  }
0x4d: {  	_ =	swait.ge [sflag:s11], $0x4000  }
0x4e: {  	s19 =	rddreg [dreg:$0x3]  }
0x4f: {  	[sflag:s11] =	ssyncset.done $0x0;
	s8 =	sadd.s32 $0x0, s19  }
0x50: {  	[sflag:s11] =	ssyncadd.s32 $0xFFFFC000;
	s17 =	sadd.s32 $0x1000, s8  }
0x51: {  	[hbm4b:s17+s3] =	stream.linear.scatter [tilespmem:s2], [sflag:$0xB], $0x4000, $0x38;
	[tilespmem:$0x10200] =	vst v63  }
0x52: {  	s20 =	sadd.s32 $0xFFFFFFF0, s21  }
0x53: {  	[tilespmem:s28], [sflag:$0x3] =	stream.linear.gather [hbm4b:s20+s3], $0x80, $0x38;
	[tilespmem:$0x10200] =	vst v63  }
0x54: {  	_ =	swait.ge [sflag:s12], $0x4000  }
0x55: {  	[sflag:s12] =	ssyncset.done $0x0  }
0x56: {  	[sflag:s12] =	ssyncadd.s32 $0xFFFFC000  }
0x57: {  	_ =	swait.ge [sflag:s29], $0x80  }
0x58: {  	[sflag:s29] =	ssyncset.done $0x0  }
0x59: {  	[sflag:s29] =	ssyncadd.s32 $0xFFFFFF80  }
0x5a: {  	[tilespmem:s30], [sflag:$0x6] =	stream.indirect.gather [hbm4b:s1+s24], $0x80, s24, s24, $0xb8;
	[tilespmem:$0x10200] =	vst v63  }
0x5b: {  	_ =	swait.ge [sflag:s13], $0x4000  }
0x5c: {  	[sflag:s13] =	ssyncset.done $0x0  }
0x5d: {  	s22 =	sadd.s32 $0x1800, s8;
	[sflag:s13] =	ssyncadd.s32 $0xFFFFC000  }
0x5e: {  	[hbm4b:s22+s3] =	stream.linear.scatter [tilespmem:s7], [sflag:$0xC], $0x4000, $0x38;
	[tilespmem:$0x10200] =	vst v63  }
0x5f: {  	_ = 	snop  }
0x60: {  	[tilespmem:s31], [sflag:$0x4] =	stream.linear.gather [hbm4b:s21+s3], $0x80, $0x38;
	[tilespmem:$0x10200] =	vst v63  }
0x61: {  	_ =	swait.ge [sflag:s14], $0x4000  }
0x62: {  	[sflag:s14] =	ssyncset.done $0x0  }
0x63: {  	[sflag:s14] =	ssyncadd.s32 $0xFFFFC000  }
0x64: {  	_ =	swait.ge [sflag:s0], $0x80  }
0x65: {  	[sflag:s0] =	ssyncset.done $0x0  }
0x66: {  	[sflag:s0] =	ssyncadd.s32 $0xFFFFFF80  }
0x67: {  	[tilespmem:s2], [sflag:$0x7] =	stream.indirect.gather [hbm4b:s1+s24], $0x80, s28, s24, $0xb8;
	[tilespmem:$0x10200] =	vst v63  }
0x68: {  	_ =	swait.ge [sflag:s5], $0x4000  }
0x69: {  	[sflag:s5] =	ssyncset.done $0x0  }
0x6a: {  	s23 =	sadd.s32 $0x2000, s8;
	[sflag:s5] =	ssyncadd.s32 $0xFFFFC000  }
0x6b: {  	[hbm4b:s23+s3] =	stream.linear.scatter [tilespmem:s26], [sflag:$0x9], $0x4000, $0x38;
	[tilespmem:$0x10200] =	vst v63  }
0x6c: {  	s20 =	rddreg [dreg:$0x15]  }
0x6d: {  	[tilespmem:s3], [sflag:$0x1] =	stream.linear.gather [hbm4b:s20+s3], $0x80, $0x38;
	[tilespmem:$0x10200] =	vst v63  }
0x6e: {  	_ =	swait.ge [sflag:s15], $0x4000  }
0x6f: {  	[sflag:s15] =	ssyncset.done $0x0  }
0x70: {  	[sflag:s15] =	ssyncadd.s32 $0xFFFFC000  }
0x71: {  	_ =	swait.ge [sflag:s6], $0x80  }
0x72: {  	[sflag:s6] =	ssyncset.done $0x0  }
0x73: {  	[sflag:s6] =	ssyncadd.s32 $0xFFFFFF80  }
0x74: {  	[tilespmem:s7], [sflag:$0x8] =	stream.indirect.gather [hbm4b:s1+s24], $0x80, s31, s24, $0xb8;
	[tilespmem:$0x10200] =	vst v63  }
0x75: {  	s18 =	sadd.s32 $0x40, s21;
	s19 =	sadd.s32 $0x40, s4;
	_ =	swait.ge [sflag:s9], $0x4000  }
0x76: {  	s8 =	sadd.s32 $0x2800, s8;
	s17 =	simm.s32 $0x2000;
	[sflag:s9] =	ssyncset.done $0x0  }
0x77: {  	s22 =	smov.u32 s4;
	s20 =	sadd.s32 $0x40, s20;
	[sflag:s9] =	ssyncadd.s32 $0xFFFFC000  }
0x78: {  	[hbm4b:s8+s3] =	stream.linear.scatter [tilespmem:s30], [sflag:$0xA], $0x4000, $0x38;
	[tilespmem:$0x10200] =	vst v63  }
.LBB2_2:
0x79: {  	[tilespmem:s24], [sflag:$0x2] =	stream.linear.gather [hbm4b:s22+s3], $0x80, $0x38;
	[tilespmem:$0x10200] =	vst v63  }
0x7a: {  	_ =	swait.ge [sflag:s10], $0x4000  }
0x7b: {  	[sflag:s10] =	ssyncset.done $0x0  }
0x7c: {  	[sflag:s10] =	ssyncadd.s32 $0xFFFFC000  }
0x7d: {  	_ =	swait.ge [sflag:s25], $0x80  }
0x7e: {  	[sflag:s25] =	ssyncset.done $0x0  }
0x7f: {  	[sflag:s25] =	ssyncadd.s32 $0xFFFFFF80  }
0x80: {  	[tilespmem:s26], [sflag:$0x5] =	stream.indirect.gather [hbm4b:s1+s24], $0x80, s3, s24, $0xb8;
	[tilespmem:$0x10200] =	vst v63  }
0x81: {  	_ =	swait.ge [sflag:s11], $0x4000  }
0x82: {  	s8 =	smov.u32 s17;
	s23 =	rddreg [dreg:$0x3]  }
0x83: {  	[sflag:s11] =	ssyncset.done $0x0;
	s8 =	sadd.s32 s8, s23  }
0x84: {  	[sflag:s11] =	ssyncadd.s32 $0xFFFFC000;
	s23 =	sadd.s32 $0x1000, s8  }
0x85: {  	[hbm4b:s23+s3] =	stream.linear.scatter [tilespmem:s2], [sflag:$0xB], $0x4000, $0x38;
	[tilespmem:$0x10200] =	vst v63  }
0x86: {  	s23 =	sadd.s32 $0xFFFFFFF0, s18  }
0x87: {  	[tilespmem:s28], [sflag:$0x3] =	stream.linear.gather [hbm4b:s23+s3], $0x80, $0x38;
	[tilespmem:$0x10200] =	vst v63  }
0x88: {  	_ =	swait.ge [sflag:s12], $0x4000  }
0x89: {  	[sflag:s12] =	ssyncset.done $0x0  }
0x8a: {  	[sflag:s12] =	ssyncadd.s32 $0xFFFFC000  }
0x8b: {  	_ =	swait.ge [sflag:s29], $0x80  }
0x8c: {  	[sflag:s29] =	ssyncset.done $0x0  }
0x8d: {  	[sflag:s29] =	ssyncadd.s32 $0xFFFFFF80  }
0x8e: {  	[tilespmem:s30], [sflag:$0x6] =	stream.indirect.gather [hbm4b:s1+s24], $0x80, s24, s24, $0xb8;
	[tilespmem:$0x10200] =	vst v63  }
0x8f: {  	_ =	swait.ge [sflag:s13], $0x4000  }
0x90: {  	[sflag:s13] =	ssyncset.done $0x0  }
0x91: {  	s23 =	sadd.s32 $0x1800, s8;
	[sflag:s13] =	ssyncadd.s32 $0xFFFFC000  }
0x92: {  	[hbm4b:s23+s3] =	stream.linear.scatter [tilespmem:s7], [sflag:$0xC], $0x4000, $0x38;
	[tilespmem:$0x10200] =	vst v63  }
0x93: {  	_ = 	snop  }
0x94: {  	[tilespmem:s31], [sflag:$0x4] =	stream.linear.gather [hbm4b:s18+s3], $0x80, $0x38;
	[tilespmem:$0x10200] =	vst v63  }
0x95: {  	_ =	swait.ge [sflag:s14], $0x4000  }
0x96: {  	[sflag:s14] =	ssyncset.done $0x0  }
0x97: {  	[sflag:s14] =	ssyncadd.s32 $0xFFFFC000  }
0x98: {  	_ =	swait.ge [sflag:s0], $0x80  }
0x99: {  	[sflag:s0] =	ssyncset.done $0x0  }
0x9a: {  	[sflag:s0] =	ssyncadd.s32 $0xFFFFFF80  }
0x9b: {  	[tilespmem:s2], [sflag:$0x7] =	stream.indirect.gather [hbm4b:s1+s24], $0x80, s28, s24, $0xb8;
	[tilespmem:$0x10200] =	vst v63  }
0x9c: {  	_ =	swait.ge [sflag:s5], $0x4000  }
0x9d: {  	[sflag:s5] =	ssyncset.done $0x0  }
0x9e: {  	s23 =	sadd.s32 $0x2000, s8;
	[sflag:s5] =	ssyncadd.s32 $0xFFFFC000  }
0x9f: {  	[hbm4b:s23+s3] =	stream.linear.scatter [tilespmem:s26], [sflag:$0x9], $0x4000, $0x38;
	[tilespmem:$0x10200] =	vst v63  }
0xa0: {  	_ = 	snop  }
0xa1: {  	[tilespmem:s3], [sflag:$0x1] =	stream.linear.gather [hbm4b:s20+s3], $0x80, $0x38;
	[tilespmem:$0x10200] =	vst v63  }
0xa2: {  	_ =	swait.ge [sflag:s15], $0x4000  }
0xa3: {  	[sflag:s15] =	ssyncset.done $0x0  }
0xa4: {  	[sflag:s15] =	ssyncadd.s32 $0xFFFFC000  }
0xa5: {  	_ =	swait.ge [sflag:s6], $0x80  }
0xa6: {  	[sflag:s6] =	ssyncset.done $0x0  }
0xa7: {  	p0 =	sne.s32 s17, $0x3A000;
	[sflag:s6] =	ssyncadd.s32 $0xFFFFFF80  }
0xa8: {  	[tilespmem:s7], [sflag:$0x8] =	stream.indirect.gather [hbm4b:s1+s24], $0x80, s31, s24, $0xb8;
	[tilespmem:$0x10200] =	vst v63  }
.Ltmp0:
0xa9: {  	_ = 	snop;
	(pc) =	sbr.rel @p0 .LBB2_2-.Ltmp0, $4  }
0xaa: {  	s22 =	smov.u32 s19;
	s17 =	sadd.s32 $0x2000, s17;
	_ =	swait.ge [sflag:s9], $0x4000  }
0xab: {  	s19 =	sadd.s32 $0x40, s19;
	s8 =	sadd.s32 $0x2800, s8;
	[sflag:s9] =	ssyncset.done $0x0  }
0xac: {  	s18 =	sadd.s32 $0x40, s18;
	s20 =	sadd.s32 $0x40, s20;
	[sflag:s9] =	ssyncadd.s32 $0xFFFFC000  }
0xad: {  	[hbm4b:s8+s3] =	stream.linear.scatter [tilespmem:s30], [sflag:$0xA], $0x4000, $0x38;
	[tilespmem:$0x10200] =	vst v63  }
0xae: {  	[tilespmem:s24], [sflag:$0x2] =	stream.linear.gather [hbm4b:s22+s3], $0x80, $0x38;
	[tilespmem:$0x10200] =	vst v63  }
0xaf: {  	_ =	swait.ge [sflag:s10], $0x4000  }
0xb0: {  	[sflag:s10] =	ssyncset.done $0x0  }
0xb1: {  	[sflag:s10] =	ssyncadd.s32 $0xFFFFC000  }
0xb2: {  	_ =	swait.ge [sflag:s25], $0x80  }
0xb3: {  	[sflag:s25] =	ssyncset.done $0x0  }
0xb4: {  	[sflag:s25] =	ssyncadd.s32 $0xFFFFFF80  }
0xb5: {  	[tilespmem:s26], [sflag:$0x5] =	stream.indirect.gather [hbm4b:s1+s24], $0x80, s3, s24, $0xb8;
	[tilespmem:$0x10200] =	vst v63  }
0xb6: {  	_ =	swait.ge [sflag:s11], $0x4000  }
0xb7: {  	[sflag:s11] =	ssyncset.done $0x0  }
0xb8: {  	s8 =	rddreg [dreg:$0xc];
	[sflag:s11] =	ssyncadd.s32 $0xFFFFC000  }
0xb9: {  	[hbm4b:s8+s3] =	stream.linear.scatter [tilespmem:s2], [sflag:$0xB], $0x4000, $0x38;
	[tilespmem:$0x10200] =	vst v63  }
0xba: {  	s22 =	rddreg [dreg:$0xd]  }
0xbb: {  	[tilespmem:s28], [sflag:$0x3] =	stream.linear.gather [hbm4b:s22+s3], $0x80, $0x38;
	[tilespmem:$0x10200] =	vst v63  }
0xbc: {  	_ =	swait.ge [sflag:s12], $0x4000  }
0xbd: {  	[sflag:s12] =	ssyncset.done $0x0  }
0xbe: {  	[sflag:s12] =	ssyncadd.s32 $0xFFFFC000  }
0xbf: {  	_ =	swait.ge [sflag:s29], $0x80  }
0xc0: {  	[sflag:s29] =	ssyncset.done $0x0  }
0xc1: {  	[sflag:s29] =	ssyncadd.s32 $0xFFFFFF80  }
0xc2: {  	[tilespmem:s30], [sflag:$0x6] =	stream.indirect.gather [hbm4b:s1+s24], $0x80, s24, s24, $0xb8;
	[tilespmem:$0x10200] =	vst v63  }
0xc3: {  	_ =	swait.ge [sflag:s13], $0x4000  }
0xc4: {  	[sflag:s13] =	ssyncset.done $0x0  }
0xc5: {  	s23 =	rddreg [dreg:$0xe];
	[sflag:s13] =	ssyncadd.s32 $0xFFFFC000  }
0xc6: {  	[hbm4b:s23+s3] =	stream.linear.scatter [tilespmem:s7], [sflag:$0xC], $0x4000, $0x38;
	[tilespmem:$0x10200] =	vst v63  }
0xc7: {  	s17 =	rddreg [dreg:$0xf]  }
0xc8: {  	[tilespmem:s31], [sflag:$0x4] =	stream.linear.gather [hbm4b:s17+s3], $0x80, $0x38;
	[tilespmem:$0x10200] =	vst v63  }
0xc9: {  	_ =	swait.ge [sflag:s14], $0x4000  }
0xca: {  	[sflag:s14] =	ssyncset.done $0x0  }
0xcb: {  	[sflag:s14] =	ssyncadd.s32 $0xFFFFC000  }
0xcc: {  	_ =	swait.ge [sflag:s0], $0x80  }
0xcd: {  	[sflag:s0] =	ssyncset.done $0x0  }
0xce: {  	[sflag:s0] =	ssyncadd.s32 $0xFFFFFF80  }
0xcf: {  	[tilespmem:s2], [sflag:$0x7] =	stream.indirect.gather [hbm4b:s1+s24], $0x80, s28, s24, $0xb8;
	[tilespmem:$0x10200] =	vst v63  }
0xd0: {  	_ =	swait.ge [sflag:s5], $0x4000  }
0xd1: {  	[sflag:s5] =	ssyncset.done $0x0  }
0xd2: {  	s18 =	rddreg [dreg:$0x10];
	[sflag:s5] =	ssyncadd.s32 $0xFFFFC000  }
0xd3: {  	[hbm4b:s18+s3] =	stream.linear.scatter [tilespmem:s26], [sflag:$0x9], $0x4000, $0x38;
	[tilespmem:$0x10200] =	vst v63  }
0xd4: {  	_ =	swait.ge [sflag:s15], $0x4000  }
0xd5: {  	[sflag:s15] =	ssyncset.done $0x0  }
0xd6: {  	[sflag:s15] =	ssyncadd.s32 $0xFFFFC000  }
0xd7: {  	_ =	swait.ge [sflag:s6], $0x80  }
0xd8: {  	[sflag:s6] =	ssyncset.done $0x0  }
0xd9: {  	[sflag:s6] =	ssyncadd.s32 $0xFFFFFF80  }
0xda: {  	[tilespmem:s7], [sflag:$0x8] =	stream.indirect.gather [hbm4b:s1+s24], $0x80, s31, s24, $0xb8;
	[tilespmem:$0x10200] =	vst v63  }
0xdb: {  	_ =	swait.ge [sflag:s9], $0x4000  }
0xdc: {  	[sflag:s9] =	ssyncset.done $0x0  }
0xdd: {  	s19 =	rddreg [dreg:$0x13];
	[sflag:s9] =	ssyncadd.s32 $0xFFFFC000  }
0xde: {  	[hbm4b:s19+s3] =	stream.linear.scatter [tilespmem:s30], [sflag:$0xA], $0x4000, $0x38;
	[tilespmem:$0x10200] =	vst v63  }
0xdf: {  	_ =	swait.ge [sflag:s11], $0x4000  }
0xe0: {  	[sflag:s11] =	ssyncset.done $0x0  }
0xe1: {  	s20 =	rddreg [dreg:$0x11];
	[sflag:s11] =	ssyncadd.s32 $0xFFFFC000  }
0xe2: {  	[hbm4b:s20+s3] =	stream.linear.scatter [tilespmem:s2], [sflag:$0xB], $0x4000, $0x38;
	[tilespmem:$0x10200] =	vst v63  }
0xe3: {  	_ =	swait.ge [sflag:s13], $0x4000  }
0xe4: {  	[sflag:s13] =	ssyncset.done $0x0  }
0xe5: {  	s22 =	rddreg [dreg:$0x12];
	[sflag:s13] =	ssyncadd.s32 $0xFFFFC000  }
0xe6: {  	[hbm4b:s22+s3] =	stream.linear.scatter [tilespmem:s7], [sflag:$0xC], $0x4000, $0x38;
	[tilespmem:$0x10200] =	vst v63  }
0xe7: {  	_ =	swait.ge [sflag:s10], $0x4000  }
0xe8: {  	[sflag:s10] =	ssyncset.done $0x0  }
0xe9: {  	[sflag:s10] =	ssyncadd.s32 $0xFFFFC000  }
0xea: {  	_ =	swait.ge [sflag:s12], $0x4000  }
0xeb: {  	[sflag:s12] =	ssyncset.done $0x0  }
0xec: {  	[sflag:s12] =	ssyncadd.s32 $0xFFFFC000  }
0xed: {  	_ =	swait.ge [sflag:s14], $0x4000  }
0xee: {  	[sflag:s14] =	ssyncset.done $0x0  }
0xef: {  	[sflag:s14] =	ssyncadd.s32 $0xFFFFC000  }
0xf0: {  	_ =	swait.ge [sflag:s15], $0x4000  }
0xf1: {  	s16 =	sadd.s32 $0x1, s16;
	s23 =	rddreg [dreg:$0x14]  }
0xf2: {  	p0 =	sne.s32 s16, s23  }
.Ltmp1:
0xf3: {  	_ = 	snop;
	(pc) =	sbr.rel @p0 .LBB2_1-.Ltmp1, $3  }
0xf4: {  	_ =	sdelay $0x1  }
0xf5: {  	[sflag:s15] =	ssyncset.done $0x0  }
0xf6: {  	[sflag:s15] =	ssyncadd.s32 $0xFFFFC000  }
0xf7: {  	_ =	sfence.sel $0x180000  }
0xf8: {  	[bflag:$0x0] =	sbarrier.arrive $0xFFFF  }
0xf9: {  	_ =	strace $0x90000047  }
0xfa: {  	s0 =	stileid.u32;
	[bflag:$0x2] =	sbarrier.arrive $0xFFFF  }
0xfb: {  	p0 =	sne.s32 s0, $0x0;
	s0 =	rddreg [dreg:$0x2]  }
0xfc: {  	s0 =	sadd.s32 @!p0 $0x100000, s0  }
0xfd: {  	[sflag:s0] =	ssyncadd.tile.s32 @!p0 $0x1;
	_ =	shalt  }
.Lfunc_end2:
_tile_overlayer_lowered:
.L_overlay_start_2:
0xfe: {  	(tag) =	ssettag $0x2  }
0xff: {  	s0 =	rddreg [dreg:$0x0];
	s2 =	stileid.u32  }
0x100: {  	s1 =	rddreg [dreg:$0x1];
	p0 =	sne.s32 s2, $0x0  }
0x101: {  	s3 =	rddreg [dreg:$0x2];
	[bflag:$0x3] =	sbarrier.arrive $0xFFFF;
	s2 =	simm.s32 @!p0 $0x1C0D  }
0x102: {  	[timem:s3], [sflag:s2] =	dma.local @!p0 [hbm:s0], s1  }
0x103: {  	s0 =	simm.s32 @!p0 $0xD  }
0x104: {  	_ =	swait.ge @!p0 [sflag:s0], s1  }
0x105: {  	s1 =	ssub.s32 @!p0 $0x0, s1;
	[sflag:s0] =	ssyncset.done @!p0 $0x0  }
0x106: {  	[sflag:s0] =	ssyncadd.s32 @!p0 s1  }
0x107: {  	[bflag:$0x3] =	sbarrier.arrive $0xFFFF  }
0x108: {  	_ =	shalt  }

</sc_bundles>
